<compile_context>
chip_gen: v7x
topology: tpu7x:2x2x1
jax: 0.10.2.dev20260603
libtpu: 0.0.44.dev20260713+nightly
codegen_flags: <defaults>
</compile_context>

<pallas_src>
import functools

import jax
import jax.numpy as jnp
from jax import lax
from jax.experimental import pallas as pl
from jax.experimental.pallas import tpu as pltpu
from jax.experimental.pallas import tpu_sc as plsc

N_NODES = 10000
N_EDGES = 320000
IN_DIM = 128
HID_DIM = 256
OUT_DIM = 64

NC = 2
NS = 16
NW = NC * NS
K = 128
EPW = N_EDGES // NW
CH = 80
CH_IDX = CH
EPW_PAD = CH_IDX * K
NR = 10112
STRIPE = NR // NS
DEG_W = 4


TOT_CH = N_EDGES // K
FW = 64
CH1 = 2 * CH
NB = 2


def _pass1_kernel():
    mesh = plsc.VectorSubcoreMesh(core_axis_name="c", subcore_axis_name="s")

    @functools.partial(
        pl.kernel,
        out_type=jax.ShapeDtypeStruct((NC, N_NODES, FW), jnp.float32),
        mesh=mesh,
        compiler_params=pltpu.CompilerParams(use_tc_tiling_on_sc=False),
        scratch_types=[
            pltpu.VMEM((CH1, K), jnp.int32),
            pltpu.VMEM((CH1, K), jnp.int32),
            pltpu.VMEM((NB, K, FW), jnp.float32),
            pltpu.VMEM_SHARED((NR, FW), jnp.float32),
            pltpu.SemaphoreType.DMA,
            pltpu.SemaphoreType.DMA,
            pltpu.SemaphoreType.DMA,
            pltpu.SemaphoreType.DMA,
            pltpu.SemaphoreType.DMA,
            pltpu.SemaphoreType.DMA,
            pltpu.SemaphoreType.DMA,
            pltpu.SemaphoreType.DMA,
        ],
    )
    def k(table_hbm, srcp_hbm, dstp_hbm, out_hbm, src_v, dst_v, rows_v, acc,
          *sems):
        cid = lax.axis_index("c")
        sid = lax.axis_index("s")

        pltpu.sync_copy(srcp_hbm.at[sid], src_v)
        pltpu.sync_copy(dstp_hbm.at[sid], dst_v)

        z = jnp.zeros((16,), jnp.float32)

        def zrow(i, _):
            for c in range(FW // 16):
                rows_v[0, i, pl.ds(c * 16, 16)] = z
            return 0

        lax.fori_loop(0, K, zrow, 0)
        base = sid * STRIPE
        gsems = sems[:NB]
        ssems = sems[NB:2 * NB]
        last = N_NODES - (NS - 1) * STRIPE

        n_full = STRIPE // K
        for t in range(n_full):
            pltpu.sync_copy(rows_v.at[0], acc.at[pl.ds(base + t * K, K)])
        rem = STRIPE - n_full * K
        if rem:
            pltpu.sync_copy(rows_v.at[0, pl.ds(0, rem)],
                            acc.at[pl.ds(base + n_full * K, rem)])
        plsc.subcore_barrier()

        tab = table_hbm.at[cid]
        for b in range(NB):
            pltpu.async_copy(tab.at[src_v.at[b]], rows_v.at[b], gsems[b])
        for b in range(NB):
            pltpu.make_async_copy(
                tab.at[src_v.at[b]], rows_v.at[b], gsems[b]).wait()
            pltpu.async_copy(rows_v.at[b], acc.at[dst_v.at[b]], ssems[b],
                             add=True)

        def body(i, _):
            for b in range(NB):
                j = NB * i + b
                pltpu.make_async_copy(
                    rows_v.at[b], acc.at[dst_v.at[j - NB]], ssems[b]).wait()
                pltpu.async_copy(tab.at[src_v.at[j]], rows_v.at[b], gsems[b])
            for b in range(NB):
                j = NB * i + b
                pltpu.make_async_copy(
                    tab.at[src_v.at[j]], rows_v.at[b], gsems[b]).wait()
                pltpu.async_copy(rows_v.at[b], acc.at[dst_v.at[j]], ssems[b],
                                 add=True)
            return 0

        lax.fori_loop(1, CH1 // NB, body, 0)
        for b in range(NB):
            pltpu.make_async_copy(
                rows_v.at[b], acc.at[dst_v.at[CH1 - NB + b]], ssems[b]).wait()
        plsc.subcore_barrier()

        @pl.when(sid < NS - 1)
        def _():
            pltpu.sync_copy(acc.at[pl.ds(base, STRIPE)],
                            out_hbm.at[cid, pl.ds(base, STRIPE)])

        @pl.when(sid == NS - 1)
        def _():
            pltpu.sync_copy(acc.at[pl.ds((NS - 1) * STRIPE, last)],
                            out_hbm.at[cid, pl.ds((NS - 1) * STRIPE, last)])

    return k


def _scatter_add_kernel(nph):
    mesh = plsc.VectorSubcoreMesh(core_axis_name="c", subcore_axis_name="s")

    @functools.partial(
        pl.kernel,
        out_type=jax.ShapeDtypeStruct((NC, nph, N_NODES, FW), jnp.float32),
        mesh=mesh,
        compiler_params=pltpu.CompilerParams(use_tc_tiling_on_sc=False),
        scratch_types=[
            pltpu.VMEM((CH_IDX, K), jnp.int32),
            pltpu.VMEM((CH_IDX, K), jnp.int32),
            pltpu.VMEM((NB, K, FW), jnp.float32),
            pltpu.VMEM_SHARED((NR, FW), jnp.float32),
            pltpu.SemaphoreType.DMA,
            pltpu.SemaphoreType.DMA,
            pltpu.SemaphoreType.DMA,
            pltpu.SemaphoreType.DMA,
            pltpu.SemaphoreType.DMA,
            pltpu.SemaphoreType.DMA,
            pltpu.SemaphoreType.DMA,
            pltpu.SemaphoreType.DMA,
        ],
    )
    def k(table_hbm, srcp_hbm, dstp_hbm, out_hbm, src_v, dst_v, rows_v, acc,
          *sems):
        cid = lax.axis_index("c")
        sid = lax.axis_index("s")
        wid = cid * NS + sid

        pltpu.sync_copy(srcp_hbm.at[wid], src_v)
        pltpu.sync_copy(dstp_hbm.at[wid], dst_v)

        z = jnp.zeros((16,), jnp.float32)

        def zrow(i, _):
            for c in range(FW // 16):
                rows_v[0, i, pl.ds(c * 16, 16)] = z
            return 0

        lax.fori_loop(0, K, zrow, 0)
        base = sid * STRIPE
        gsems = sems[:NB]
        ssems = sems[NB:2 * NB]
        last = N_NODES - (NS - 1) * STRIPE

        for ph in range(nph):
            if ph:
                lax.fori_loop(0, K, zrow, 0)
            n_full = STRIPE // K
            for t in range(n_full):
                pltpu.sync_copy(rows_v.at[0], acc.at[pl.ds(base + t * K, K)])
            rem = STRIPE - n_full * K
            if rem:
                pltpu.sync_copy(rows_v.at[0, pl.ds(0, rem)],
                                acc.at[pl.ds(base + n_full * K, rem)])
            plsc.subcore_barrier()

            tab = table_hbm.at[ph]
            for b in range(NB):
                pltpu.async_copy(tab.at[src_v.at[b]], rows_v.at[b], gsems[b])
            for b in range(NB):
                pltpu.make_async_copy(
                    tab.at[src_v.at[b]], rows_v.at[b], gsems[b]).wait()
                pltpu.async_copy(rows_v.at[b], acc.at[dst_v.at[b]], ssems[b],
                                 add=True)

            def body(i, _):
                for b in range(NB):
                    j = NB * i + b
                    pltpu.make_async_copy(
                        rows_v.at[b], acc.at[dst_v.at[j - NB]],
                        ssems[b]).wait()
                    pltpu.async_copy(tab.at[src_v.at[j]], rows_v.at[b],
                                     gsems[b])
                for b in range(NB):
                    j = NB * i + b
                    pltpu.make_async_copy(
                        tab.at[src_v.at[j]], rows_v.at[b], gsems[b]).wait()
                    pltpu.async_copy(rows_v.at[b], acc.at[dst_v.at[j]],
                                     ssems[b], add=True)
                return 0

            lax.fori_loop(1, CH // NB, body, 0)
            for b in range(NB):
                pltpu.make_async_copy(
                    rows_v.at[b], acc.at[dst_v.at[CH - NB + b]],
                    ssems[b]).wait()
            plsc.subcore_barrier()

            @pl.when(sid < NS - 1)
            def _():
                pltpu.sync_copy(acc.at[pl.ds(base, STRIPE)],
                                out_hbm.at[cid, ph, pl.ds(base, STRIPE)])

            @pl.when(sid == NS - 1)
            def _():
                pltpu.sync_copy(
                    acc.at[pl.ds((NS - 1) * STRIPE, last)],
                    out_hbm.at[cid, ph, pl.ds((NS - 1) * STRIPE, last)])

            if ph + 1 < nph:
                plsc.subcore_barrier()

    return k


def _deg_kernel():
    mesh = plsc.VectorSubcoreMesh(core_axis_name="c", subcore_axis_name="s")

    @functools.partial(
        pl.kernel,
        out_type=jax.ShapeDtypeStruct((NC, N_NODES, DEG_W), jnp.float32),
        mesh=mesh,
        compiler_params=pltpu.CompilerParams(use_tc_tiling_on_sc=False),
        scratch_types=[
            pltpu.VMEM((TOT_CH // NW + 1, K), jnp.int32),
            pltpu.VMEM((2, K, DEG_W), jnp.float32),
            pltpu.VMEM_SHARED((NR, DEG_W), jnp.float32),
            pltpu.SemaphoreType.DMA,
        ],
    )
    def k(zo_hbm, dstr_hbm, out_hbm, dst_v, zo_v, acc, sem):
        cid = lax.axis_index("c")
        sid = lax.axis_index("s")
        wid = cid * NS + sid

        nch = TOT_CH // NW
        extra = TOT_CH - nch * NW
        cbase = wid * nch + jnp.minimum(wid, extra)
        n = jnp.where(wid < extra, nch + 1, nch)
        pltpu.sync_copy(dstr_hbm.at[pl.ds(cbase, nch)],
                        dst_v.at[pl.ds(0, nch)])

        @pl.when(wid < extra)
        def _():
            pltpu.sync_copy(dstr_hbm.at[pl.ds(cbase + nch, 1)],
                            dst_v.at[pl.ds(nch, 1)])

        pltpu.sync_copy(zo_hbm, zo_v)
        ones_v = zo_v.at[1]

        base = sid * STRIPE
        n_full = STRIPE // K
        for t in range(n_full):
            pltpu.sync_copy(zo_v.at[0], acc.at[pl.ds(base + t * K, K)])
        rem = STRIPE - n_full * K
        if rem:
            pltpu.sync_copy(zo_v.at[0, pl.ds(0, rem)],
                            acc.at[pl.ds(base + n_full * K, rem)])
        plsc.subcore_barrier()

        for j in range(4):
            pltpu.async_copy(ones_v, acc.at[dst_v.at[j]], sem, add=True)

        def body(j, _):
            pltpu.make_async_copy(ones_v, acc.at[dst_v.at[j - 4]], sem).wait()
            pltpu.async_copy(ones_v, acc.at[dst_v.at[j]], sem, add=True)
            return 0

        lax.fori_loop(4, n, body, 0)

        def drain(j, _):
            pltpu.make_async_copy(ones_v, acc.at[dst_v.at[j]], sem).wait()
            return 0

        lax.fori_loop(n - 4, n, drain, 0)
        plsc.subcore_barrier()

        @pl.when(sid < NS - 1)
        def _():
            pltpu.sync_copy(acc.at[pl.ds(base, STRIPE)],
                            out_hbm.at[cid, pl.ds(base, STRIPE)])

        @pl.when(sid == NS - 1)
        def _():
            last = N_NODES - (NS - 1) * STRIPE
            pltpu.sync_copy(acc.at[pl.ds((NS - 1) * STRIPE, last)],
                            out_hbm.at[cid, pl.ds((NS - 1) * STRIPE, last)])

    return k


_R = 2000
_G = N_NODES // _R


def _tc_scale_kernel(deg, x):

    def body(d0, d1, xr, o):
        degt = d0[0, :, 0:1] + d1[0, :, 0:1] + 1.0
        dis = lax.rsqrt(degt)
        o[0] = xr[:, :FW] * dis
        o[1] = xr[:, FW:] * dis

    return pl.pallas_call(
        body,
        grid=(_G,),
        in_specs=[
            pl.BlockSpec((1, _R, DEG_W), lambda i: (0, i, 0)),
            pl.BlockSpec((1, _R, DEG_W), lambda i: (1, i, 0)),
            pl.BlockSpec((_R, IN_DIM), lambda i: (i, 0)),
        ],
        out_specs=pl.BlockSpec((2, _R, FW), lambda i: (0, i, 0)),
        out_shape=jax.ShapeDtypeStruct((2, N_NODES, FW), jnp.float32),
    )(deg, deg, x)


def _tc_mid_kernel(p, xs, deg, W1, b1, W2):

    def body(p0, p1, xsr, d0, d1, w1, b1r, w2, o):
        degt = d0[0, :, 0:1] + d1[0, :, 0:1] + 1.0
        dis = lax.rsqrt(degt)
        pr = jnp.concatenate(
            [p0[0] + xsr[0], p1[0] + xsr[1]], axis=1) * dis
        h = jnp.maximum(
            jnp.dot(pr, w1[...], preferred_element_type=jnp.float32) + b1r[...],
            0.0)
        m = jnp.dot(h, w2[...], preferred_element_type=jnp.float32)
        o[0] = m * dis

    return pl.pallas_call(
        body,
        grid=(_G,),
        in_specs=[
            pl.BlockSpec((1, _R, FW), lambda i: (0, i, 0)),
            pl.BlockSpec((1, _R, FW), lambda i: (1, i, 0)),
            pl.BlockSpec((2, _R, FW), lambda i: (0, i, 0)),
            pl.BlockSpec((1, _R, DEG_W), lambda i: (0, i, 0)),
            pl.BlockSpec((1, _R, DEG_W), lambda i: (1, i, 0)),
            pl.BlockSpec((IN_DIM, HID_DIM), lambda i: (0, 0)),
            pl.BlockSpec((1, HID_DIM), lambda i: (0, 0)),
            pl.BlockSpec((HID_DIM, OUT_DIM), lambda i: (0, 0)),
        ],
        out_specs=pl.BlockSpec((1, _R, OUT_DIM), lambda i: (0, i, 0)),
        out_shape=jax.ShapeDtypeStruct((1, N_NODES, OUT_DIM), jnp.float32),
    )(p, p, xs, deg, deg, W1, b1.reshape(1, HID_DIM), W2)


def _tc_final_kernel(q, ms, deg, b2):

    def body(q0, q1, msr, d0, d1, b2r, o):
        degt = d0[0, :, 0:1] + d1[0, :, 0:1] + 1.0
        dis = lax.rsqrt(degt)
        t = (q0[0, 0] + q1[0, 0] + msr[0]) * dis + b2r[...]
        mx = jnp.max(t, axis=1, keepdims=True)
        e = jnp.exp(t - mx)
        lse = jnp.log(jnp.sum(e, axis=1, keepdims=True))
        o[...] = t - mx - lse

    return pl.pallas_call(
        body,
        grid=(_G,),
        in_specs=[
            pl.BlockSpec((1, 1, _R, OUT_DIM), lambda i: (0, 0, i, 0)),
            pl.BlockSpec((1, 1, _R, OUT_DIM), lambda i: (1, 0, i, 0)),
            pl.BlockSpec((1, _R, OUT_DIM), lambda i: (0, i, 0)),
            pl.BlockSpec((1, _R, DEG_W), lambda i: (0, i, 0)),
            pl.BlockSpec((1, _R, DEG_W), lambda i: (1, i, 0)),
            pl.BlockSpec((1, OUT_DIM), lambda i: (0, 0)),
        ],
        out_specs=pl.BlockSpec((_R, OUT_DIM), lambda i: (i, 0)),
        out_shape=jax.ShapeDtypeStruct((N_NODES, OUT_DIM), jnp.float32),
    )(q, q, ms, deg, deg, b2.reshape(1, OUT_DIM))


def kernel(x, edge_index, W1, b1, W2, b2):
    src = edge_index[0].astype(jnp.int32)
    dst = edge_index[1].astype(jnp.int32)

    n_pad = EPW_PAD - EPW
    pad_src = (jnp.arange(n_pad, dtype=jnp.int32) * 89) % N_NODES
    pad_dst = N_NODES + (jnp.arange(n_pad, dtype=jnp.int32) % (NR - N_NODES))
    srcp = jnp.concatenate(
        [src.reshape(NW, EPW), jnp.broadcast_to(pad_src, (NW, n_pad))], axis=1
    ).reshape(NW, CH_IDX, K)
    dstp = jnp.concatenate(
        [dst.reshape(NW, EPW), jnp.broadcast_to(pad_dst, (NW, n_pad))], axis=1
    ).reshape(NW, CH_IDX, K)

    zo = jnp.stack([jnp.zeros((K, DEG_W), jnp.float32),
                    jnp.ones((K, DEG_W), jnp.float32)])
    deg = _deg_kernel()(zo, dst.reshape(TOT_CH, K))
    xs = _tc_scale_kernel(deg, x)
    srcp1 = srcp.reshape(NS, CH1, K)
    dstp1 = dstp.reshape(NS, CH1, K)
    p = _pass1_kernel()(xs, srcp1, dstp1)
    ms = _tc_mid_kernel(p, xs, deg, W1, b1, W2)
    q = _scatter_add_kernel(1)(ms, srcp, dstp)
    return _tc_final_kernel(q, ms, deg, b2)

# --- scband reference (transcript-rebuilt; emitter-appended) ---
"""Pipeline reference for scband-victim-model-22531398435053 (READ-ONLY COPY).

The authoritative reference and input builder live on the scoring server;
editing this copy changes nothing except your own understanding.
"""

import jax, jax.numpy as jnp
import numpy as np

N_NODES = 10000
N_EDGES = 320000
IN_DIM = 128
HID_DIM = 256
OUT_DIM = 64


def setup_inputs(seed: int = 0) -> dict:
    key = jax.random.key(seed)
    k1, k2, k3, k4, k5, k6 = jax.random.split(key, 6)
    x = jax.random.normal(k1, (N_NODES, IN_DIM), dtype=jnp.float32)
    edge_index = jax.random.randint(k2, (2, N_EDGES), 0, N_NODES, dtype=jnp.int64)
    # Glorot-style init for GCN layer weights
    W1 = jax.random.normal(k3, (IN_DIM, HID_DIM), dtype=jnp.float32) * (1.0 / np.sqrt(IN_DIM))
    b1 = jnp.zeros((HID_DIM,), dtype=jnp.float32)
    W2 = jax.random.normal(k4, (HID_DIM, OUT_DIM), dtype=jnp.float32) * (1.0 / np.sqrt(HID_DIM))
    b2 = jnp.zeros((OUT_DIM,), dtype=jnp.float32)
    return {"x": x, "edge_index": edge_index, "W1": W1, "b1": b1, "W2": W2, "b2": b2}


def _gcn_conv(x, src, dst, W, b, num_nodes):
    # GCNConv with added self-loops and symmetric normalization (PyG semantics)
    loop = jnp.arange(num_nodes, dtype=src.dtype)
    src_sl = jnp.concatenate([src, loop])
    dst_sl = jnp.concatenate([dst, loop])
    deg = jnp.zeros((num_nodes,), dtype=jnp.float32).at[dst_sl].add(1.0)
    deg_inv_sqrt = jnp.where(deg > 0, jax.lax.rsqrt(deg), 0.0)
    norm = deg_inv_sqrt[src_sl] * deg_inv_sqrt[dst_sl]
    h = x @ W
    msg = h[src_sl] * norm[:, None]
    out = jnp.zeros((num_nodes, W.shape[1]), dtype=h.dtype).at[dst_sl].add(msg)
    return out + b


def reference(x, edge_index, W1, b1, W2, b2):
    src = edge_index[0]
    dst = edge_index[1]
    num_nodes = x.shape[0]
    h = _gcn_conv(x, src, dst, W1, b1, num_nodes)
    h = jax.nn.relu(h)
    # dropout is identity in eval mode
    h = _gcn_conv(h, src, dst, W2, b2, num_nodes)
    return jax.nn.log_softmax(h, axis=1)

if __name__ == "__main__":
    import jax
    _d = setup_inputs()
    print(jax.jit(kernel)(*tuple(_d.values())))

</pallas_src>

<mosaic_0001>
#map = affine_map<(d0, d1) -> (0, 0, 0)>
#map1 = affine_map<(d0, d1) -> (0, 0)>
module attributes {stable_mosaic.version = 14 : i64} {
  func.func @k(%arg0: i32, %arg1: i32, %arg2: memref<2x128x4xf32, #tpu.memory_space<hbm>>, %arg3: memref<2500x128xi32, #tpu.memory_space<hbm>>, %arg4: memref<2x10000x4xf32, #tpu.memory_space<hbm>>, %arg5: memref<79x128xi32, #tpu.memory_space<vmem>>, %arg6: memref<2x128x4xf32, #tpu.memory_space<vmem>>, %arg7: memref<10112x4xf32, #tpu.memory_space<vmem_shared>>, %arg8: memref<!tpu.dma_semaphore, #tpu.memory_space<semaphore_mem>>) attributes {dimension_semantics = [#tpu.dimension_semantics<core_parallel>, #tpu.dimension_semantics<subcore_parallel>], iteration_bounds = array<i64: 2, 16>, scalar_prefetch = 0 : i64, scratch_operands = 4 : i64, tpu.core_type = #tpu.core_type<sc_vector_subcore>, window_params = [{transform_indices = #map}, {transform_indices = #map1}, {transform_indices = #map}]} {
    %mul3A = arith.constant 16 : i32
    %mul3A_0 = arith.muli %arg0, %mul3A : i32
    %add3A = arith.addi %mul3A_0, %arg1 : i32
    %mul3A_1 = arith.constant 78 : i32
    %mul3A_2 = arith.muli %add3A, %mul3A_1 : i32
    %min3A = arith.constant 4 : i32
    %min3A_3 = arith.minsi %add3A, %min3A : i32
    %add3A_4 = arith.addi %mul3A_2, %min3A_3 : i32
    %lt3A = arith.constant 4 : i32
    %lt3A_5 = arith.cmpi slt, %add3A, %lt3A : i32
    %jit3A = arith.constant 79 : i32
    %jit3A_6 = arith.constant 78 : i32
    %select_n3A = arith.select %lt3A_5, %jit3A, %jit3A_6 : i32
    "tpu.region"() ({
      %run_scoped3A_108 = tpu.sem_alloc : memref<!tpu.dma_semaphore, #tpu.memory_space<semaphore_mem>>
      %dma_start3A_109 = arith.constant 0 : i32
      %dma_start3A_110 = arith.constant 0 : i32
      %dma_start3A_111 = tpu.memref_slice %arg5[%dma_start3A_109, %dma_start3A_110] : memref<79x128xi32, #tpu.memory_space<vmem>> -> memref<78x128xi32, #tpu.memory_space<vmem>>
      %dma_start3A_112 = arith.constant 0 : i32
      %dma_start3A_113 = tpu.memref_slice %arg3[%add3A_4, %dma_start3A_112] : memref<2500x128xi32, #tpu.memory_space<hbm>> -> memref<78x128xi32, #tpu.memory_space<hbm>>
      %dma_start3A_114 = arith.constant 0 : i32
      %dma_start3A_115 = arith.constant 0 : i32
      %dma_start3A_116 = tpu.memref_slice %arg5[%dma_start3A_114, %dma_start3A_115] : memref<79x128xi32, #tpu.memory_space<vmem>> -> memref<78x128xi32, #tpu.memory_space<vmem>>
      %dma_start3A_117 = arith.constant 0 : i32
      %dma_start3A_118 = tpu.memref_slice %arg3[%add3A_4, %dma_start3A_117] : memref<2500x128xi32, #tpu.memory_space<hbm>> -> memref<78x128xi32, #tpu.memory_space<hbm>>
      tpu.enqueue_dma source(%dma_start3A_118 : memref<78x128xi32, #tpu.memory_space<hbm>>) target(%dma_start3A_116 : memref<78x128xi32, #tpu.memory_space<vmem>>) target_semaphore(%run_scoped3A_108 : memref<!tpu.dma_semaphore, #tpu.memory_space<semaphore_mem>>)
      %dma_wait3A = arith.constant 0 : i32
      %dma_wait3A_119 = arith.constant 0 : i32
      %dma_wait3A_120 = tpu.memref_slice %arg5[%dma_wait3A, %dma_wait3A_119] : memref<79x128xi32, #tpu.memory_space<vmem>> -> memref<78x128xi32, #tpu.memory_space<vmem>>
      %dma_wait3A_121 = arith.constant 0 : i32
      %dma_wait3A_122 = tpu.memref_slice %arg3[%add3A_4, %dma_wait3A_121] : memref<2500x128xi32, #tpu.memory_space<hbm>> -> memref<78x128xi32, #tpu.memory_space<hbm>>
      %dma_wait3A_123 = arith.constant 0 : i32
      %dma_wait3A_124 = arith.constant 0 : i32
      %dma_wait3A_125 = tpu.memref_slice %arg5[%dma_wait3A_123, %dma_wait3A_124] : memref<79x128xi32, #tpu.memory_space<vmem>> -> memref<78x128xi32, #tpu.memory_space<vmem>>
      %dma_wait3A_126 = arith.constant 0 : i32
      %dma_wait3A_127 = tpu.memref_slice %arg3[%add3A_4, %dma_wait3A_126] : memref<2500x128xi32, #tpu.memory_space<hbm>> -> memref<78x128xi32, #tpu.memory_space<hbm>>
      tpu.wait_dma2 semaphore(%run_scoped3A_108 : memref<!tpu.dma_semaphore, #tpu.memory_space<semaphore_mem>>) src(%dma_wait3A_127 : memref<78x128xi32, #tpu.memory_space<hbm>>) dst(%dma_wait3A_125 : memref<78x128xi32, #tpu.memory_space<vmem>>)
      tpu.yield
    }) : () -> ()
    %lt3A_7 = arith.constant 4 : i32
    %lt3A_8 = arith.cmpi slt, %add3A, %lt3A_7 : i32
    %convert_element_type3A = arith.extui %lt3A_8 : i1 to i32
    %cond3A = arith.constant 0 : i32
    %cond3A_9 = arith.cmpi ne, %convert_element_type3A, %cond3A : i32
    scf.if %cond3A_9 {
      %add3A_108 = arith.constant 78 : i32
      %add3A_109 = arith.addi %add3A_4, %add3A_108 : i32
      "tpu.region"() ({
        %run_scoped3A_110 = tpu.sem_alloc : memref<!tpu.dma_semaphore, #tpu.memory_space<semaphore_mem>>
        %dma_start3A_111 = arith.constant 78 : i32
        %dma_start3A_112 = arith.constant 0 : i32
        %dma_start3A_113 = tpu.memref_slice %arg5[%dma_start3A_111, %dma_start3A_112] : memref<79x128xi32, #tpu.memory_space<vmem>> -> memref<1x128xi32, #tpu.memory_space<vmem>>
        %dma_start3A_114 = arith.constant 0 : i32
        %dma_start3A_115 = tpu.memref_slice %arg3[%add3A_109, %dma_start3A_114] : memref<2500x128xi32, #tpu.memory_space<hbm>> -> memref<1x128xi32, #tpu.memory_space<hbm>>
        %dma_start3A_116 = arith.constant 78 : i32
        %dma_start3A_117 = arith.constant 0 : i32
        %dma_start3A_118 = tpu.memref_slice %arg5[%dma_start3A_116, %dma_start3A_117] : memref<79x128xi32, #tpu.memory_space<vmem>> -> memref<1x128xi32, #tpu.memory_space<vmem>>
        %dma_start3A_119 = arith.constant 0 : i32
        %dma_start3A_120 = tpu.memref_slice %arg3[%add3A_109, %dma_start3A_119] : memref<2500x128xi32, #tpu.memory_space<hbm>> -> memref<1x128xi32, #tpu.memory_space<hbm>>
        tpu.enqueue_dma source(%dma_start3A_120 : memref<1x128xi32, #tpu.memory_space<hbm>>) target(%dma_start3A_118 : memref<1x128xi32, #tpu.memory_space<vmem>>) target_semaphore(%run_scoped3A_110 : memref<!tpu.dma_semaphore, #tpu.memory_space<semaphore_mem>>)
        %dma_wait3A = arith.constant 78 : i32
        %dma_wait3A_121 = arith.constant 0 : i32
        %dma_wait3A_122 = tpu.memref_slice %arg5[%dma_wait3A, %dma_wait3A_121] : memref<79x128xi32, #tpu.memory_space<vmem>> -> memref<1x128xi32, #tpu.memory_space<vmem>>
        %dma_wait3A_123 = arith.constant 0 : i32
        %dma_wait3A_124 = tpu.memref_slice %arg3[%add3A_109, %dma_wait3A_123] : memref<2500x128xi32, #tpu.memory_space<hbm>> -> memref<1x128xi32, #tpu.memory_space<hbm>>
        %dma_wait3A_125 = arith.constant 78 : i32
        %dma_wait3A_126 = arith.constant 0 : i32
        %dma_wait3A_127 = tpu.memref_slice %arg5[%dma_wait3A_125, %dma_wait3A_126] : memref<79x128xi32, #tpu.memory_space<vmem>> -> memref<1x128xi32, #tpu.memory_space<vmem>>
        %dma_wait3A_128 = arith.constant 0 : i32
        %dma_wait3A_129 = tpu.memref_slice %arg3[%add3A_109, %dma_wait3A_128] : memref<2500x128xi32, #tpu.memory_space<hbm>> -> memref<1x128xi32, #tpu.memory_space<hbm>>
        tpu.wait_dma2 semaphore(%run_scoped3A_110 : memref<!tpu.dma_semaphore, #tpu.memory_space<semaphore_mem>>) src(%dma_wait3A_129 : memref<1x128xi32, #tpu.memory_space<hbm>>) dst(%dma_wait3A_127 : memref<1x128xi32, #tpu.memory_space<vmem>>)
        tpu.yield
      }) : () -> ()
    } else {
    }
    "tpu.region"() ({
      %run_scoped3A_108 = tpu.sem_alloc : memref<!tpu.dma_semaphore, #tpu.memory_space<semaphore_mem>>
      tpu.enqueue_dma source(%arg2 : memref<2x128x4xf32, #tpu.memory_space<hbm>>) target(%arg6 : memref<2x128x4xf32, #tpu.memory_space<vmem>>) target_semaphore(%run_scoped3A_108 : memref<!tpu.dma_semaphore, #tpu.memory_space<semaphore_mem>>)
      tpu.wait_dma2 semaphore(%run_scoped3A_108 : memref<!tpu.dma_semaphore, #tpu.memory_space<semaphore_mem>>) src(%arg2 : memref<2x128x4xf32, #tpu.memory_space<hbm>>) dst(%arg6 : memref<2x128x4xf32, #tpu.memory_space<vmem>>)
      tpu.yield
    }) : () -> ()
    %mul3A_10 = arith.constant 632 : i32
    %mul3A_11 = arith.muli %arg1, %mul3A_10 : i32
    %add3A_12 = arith.constant 0 : i32
    %add3A_13 = arith.addi %mul3A_11, %add3A_12 : i32
    %run_scoped3A = arith.constant 0 : i32
    "tpu.region"() ({
      %run_scoped3A_108 = tpu.sem_alloc : memref<!tpu.dma_semaphore, #tpu.memory_space<semaphore_mem>>
      %dma_start3A_109 = arith.constant 0 : i32
      %dma_start3A_110 = arith.constant 0 : i32
      %dma_start3A_111 = tpu.memref_slice %arg6[%run_scoped3A, %dma_start3A_109, %dma_start3A_110] : memref<2x128x4xf32, #tpu.memory_space<vmem>> -> memref<1x128x4xf32, #tpu.memory_space<vmem>>
      %dma_start3A_112 = tpu.memref_squeeze %dma_start3A_111 : memref<1x128x4xf32, #tpu.memory_space<vmem>> -> memref<128x4xf32, #tpu.memory_space<vmem>>
      %dma_start3A_113 = arith.constant 0 : i32
      %dma_start3A_114 = tpu.memref_slice %arg7[%add3A_13, %dma_start3A_113] : memref<10112x4xf32, #tpu.memory_space<vmem_shared>> -> memref<128x4xf32, #tpu.memory_space<vmem_shared>>
      %dma_start3A_115 = arith.constant 0 : i32
      %dma_start3A_116 = tpu.memref_slice %arg7[%add3A_13, %dma_start3A_115] : memref<10112x4xf32, #tpu.memory_space<vmem_shared>> -> memref<128x4xf32, #tpu.memory_space<vmem_shared>>
      %dma_start3A_117 = arith.constant 0 : i32
      %dma_start3A_118 = arith.constant 0 : i32
      %dma_start3A_119 = tpu.memref_slice %arg6[%run_scoped3A, %dma_start3A_117, %dma_start3A_118] : memref<2x128x4xf32, #tpu.memory_space<vmem>> -> memref<1x128x4xf32, #tpu.memory_space<vmem>>
      %dma_start3A_120 = tpu.memref_squeeze %dma_start3A_119 : memref<1x128x4xf32, #tpu.memory_space<vmem>> -> memref<128x4xf32, #tpu.memory_space<vmem>>
      tpu.enqueue_dma source(%dma_start3A_120 : memref<128x4xf32, #tpu.memory_space<vmem>>) target(%dma_start3A_116 : memref<128x4xf32, #tpu.memory_space<vmem_shared>>) target_semaphore(%run_scoped3A_108 : memref<!tpu.dma_semaphore, #tpu.memory_space<semaphore_mem>>)
      %dma_wait3A = arith.constant 0 : i32
      %dma_wait3A_121 = arith.constant 0 : i32
      %dma_wait3A_122 = tpu.memref_slice %arg6[%run_scoped3A, %dma_wait3A, %dma_wait3A_121] : memref<2x128x4xf32, #tpu.memory_space<vmem>> -> memref<1x128x4xf32, #tpu.memory_space<vmem>>
      %dma_wait3A_123 = tpu.memref_squeeze %dma_wait3A_122 : memref<1x128x4xf32, #tpu.memory_space<vmem>> -> memref<128x4xf32, #tpu.memory_space<vmem>>
      %dma_wait3A_124 = arith.constant 0 : i32
      %dma_wait3A_125 = tpu.memref_slice %arg7[%add3A_13, %dma_wait3A_124] : memref<10112x4xf32, #tpu.memory_space<vmem_shared>> -> memref<128x4xf32, #tpu.memory_space<vmem_shared>>
      %dma_wait3A_126 = arith.constant 0 : i32
      %dma_wait3A_127 = tpu.memref_slice %arg7[%add3A_13, %dma_wait3A_126] : memref<10112x4xf32, #tpu.memory_space<vmem_shared>> -> memref<128x4xf32, #tpu.memory_space<vmem_shared>>
      %dma_wait3A_128 = arith.constant 0 : i32
      %dma_wait3A_129 = arith.constant 0 : i32
      %dma_wait3A_130 = tpu.memref_slice %arg6[%run_scoped3A, %dma_wait3A_128, %dma_wait3A_129] : memref<2x128x4xf32, #tpu.memory_space<vmem>> -> memref<1x128x4xf32, #tpu.memory_space<vmem>>
      %dma_wait3A_131 = tpu.memref_squeeze %dma_wait3A_130 : memref<1x128x4xf32, #tpu.memory_space<vmem>> -> memref<128x4xf32, #tpu.memory_space<vmem>>
      tpu.wait_dma2 semaphore(%run_scoped3A_108 : memref<!tpu.dma_semaphore, #tpu.memory_space<semaphore_mem>>) src(%dma_wait3A_131 : memref<128x4xf32, #tpu.memory_space<vmem>>) dst(%dma_wait3A_127 : memref<128x4xf32, #tpu.memory_space<vmem_shared>>)
      tpu.yield
    }) : () -> ()
    %add3A_14 = arith.constant 128 : i32
    %add3A_15 = arith.addi %mul3A_11, %add3A_14 : i32
    %run_scoped3A_16 = arith.constant 0 : i32
    "tpu.region"() ({
      %run_scoped3A_108 = tpu.sem_alloc : memref<!tpu.dma_semaphore, #tpu.memory_space<semaphore_mem>>
      %dma_start3A_109 = arith.constant 0 : i32
      %dma_start3A_110 = arith.constant 0 : i32
      %dma_start3A_111 = tpu.memref_slice %arg6[%run_scoped3A_16, %dma_start3A_109, %dma_start3A_110] : memref<2x128x4xf32, #tpu.memory_space<vmem>> -> memref<1x128x4xf32, #tpu.memory_space<vmem>>
      %dma_start3A_112 = tpu.memref_squeeze %dma_start3A_111 : memref<1x128x4xf32, #tpu.memory_space<vmem>> -> memref<128x4xf32, #tpu.memory_space<vmem>>
      %dma_start3A_113 = arith.constant 0 : i32
      %dma_start3A_114 = tpu.memref_slice %arg7[%add3A_15, %dma_start3A_113] : memref<10112x4xf32, #tpu.memory_space<vmem_shared>> -> memref<128x4xf32, #tpu.memory_space<vmem_shared>>
      %dma_start3A_115 = arith.constant 0 : i32
      %dma_start3A_116 = tpu.memref_slice %arg7[%add3A_15, %dma_start3A_115] : memref<10112x4xf32, #tpu.memory_space<vmem_shared>> -> memref<128x4xf32, #tpu.memory_space<vmem_shared>>
      %dma_start3A_117 = arith.constant 0 : i32
      %dma_start3A_118 = arith.constant 0 : i32
      %dma_start3A_119 = tpu.memref_slice %arg6[%run_scoped3A_16, %dma_start3A_117, %dma_start3A_118] : memref<2x128x4xf32, #tpu.memory_space<vmem>> -> memref<1x128x4xf32, #tpu.memory_space<vmem>>
      %dma_start3A_120 = tpu.memref_squeeze %dma_start3A_119 : memref<1x128x4xf32, #tpu.memory_space<vmem>> -> memref<128x4xf32, #tpu.memory_space<vmem>>
      tpu.enqueue_dma source(%dma_start3A_120 : memref<128x4xf32, #tpu.memory_space<vmem>>) target(%dma_start3A_116 : memref<128x4xf32, #tpu.memory_space<vmem_shared>>) target_semaphore(%run_scoped3A_108 : memref<!tpu.dma_semaphore, #tpu.memory_space<semaphore_mem>>)
      %dma_wait3A = arith.constant 0 : i32
      %dma_wait3A_121 = arith.constant 0 : i32
      %dma_wait3A_122 = tpu.memref_slice %arg6[%run_scoped3A_16, %dma_wait3A, %dma_wait3A_121] : memref<2x128x4xf32, #tpu.memory_space<vmem>> -> memref<1x128x4xf32, #tpu.memory_space<vmem>>
      %dma_wait3A_123 = tpu.memref_squeeze %dma_wait3A_122 : memref<1x128x4xf32, #tpu.memory_space<vmem>> -> memref<128x4xf32, #tpu.memory_space<vmem>>
      %dma_wait3A_124 = arith.constant 0 : i32
      %dma_wait3A_125 = tpu.memref_slice %arg7[%add3A_15, %dma_wait3A_124] : memref<10112x4xf32, #tpu.memory_space<vmem_shared>> -> memref<128x4xf32, #tpu.memory_space<vmem_shared>>
      %dma_wait3A_126 = arith.constant 0 : i32
      %dma_wait3A_127 = tpu.memref_slice %arg7[%add3A_15, %dma_wait3A_126] : memref<10112x4xf32, #tpu.memory_space<vmem_shared>> -> memref<128x4xf32, #tpu.memory_space<vmem_shared>>
      %dma_wait3A_128 = arith.constant 0 : i32
      %dma_wait3A_129 = arith.constant 0 : i32
      %dma_wait3A_130 = tpu.memref_slice %arg6[%run_scoped3A_16, %dma_wait3A_128, %dma_wait3A_129] : memref<2x128x4xf32, #tpu.memory_space<vmem>> -> memref<1x128x4xf32, #tpu.memory_space<vmem>>
      %dma_wait3A_131 = tpu.memref_squeeze %dma_wait3A_130 : memref<1x128x4xf32, #tpu.memory_space<vmem>> -> memref<128x4xf32, #tpu.memory_space<vmem>>
      tpu.wait_dma2 semaphore(%run_scoped3A_108 : memref<!tpu.dma_semaphore, #tpu.memory_space<semaphore_mem>>) src(%dma_wait3A_131 : memref<128x4xf32, #tpu.memory_space<vmem>>) dst(%dma_wait3A_127 : memref<128x4xf32, #tpu.memory_space<vmem_shared>>)
      tpu.yield
    }) : () -> ()
    %add3A_17 = arith.constant 256 : i32
    %add3A_18 = arith.addi %mul3A_11, %add3A_17 : i32
    %run_scoped3A_19 = arith.constant 0 : i32
    "tpu.region"() ({
      %run_scoped3A_108 = tpu.sem_alloc : memref<!tpu.dma_semaphore, #tpu.memory_space<semaphore_mem>>
      %dma_start3A_109 = arith.constant 0 : i32
      %dma_start3A_110 = arith.constant 0 : i32
      %dma_start3A_111 = tpu.memref_slice %arg6[%run_scoped3A_19, %dma_start3A_109, %dma_start3A_110] : memref<2x128x4xf32, #tpu.memory_space<vmem>> -> memref<1x128x4xf32, #tpu.memory_space<vmem>>
      %dma_start3A_112 = tpu.memref_squeeze %dma_start3A_111 : memref<1x128x4xf32, #tpu.memory_space<vmem>> -> memref<128x4xf32, #tpu.memory_space<vmem>>
      %dma_start3A_113 = arith.constant 0 : i32
      %dma_start3A_114 = tpu.memref_slice %arg7[%add3A_18, %dma_start3A_113] : memref<10112x4xf32, #tpu.memory_space<vmem_shared>> -> memref<128x4xf32, #tpu.memory_space<vmem_shared>>
      %dma_start3A_115 = arith.constant 0 : i32
      %dma_start3A_116 = tpu.memref_slice %arg7[%add3A_18, %dma_start3A_115] : memref<10112x4xf32, #tpu.memory_space<vmem_shared>> -> memref<128x4xf32, #tpu.memory_space<vmem_shared>>
      %dma_start3A_117 = arith.constant 0 : i32
      %dma_start3A_118 = arith.constant 0 : i32
      %dma_start3A_119 = tpu.memref_slice %arg6[%run_scoped3A_19, %dma_start3A_117, %dma_start3A_118] : memref<2x128x4xf32, #tpu.memory_space<vmem>> -> memref<1x128x4xf32, #tpu.memory_space<vmem>>
      %dma_start3A_120 = tpu.memref_squeeze %dma_start3A_119 : memref<1x128x4xf32, #tpu.memory_space<vmem>> -> memref<128x4xf32, #tpu.memory_space<vmem>>
      tpu.enqueue_dma source(%dma_start3A_120 : memref<128x4xf32, #tpu.memory_space<vmem>>) target(%dma_start3A_116 : memref<128x4xf32, #tpu.memory_space<vmem_shared>>) target_semaphore(%run_scoped3A_108 : memref<!tpu.dma_semaphore, #tpu.memory_space<semaphore_mem>>)
      %dma_wait3A = arith.constant 0 : i32
      %dma_wait3A_121 = arith.constant 0 : i32
      %dma_wait3A_122 = tpu.memref_slice %arg6[%run_scoped3A_19, %dma_wait3A, %dma_wait3A_121] : memref<2x128x4xf32, #tpu.memory_space<vmem>> -> memref<1x128x4xf32, #tpu.memory_space<vmem>>
      %dma_wait3A_123 = tpu.memref_squeeze %dma_wait3A_122 : memref<1x128x4xf32, #tpu.memory_space<vmem>> -> memref<128x4xf32, #tpu.memory_space<vmem>>
      %dma_wait3A_124 = arith.constant 0 : i32
      %dma_wait3A_125 = tpu.memref_slice %arg7[%add3A_18, %dma_wait3A_124] : memref<10112x4xf32, #tpu.memory_space<vmem_shared>> -> memref<128x4xf32, #tpu.memory_space<vmem_shared>>
      %dma_wait3A_126 = arith.constant 0 : i32
      %dma_wait3A_127 = tpu.memref_slice %arg7[%add3A_18, %dma_wait3A_126] : memref<10112x4xf32, #tpu.memory_space<vmem_shared>> -> memref<128x4xf32, #tpu.memory_space<vmem_shared>>
      %dma_wait3A_128 = arith.constant 0 : i32
      %dma_wait3A_129 = arith.constant 0 : i32
      %dma_wait3A_130 = tpu.memref_slice %arg6[%run_scoped3A_19, %dma_wait3A_128, %dma_wait3A_129] : memref<2x128x4xf32, #tpu.memory_space<vmem>> -> memref<1x128x4xf32, #tpu.memory_space<vmem>>
      %dma_wait3A_131 = tpu.memref_squeeze %dma_wait3A_130 : memref<1x128x4xf32, #tpu.memory_space<vmem>> -> memref<128x4xf32, #tpu.memory_space<vmem>>
      tpu.wait_dma2 semaphore(%run_scoped3A_108 : memref<!tpu.dma_semaphore, #tpu.memory_space<semaphore_mem>>) src(%dma_wait3A_131 : memref<128x4xf32, #tpu.memory_space<vmem>>) dst(%dma_wait3A_127 : memref<128x4xf32, #tpu.memory_space<vmem_shared>>)
      tpu.yield
    }) : () -> ()
    %add3A_20 = arith.constant 384 : i32
    %add3A_21 = arith.addi %mul3A_11, %add3A_20 : i32
    %run_scoped3A_22 = arith.constant 0 : i32
    "tpu.region"() ({
      %run_scoped3A_108 = tpu.sem_alloc : memref<!tpu.dma_semaphore, #tpu.memory_space<semaphore_mem>>
      %dma_start3A_109 = arith.constant 0 : i32
      %dma_start3A_110 = arith.constant 0 : i32
      %dma_start3A_111 = tpu.memref_slice %arg6[%run_scoped3A_22, %dma_start3A_109, %dma_start3A_110] : memref<2x128x4xf32, #tpu.memory_space<vmem>> -> memref<1x128x4xf32, #tpu.memory_space<vmem>>
      %dma_start3A_112 = tpu.memref_squeeze %dma_start3A_111 : memref<1x128x4xf32, #tpu.memory_space<vmem>> -> memref<128x4xf32, #tpu.memory_space<vmem>>
      %dma_start3A_113 = arith.constant 0 : i32
      %dma_start3A_114 = tpu.memref_slice %arg7[%add3A_21, %dma_start3A_113] : memref<10112x4xf32, #tpu.memory_space<vmem_shared>> -> memref<128x4xf32, #tpu.memory_space<vmem_shared>>
      %dma_start3A_115 = arith.constant 0 : i32
      %dma_start3A_116 = tpu.memref_slice %arg7[%add3A_21, %dma_start3A_115] : memref<10112x4xf32, #tpu.memory_space<vmem_shared>> -> memref<128x4xf32, #tpu.memory_space<vmem_shared>>
      %dma_start3A_117 = arith.constant 0 : i32
      %dma_start3A_118 = arith.constant 0 : i32
      %dma_start3A_119 = tpu.memref_slice %arg6[%run_scoped3A_22, %dma_start3A_117, %dma_start3A_118] : memref<2x128x4xf32, #tpu.memory_space<vmem>> -> memref<1x128x4xf32, #tpu.memory_space<vmem>>
      %dma_start3A_120 = tpu.memref_squeeze %dma_start3A_119 : memref<1x128x4xf32, #tpu.memory_space<vmem>> -> memref<128x4xf32, #tpu.memory_space<vmem>>
      tpu.enqueue_dma source(%dma_start3A_120 : memref<128x4xf32, #tpu.memory_space<vmem>>) target(%dma_start3A_116 : memref<128x4xf32, #tpu.memory_space<vmem_shared>>) target_semaphore(%run_scoped3A_108 : memref<!tpu.dma_semaphore, #tpu.memory_space<semaphore_mem>>)
      %dma_wait3A = arith.constant 0 : i32
      %dma_wait3A_121 = arith.constant 0 : i32
      %dma_wait3A_122 = tpu.memref_slice %arg6[%run_scoped3A_22, %dma_wait3A, %dma_wait3A_121] : memref<2x128x4xf32, #tpu.memory_space<vmem>> -> memref<1x128x4xf32, #tpu.memory_space<vmem>>
      %dma_wait3A_123 = tpu.memref_squeeze %dma_wait3A_122 : memref<1x128x4xf32, #tpu.memory_space<vmem>> -> memref<128x4xf32, #tpu.memory_space<vmem>>
      %dma_wait3A_124 = arith.constant 0 : i32
      %dma_wait3A_125 = tpu.memref_slice %arg7[%add3A_21, %dma_wait3A_124] : memref<10112x4xf32, #tpu.memory_space<vmem_shared>> -> memref<128x4xf32, #tpu.memory_space<vmem_shared>>
      %dma_wait3A_126 = arith.constant 0 : i32
      %dma_wait3A_127 = tpu.memref_slice %arg7[%add3A_21, %dma_wait3A_126] : memref<10112x4xf32, #tpu.memory_space<vmem_shared>> -> memref<128x4xf32, #tpu.memory_space<vmem_shared>>
      %dma_wait3A_128 = arith.constant 0 : i32
      %dma_wait3A_129 = arith.constant 0 : i32
      %dma_wait3A_130 = tpu.memref_slice %arg6[%run_scoped3A_22, %dma_wait3A_128, %dma_wait3A_129] : memref<2x128x4xf32, #tpu.memory_space<vmem>> -> memref<1x128x4xf32, #tpu.memory_space<vmem>>
      %dma_wait3A_131 = tpu.memref_squeeze %dma_wait3A_130 : memref<1x128x4xf32, #tpu.memory_space<vmem>> -> memref<128x4xf32, #tpu.memory_space<vmem>>
      tpu.wait_dma2 semaphore(%run_scoped3A_108 : memref<!tpu.dma_semaphore, #tpu.memory_space<semaphore_mem>>) src(%dma_wait3A_131 : memref<128x4xf32, #tpu.memory_space<vmem>>) dst(%dma_wait3A_127 : memref<128x4xf32, #tpu.memory_space<vmem_shared>>)
      tpu.yield
    }) : () -> ()
    %add3A_23 = arith.constant 512 : i32
    %add3A_24 = arith.addi %mul3A_11, %add3A_23 : i32
    %run_scoped3A_25 = arith.constant 0 : i32
    "tpu.region"() ({
      %run_scoped3A_108 = tpu.sem_alloc : memref<!tpu.dma_semaphore, #tpu.memory_space<semaphore_mem>>
      %dma_start3A_109 = arith.constant 0 : i32
      %dma_start3A_110 = arith.constant 0 : i32
      %dma_start3A_111 = tpu.memref_slice %arg6[%run_scoped3A_25, %dma_start3A_109, %dma_start3A_110] : memref<2x128x4xf32, #tpu.memory_space<vmem>> -> memref<1x120x4xf32, #tpu.memory_space<vmem>>
      %dma_start3A_112 = tpu.memref_squeeze %dma_start3A_111 : memref<1x120x4xf32, #tpu.memory_space<vmem>> -> memref<120x4xf32, #tpu.memory_space<vmem>>
      %dma_start3A_113 = arith.constant 0 : i32
      %dma_start3A_114 = tpu.memref_slice %arg7[%add3A_24, %dma_start3A_113] : memref<10112x4xf32, #tpu.memory_space<vmem_shared>> -> memref<120x4xf32, #tpu.memory_space<vmem_shared>>
      %dma_start3A_115 = arith.constant 0 : i32
      %dma_start3A_116 = tpu.memref_slice %arg7[%add3A_24, %dma_start3A_115] : memref<10112x4xf32, #tpu.memory_space<vmem_shared>> -> memref<120x4xf32, #tpu.memory_space<vmem_shared>>
      %dma_start3A_117 = arith.constant 0 : i32
      %dma_start3A_118 = arith.constant 0 : i32
      %dma_start3A_119 = tpu.memref_slice %arg6[%run_scoped3A_25, %dma_start3A_117, %dma_start3A_118] : memref<2x128x4xf32, #tpu.memory_space<vmem>> -> memref<1x120x4xf32, #tpu.memory_space<vmem>>
      %dma_start3A_120 = tpu.memref_squeeze %dma_start3A_119 : memref<1x120x4xf32, #tpu.memory_space<vmem>> -> memref<120x4xf32, #tpu.memory_space<vmem>>
      tpu.enqueue_dma source(%dma_start3A_120 : memref<120x4xf32, #tpu.memory_space<vmem>>) target(%dma_start3A_116 : memref<120x4xf32, #tpu.memory_space<vmem_shared>>) target_semaphore(%run_scoped3A_108 : memref<!tpu.dma_semaphore, #tpu.memory_space<semaphore_mem>>)
      %dma_wait3A = arith.constant 0 : i32
      %dma_wait3A_121 = arith.constant 0 : i32
      %dma_wait3A_122 = tpu.memref_slice %arg6[%run_scoped3A_25, %dma_wait3A, %dma_wait3A_121] : memref<2x128x4xf32, #tpu.memory_space<vmem>> -> memref<1x120x4xf32, #tpu.memory_space<vmem>>
      %dma_wait3A_123 = tpu.memref_squeeze %dma_wait3A_122 : memref<1x120x4xf32, #tpu.memory_space<vmem>> -> memref<120x4xf32, #tpu.memory_space<vmem>>
      %dma_wait3A_124 = arith.constant 0 : i32
      %dma_wait3A_125 = tpu.memref_slice %arg7[%add3A_24, %dma_wait3A_124] : memref<10112x4xf32, #tpu.memory_space<vmem_shared>> -> memref<120x4xf32, #tpu.memory_space<vmem_shared>>
      %dma_wait3A_126 = arith.constant 0 : i32
      %dma_wait3A_127 = tpu.memref_slice %arg7[%add3A_24, %dma_wait3A_126] : memref<10112x4xf32, #tpu.memory_space<vmem_shared>> -> memref<120x4xf32, #tpu.memory_space<vmem_shared>>
      %dma_wait3A_128 = arith.constant 0 : i32
      %dma_wait3A_129 = arith.constant 0 : i32
      %dma_wait3A_130 = tpu.memref_slice %arg6[%run_scoped3A_25, %dma_wait3A_128, %dma_wait3A_129] : memref<2x128x4xf32, #tpu.memory_space<vmem>> -> memref<1x120x4xf32, #tpu.memory_space<vmem>>
      %dma_wait3A_131 = tpu.memref_squeeze %dma_wait3A_130 : memref<1x120x4xf32, #tpu.memory_space<vmem>> -> memref<120x4xf32, #tpu.memory_space<vmem>>
      tpu.wait_dma2 semaphore(%run_scoped3A_108 : memref<!tpu.dma_semaphore, #tpu.memory_space<semaphore_mem>>) src(%dma_wait3A_131 : memref<120x4xf32, #tpu.memory_space<vmem>>) dst(%dma_wait3A_127 : memref<120x4xf32, #tpu.memory_space<vmem_shared>>)
      tpu.yield
    }) : () -> ()
    %barrier3A = arith.constant 0 : index
    tpu.barrier barrier_id(%barrier3A)
    %dma_start3A = arith.constant 1 : i32
    %dma_start3A_26 = arith.constant 0 : i32
    %dma_start3A_27 = arith.constant 0 : i32
    %dma_start3A_28 = arith.constant 0 : i32
    %dma_start3A_29 = tpu.memref_slice %arg6[%dma_start3A, %dma_start3A_27, %dma_start3A_28] : memref<2x128x4xf32, #tpu.memory_space<vmem>> -> memref<1x128x4xf32, #tpu.memory_space<vmem>>
    %dma_start3A_30 = tpu.memref_squeeze %dma_start3A_29 : memref<1x128x4xf32, #tpu.memory_space<vmem>> -> memref<128x4xf32, #tpu.memory_space<vmem>>
    %dma_start3A_31 = arith.constant 0 : i32
    %dma_start3A_32 = tpu.memref_slice %arg5[%dma_start3A_26, %dma_start3A_31] : memref<79x128xi32, #tpu.memory_space<vmem>> -> memref<1x128xi32, #tpu.memory_space<vmem>>
    %dma_start3A_33 = tpu.memref_squeeze %dma_start3A_32 : memref<1x128xi32, #tpu.memory_space<vmem>> -> memref<128xi32, #tpu.memory_space<vmem>>
    %dma_start3A_34 = arith.constant 0 : i32
    %dma_start3A_35 = arith.constant 0 : i32
    %dma_start3A_36 = tpu.memref_slice %arg7[%dma_start3A_34, %dma_start3A_35] : memref<10112x4xf32, #tpu.memory_space<vmem_shared>> -> memref<10112x4xf32, #tpu.memory_space<vmem_shared>>
    tpu.enqueue_indirect_dma source(%dma_start3A_30 : memref<128x4xf32, #tpu.memory_space<vmem>>) target(%dma_start3A_36 : memref<10112x4xf32, #tpu.memory_space<vmem_shared>>) offsets(%dma_start3A_33 : memref<128xi32, #tpu.memory_space<vmem>>) semaphore(%arg8 : memref<!tpu.dma_semaphore, #tpu.memory_space<semaphore_mem>>) {add = true}
    %dma_start3A_37 = arith.constant 1 : i32
    %dma_start3A_38 = arith.constant 1 : i32
    %dma_start3A_39 = arith.constant 0 : i32
    %dma_start3A_40 = arith.constant 0 : i32
    %dma_start3A_41 = tpu.memref_slice %arg6[%dma_start3A_37, %dma_start3A_39, %dma_start3A_40] : memref<2x128x4xf32, #tpu.memory_space<vmem>> -> memref<1x128x4xf32, #tpu.memory_space<vmem>>
    %dma_start3A_42 = tpu.memref_squeeze %dma_start3A_41 : memref<1x128x4xf32, #tpu.memory_space<vmem>> -> memref<128x4xf32, #tpu.memory_space<vmem>>
    %dma_start3A_43 = arith.constant 0 : i32
    %dma_start3A_44 = tpu.memref_slice %arg5[%dma_start3A_38, %dma_start3A_43] : memref<79x128xi32, #tpu.memory_space<vmem>> -> memref<1x128xi32, #tpu.memory_space<vmem>>
    %dma_start3A_45 = tpu.memref_squeeze %dma_start3A_44 : memref<1x128xi32, #tpu.memory_space<vmem>> -> memref<128xi32, #tpu.memory_space<vmem>>
    %dma_start3A_46 = arith.constant 0 : i32
    %dma_start3A_47 = arith.constant 0 : i32
    %dma_start3A_48 = tpu.memref_slice %arg7[%dma_start3A_46, %dma_start3A_47] : memref<10112x4xf32, #tpu.memory_space<vmem_shared>> -> memref<10112x4xf32, #tpu.memory_space<vmem_shared>>
    tpu.enqueue_indirect_dma source(%dma_start3A_42 : memref<128x4xf32, #tpu.memory_space<vmem>>) target(%dma_start3A_48 : memref<10112x4xf32, #tpu.memory_space<vmem_shared>>) offsets(%dma_start3A_45 : memref<128xi32, #tpu.memory_space<vmem>>) semaphore(%arg8 : memref<!tpu.dma_semaphore, #tpu.memory_space<semaphore_mem>>) {add = true}
    %dma_start3A_49 = arith.constant 1 : i32
    %dma_start3A_50 = arith.constant 2 : i32
    %dma_start3A_51 = arith.constant 0 : i32
    %dma_start3A_52 = arith.constant 0 : i32
    %dma_start3A_53 = tpu.memref_slice %arg6[%dma_start3A_49, %dma_start3A_51, %dma_start3A_52] : memref<2x128x4xf32, #tpu.memory_space<vmem>> -> memref<1x128x4xf32, #tpu.memory_space<vmem>>
    %dma_start3A_54 = tpu.memref_squeeze %dma_start3A_53 : memref<1x128x4xf32, #tpu.memory_space<vmem>> -> memref<128x4xf32, #tpu.memory_space<vmem>>
    %dma_start3A_55 = arith.constant 0 : i32
    %dma_start3A_56 = tpu.memref_slice %arg5[%dma_start3A_50, %dma_start3A_55] : memref<79x128xi32, #tpu.memory_space<vmem>> -> memref<1x128xi32, #tpu.memory_space<vmem>>
    %dma_start3A_57 = tpu.memref_squeeze %dma_start3A_56 : memref<1x128xi32, #tpu.memory_space<vmem>> -> memref<128xi32, #tpu.memory_space<vmem>>
    %dma_start3A_58 = arith.constant 0 : i32
    %dma_start3A_59 = arith.constant 0 : i32
    %dma_start3A_60 = tpu.memref_slice %arg7[%dma_start3A_58, %dma_start3A_59] : memref<10112x4xf32, #tpu.memory_space<vmem_shared>> -> memref<10112x4xf32, #tpu.memory_space<vmem_shared>>
    tpu.enqueue_indirect_dma source(%dma_start3A_54 : memref<128x4xf32, #tpu.memory_space<vmem>>) target(%dma_start3A_60 : memref<10112x4xf32, #tpu.memory_space<vmem_shared>>) offsets(%dma_start3A_57 : memref<128xi32, #tpu.memory_space<vmem>>) semaphore(%arg8 : memref<!tpu.dma_semaphore, #tpu.memory_space<semaphore_mem>>) {add = true}
    %dma_start3A_61 = arith.constant 1 : i32
    %dma_start3A_62 = arith.constant 3 : i32
    %dma_start3A_63 = arith.constant 0 : i32
    %dma_start3A_64 = arith.constant 0 : i32
    %dma_start3A_65 = tpu.memref_slice %arg6[%dma_start3A_61, %dma_start3A_63, %dma_start3A_64] : memref<2x128x4xf32, #tpu.memory_space<vmem>> -> memref<1x128x4xf32, #tpu.memory_space<vmem>>
    %dma_start3A_66 = tpu.memref_squeeze %dma_start3A_65 : memref<1x128x4xf32, #tpu.memory_space<vmem>> -> memref<128x4xf32, #tpu.memory_space<vmem>>
    %dma_start3A_67 = arith.constant 0 : i32
    %dma_start3A_68 = tpu.memref_slice %arg5[%dma_start3A_62, %dma_start3A_67] : memref<79x128xi32, #tpu.memory_space<vmem>> -> memref<1x128xi32, #tpu.memory_space<vmem>>
    %dma_start3A_69 = tpu.memref_squeeze %dma_start3A_68 : memref<1x128xi32, #tpu.memory_space<vmem>> -> memref<128xi32, #tpu.memory_space<vmem>>
    %dma_start3A_70 = arith.constant 0 : i32
    %dma_start3A_71 = arith.constant 0 : i32
    %dma_start3A_72 = tpu.memref_slice %arg7[%dma_start3A_70, %dma_start3A_71] : memref<10112x4xf32, #tpu.memory_space<vmem_shared>> -> memref<10112x4xf32, #tpu.memory_space<vmem_shared>>
    tpu.enqueue_indirect_dma source(%dma_start3A_66 : memref<128x4xf32, #tpu.memory_space<vmem>>) target(%dma_start3A_72 : memref<10112x4xf32, #tpu.memory_space<vmem_shared>>) offsets(%dma_start3A_69 : memref<128xi32, #tpu.memory_space<vmem>>) semaphore(%arg8 : memref<!tpu.dma_semaphore, #tpu.memory_space<semaphore_mem>>) {add = true}
    %while3A = arith.constant 1 : i32
    %while3A_73 = arith.constant 4 : i32
    %while3A_74 = arith.constant 0 : i32
    %while3A_75 = arith.subi %select_n3A, %while3A_73 : i32
    %while3A_76 = arith.addi %while3A_73, %while3A_75 : i32
    %while3A_77 = arith.constant 1 : i32
    %while3A_78 = arith.divsi %while3A_75, %while3A_77 : i32
    %while3A_79 = arith.muli %while3A_78, %while3A_77 : i32
    %while3A_80 = arith.addi %while3A_73, %while3A_79 : i32
    %while3A_81 = arith.constant 1 : i32
    %while3A_82 = scf.for %while3A_108 = %while3A_73 to %while3A_80 step %while3A_81 iter_args(%while3A_109 = %while3A_74) -> (i32)  : i32 {
      %sub3A_110 = arith.constant 4 : i32
      %sub3A_111 = arith.subi %while3A_108, %sub3A_110 : i32
      %dma_wait3A = arith.constant 0 : i32
      %dma_wait3A_112 = arith.constant 0 : i32
      %dma_wait3A_113 = tpu.memref_slice %arg6[%while3A, %dma_wait3A, %dma_wait3A_112] : memref<2x128x4xf32, #tpu.memory_space<vmem>> -> memref<1x128x4xf32, #tpu.memory_space<vmem>>
      %dma_wait3A_114 = tpu.memref_squeeze %dma_wait3A_113 : memref<1x128x4xf32, #tpu.memory_space<vmem>> -> memref<128x4xf32, #tpu.memory_space<vmem>>
      %dma_wait3A_115 = arith.constant 0 : i32
      %dma_wait3A_116 = tpu.memref_slice %arg5[%sub3A_111, %dma_wait3A_115] : memref<79x128xi32, #tpu.memory_space<vmem>> -> memref<1x128xi32, #tpu.memory_space<vmem>>
      %dma_wait3A_117 = tpu.memref_squeeze %dma_wait3A_116 : memref<1x128xi32, #tpu.memory_space<vmem>> -> memref<128xi32, #tpu.memory_space<vmem>>
      %dma_wait3A_118 = arith.constant 0 : i32
      %dma_wait3A_119 = arith.constant 0 : i32
      %dma_wait3A_120 = tpu.memref_slice %arg7[%dma_wait3A_118, %dma_wait3A_119] : memref<10112x4xf32, #tpu.memory_space<vmem_shared>> -> memref<10112x4xf32, #tpu.memory_space<vmem_shared>>
      tpu.wait_indirect_dma semaphore(%arg8 : memref<!tpu.dma_semaphore, #tpu.memory_space<semaphore_mem>>) src(%dma_wait3A_114 : memref<128x4xf32, #tpu.memory_space<vmem>>) dst(%dma_wait3A_120 : memref<10112x4xf32, #tpu.memory_space<vmem_shared>>)
      %dma_start3A_121 = arith.constant 0 : i32
      %dma_start3A_122 = arith.constant 0 : i32
      %dma_start3A_123 = tpu.memref_slice %arg6[%while3A, %dma_start3A_121, %dma_start3A_122] : memref<2x128x4xf32, #tpu.memory_space<vmem>> -> memref<1x128x4xf32, #tpu.memory_space<vmem>>
      %dma_start3A_124 = tpu.memref_squeeze %dma_start3A_123 : memref<1x128x4xf32, #tpu.memory_space<vmem>> -> memref<128x4xf32, #tpu.memory_space<vmem>>
      %dma_start3A_125 = arith.constant 0 : i32
      %dma_start3A_126 = tpu.memref_slice %arg5[%while3A_108, %dma_start3A_125] : memref<79x128xi32, #tpu.memory_space<vmem>> -> memref<1x128xi32, #tpu.memory_space<vmem>>
      %dma_start3A_127 = tpu.memref_squeeze %dma_start3A_126 : memref<1x128xi32, #tpu.memory_space<vmem>> -> memref<128xi32, #tpu.memory_space<vmem>>
      %dma_start3A_128 = arith.constant 0 : i32
      %dma_start3A_129 = arith.constant 0 : i32
      %dma_start3A_130 = tpu.memref_slice %arg7[%dma_start3A_128, %dma_start3A_129] : memref<10112x4xf32, #tpu.memory_space<vmem_shared>> -> memref<10112x4xf32, #tpu.memory_space<vmem_shared>>
      tpu.enqueue_indirect_dma source(%dma_start3A_124 : memref<128x4xf32, #tpu.memory_space<vmem>>) target(%dma_start3A_130 : memref<10112x4xf32, #tpu.memory_space<vmem_shared>>) offsets(%dma_start3A_127 : memref<128xi32, #tpu.memory_space<vmem>>) semaphore(%arg8 : memref<!tpu.dma_semaphore, #tpu.memory_space<semaphore_mem>>) {add = true}
      %while3A_131 = arith.constant 0 : i32
      scf.yield %while3A_131 : i32
    }
    %while3A_83 = arith.constant 1 : i32
    %while3A_84 = scf.for %while3A_108 = %while3A_80 to %while3A_76 step %while3A_83 iter_args(%while3A_109 = %while3A_82) -> (i32)  : i32 {
      %sub3A_110 = arith.constant 4 : i32
      %sub3A_111 = arith.subi %while3A_108, %sub3A_110 : i32
      %dma_wait3A = arith.constant 0 : i32
      %dma_wait3A_112 = arith.constant 0 : i32
      %dma_wait3A_113 = tpu.memref_slice %arg6[%while3A, %dma_wait3A, %dma_wait3A_112] : memref<2x128x4xf32, #tpu.memory_space<vmem>> -> memref<1x128x4xf32, #tpu.memory_space<vmem>>
      %dma_wait3A_114 = tpu.memref_squeeze %dma_wait3A_113 : memref<1x128x4xf32, #tpu.memory_space<vmem>> -> memref<128x4xf32, #tpu.memory_space<vmem>>
      %dma_wait3A_115 = arith.constant 0 : i32
      %dma_wait3A_116 = tpu.memref_slice %arg5[%sub3A_111, %dma_wait3A_115] : memref<79x128xi32, #tpu.memory_space<vmem>> -> memref<1x128xi32, #tpu.memory_space<vmem>>
      %dma_wait3A_117 = tpu.memref_squeeze %dma_wait3A_116 : memref<1x128xi32, #tpu.memory_space<vmem>> -> memref<128xi32, #tpu.memory_space<vmem>>
      %dma_wait3A_118 = arith.constant 0 : i32
      %dma_wait3A_119 = arith.constant 0 : i32
      %dma_wait3A_120 = tpu.memref_slice %arg7[%dma_wait3A_118, %dma_wait3A_119] : memref<10112x4xf32, #tpu.memory_space<vmem_shared>> -> memref<10112x4xf32, #tpu.memory_space<vmem_shared>>
      tpu.wait_indirect_dma semaphore(%arg8 : memref<!tpu.dma_semaphore, #tpu.memory_space<semaphore_mem>>) src(%dma_wait3A_114 : memref<128x4xf32, #tpu.memory_space<vmem>>) dst(%dma_wait3A_120 : memref<10112x4xf32, #tpu.memory_space<vmem_shared>>)
      %dma_start3A_121 = arith.constant 0 : i32
      %dma_start3A_122 = arith.constant 0 : i32
      %dma_start3A_123 = tpu.memref_slice %arg6[%while3A, %dma_start3A_121, %dma_start3A_122] : memref<2x128x4xf32, #tpu.memory_space<vmem>> -> memref<1x128x4xf32, #tpu.memory_space<vmem>>
      %dma_start3A_124 = tpu.memref_squeeze %dma_start3A_123 : memref<1x128x4xf32, #tpu.memory_space<vmem>> -> memref<128x4xf32, #tpu.memory_space<vmem>>
      %dma_start3A_125 = arith.constant 0 : i32
      %dma_start3A_126 = tpu.memref_slice %arg5[%while3A_108, %dma_start3A_125] : memref<79x128xi32, #tpu.memory_space<vmem>> -> memref<1x128xi32, #tpu.memory_space<vmem>>
      %dma_start3A_127 = tpu.memref_squeeze %dma_start3A_126 : memref<1x128xi32, #tpu.memory_space<vmem>> -> memref<128xi32, #tpu.memory_space<vmem>>
      %dma_start3A_128 = arith.constant 0 : i32
      %dma_start3A_129 = arith.constant 0 : i32
      %dma_start3A_130 = tpu.memref_slice %arg7[%dma_start3A_128, %dma_start3A_129] : memref<10112x4xf32, #tpu.memory_space<vmem_shared>> -> memref<10112x4xf32, #tpu.memory_space<vmem_shared>>
      tpu.enqueue_indirect_dma source(%dma_start3A_124 : memref<128x4xf32, #tpu.memory_space<vmem>>) target(%dma_start3A_130 : memref<10112x4xf32, #tpu.memory_space<vmem_shared>>) offsets(%dma_start3A_127 : memref<128xi32, #tpu.memory_space<vmem>>) semaphore(%arg8 : memref<!tpu.dma_semaphore, #tpu.memory_space<semaphore_mem>>) {add = true}
      %while3A_131 = arith.constant 0 : i32
      scf.yield %while3A_131 : i32
    }
    %sub3A = arith.constant 4 : i32
    %sub3A_85 = arith.subi %select_n3A, %sub3A : i32
    %while3A_86 = arith.constant 1 : i32
    %while3A_87 = arith.constant 0 : i32
    %while3A_88 = arith.subi %select_n3A, %sub3A_85 : i32
    %while3A_89 = arith.addi %sub3A_85, %while3A_88 : i32
    %while3A_90 = arith.constant 1 : i32
    %while3A_91 = arith.divsi %while3A_88, %while3A_90 : i32
    %while3A_92 = arith.muli %while3A_91, %while3A_90 : i32
    %while3A_93 = arith.addi %sub3A_85, %while3A_92 : i32
    %while3A_94 = arith.constant 1 : i32
    %while3A_95 = scf.for %while3A_108 = %sub3A_85 to %while3A_93 step %while3A_94 iter_args(%while3A_109 = %while3A_87) -> (i32)  : i32 {
      %dma_wait3A = arith.constant 0 : i32
      %dma_wait3A_110 = arith.constant 0 : i32
      %dma_wait3A_111 = tpu.memref_slice %arg6[%while3A_86, %dma_wait3A, %dma_wait3A_110] : memref<2x128x4xf32, #tpu.memory_space<vmem>> -> memref<1x128x4xf32, #tpu.memory_space<vmem>>
      %dma_wait3A_112 = tpu.memref_squeeze %dma_wait3A_111 : memref<1x128x4xf32, #tpu.memory_space<vmem>> -> memref<128x4xf32, #tpu.memory_space<vmem>>
      %dma_wait3A_113 = arith.constant 0 : i32
      %dma_wait3A_114 = tpu.memref_slice %arg5[%while3A_108, %dma_wait3A_113] : memref<79x128xi32, #tpu.memory_space<vmem>> -> memref<1x128xi32, #tpu.memory_space<vmem>>
      %dma_wait3A_115 = tpu.memref_squeeze %dma_wait3A_114 : memref<1x128xi32, #tpu.memory_space<vmem>> -> memref<128xi32, #tpu.memory_space<vmem>>
      %dma_wait3A_116 = arith.constant 0 : i32
      %dma_wait3A_117 = arith.constant 0 : i32
      %dma_wait3A_118 = tpu.memref_slice %arg7[%dma_wait3A_116, %dma_wait3A_117] : memref<10112x4xf32, #tpu.memory_space<vmem_shared>> -> memref<10112x4xf32, #tpu.memory_space<vmem_shared>>
      tpu.wait_indirect_dma semaphore(%arg8 : memref<!tpu.dma_semaphore, #tpu.memory_space<semaphore_mem>>) src(%dma_wait3A_112 : memref<128x4xf32, #tpu.memory_space<vmem>>) dst(%dma_wait3A_118 : memref<10112x4xf32, #tpu.memory_space<vmem_shared>>)
      %while3A_119 = arith.constant 0 : i32
      scf.yield %while3A_119 : i32
    }
    %while3A_96 = arith.constant 1 : i32
    %while3A_97 = scf.for %while3A_108 = %while3A_93 to %while3A_89 step %while3A_96 iter_args(%while3A_109 = %while3A_95) -> (i32)  : i32 {
      %dma_wait3A = arith.constant 0 : i32
      %dma_wait3A_110 = arith.constant 0 : i32
      %dma_wait3A_111 = tpu.memref_slice %arg6[%while3A_86, %dma_wait3A, %dma_wait3A_110] : memref<2x128x4xf32, #tpu.memory_space<vmem>> -> memref<1x128x4xf32, #tpu.memory_space<vmem>>
      %dma_wait3A_112 = tpu.memref_squeeze %dma_wait3A_111 : memref<1x128x4xf32, #tpu.memory_space<vmem>> -> memref<128x4xf32, #tpu.memory_space<vmem>>
      %dma_wait3A_113 = arith.constant 0 : i32
      %dma_wait3A_114 = tpu.memref_slice %arg5[%while3A_108, %dma_wait3A_113] : memref<79x128xi32, #tpu.memory_space<vmem>> -> memref<1x128xi32, #tpu.memory_space<vmem>>
      %dma_wait3A_115 = tpu.memref_squeeze %dma_wait3A_114 : memref<1x128xi32, #tpu.memory_space<vmem>> -> memref<128xi32, #tpu.memory_space<vmem>>
      %dma_wait3A_116 = arith.constant 0 : i32
      %dma_wait3A_117 = arith.constant 0 : i32
      %dma_wait3A_118 = tpu.memref_slice %arg7[%dma_wait3A_116, %dma_wait3A_117] : memref<10112x4xf32, #tpu.memory_space<vmem_shared>> -> memref<10112x4xf32, #tpu.memory_space<vmem_shared>>
      tpu.wait_indirect_dma semaphore(%arg8 : memref<!tpu.dma_semaphore, #tpu.memory_space<semaphore_mem>>) src(%dma_wait3A_112 : memref<128x4xf32, #tpu.memory_space<vmem>>) dst(%dma_wait3A_118 : memref<10112x4xf32, #tpu.memory_space<vmem_shared>>)
      %while3A_119 = arith.constant 0 : i32
      scf.yield %while3A_119 : i32
    }
    %barrier3A_98 = arith.constant 0 : index
    tpu.barrier barrier_id(%barrier3A_98)
    %lt3A_99 = arith.constant 15 : i32
    %lt3A_100 = arith.cmpi slt, %arg1, %lt3A_99 : i32
    %convert_element_type3A_101 = arith.extui %lt3A_100 : i1 to i32
    %cond3A_102 = arith.constant 0 : i32
    %cond3A_103 = arith.cmpi ne, %convert_element_type3A_101, %cond3A_102 : i32
    scf.if %cond3A_103 {
      "tpu.region"() ({
        %run_scoped3A_108 = tpu.sem_alloc : memref<!tpu.dma_semaphore, #tpu.memory_space<semaphore_mem>>
        %dma_start3A_109 = arith.constant 0 : i32
        %dma_start3A_110 = tpu.memref_slice %arg4[%arg0, %mul3A_11, %dma_start3A_109] : memref<2x10000x4xf32, #tpu.memory_space<hbm>> -> memref<1x632x4xf32, #tpu.memory_space<hbm>>
        %dma_start3A_111 = tpu.memref_squeeze %dma_start3A_110 : memref<1x632x4xf32, #tpu.memory_space<hbm>> -> memref<632x4xf32, #tpu.memory_space<hbm>>
        %dma_start3A_112 = arith.constant 0 : i32
        %dma_start3A_113 = tpu.memref_slice %arg7[%mul3A_11, %dma_start3A_112] : memref<10112x4xf32, #tpu.memory_space<vmem_shared>> -> memref<632x4xf32, #tpu.memory_space<vmem_shared>>
        tpu.enqueue_dma source(%dma_start3A_113 : memref<632x4xf32, #tpu.memory_space<vmem_shared>>) target(%dma_start3A_111 : memref<632x4xf32, #tpu.memory_space<hbm>>) target_semaphore(%run_scoped3A_108 : memref<!tpu.dma_semaphore, #tpu.memory_space<semaphore_mem>>)
        %dma_wait3A = arith.constant 0 : i32
        %dma_wait3A_114 = tpu.memref_slice %arg4[%arg0, %mul3A_11, %dma_wait3A] : memref<2x10000x4xf32, #tpu.memory_space<hbm>> -> memref<1x632x4xf32, #tpu.memory_space<hbm>>
        %dma_wait3A_115 = tpu.memref_squeeze %dma_wait3A_114 : memref<1x632x4xf32, #tpu.memory_space<hbm>> -> memref<632x4xf32, #tpu.memory_space<hbm>>
        %dma_wait3A_116 = arith.constant 0 : i32
        %dma_wait3A_117 = tpu.memref_slice %arg7[%mul3A_11, %dma_wait3A_116] : memref<10112x4xf32, #tpu.memory_space<vmem_shared>> -> memref<632x4xf32, #tpu.memory_space<vmem_shared>>
        tpu.wait_dma2 semaphore(%run_scoped3A_108 : memref<!tpu.dma_semaphore, #tpu.memory_space<semaphore_mem>>) src(%dma_wait3A_117 : memref<632x4xf32, #tpu.memory_space<vmem_shared>>) dst(%dma_wait3A_115 : memref<632x4xf32, #tpu.memory_space<hbm>>)
        tpu.yield
      }) : () -> ()
    } else {
    }
    %eq3A = arith.constant 15 : i32
    %eq3A_104 = arith.cmpi eq, %arg1, %eq3A : i32
    %convert_element_type3A_105 = arith.extui %eq3A_104 : i1 to i32
    %cond3A_106 = arith.constant 0 : i32
    %cond3A_107 = arith.cmpi ne, %convert_element_type3A_105, %cond3A_106 : i32
    scf.if %cond3A_107 {
      "tpu.region"() ({
        %run_scoped3A_108 = tpu.sem_alloc : memref<!tpu.dma_semaphore, #tpu.memory_space<semaphore_mem>>
        %dma_start3A_109 = arith.constant 9480 : i32
        %dma_start3A_110 = arith.constant 0 : i32
        %dma_start3A_111 = tpu.memref_slice %arg4[%arg0, %dma_start3A_109, %dma_start3A_110] : memref<2x10000x4xf32, #tpu.memory_space<hbm>> -> memref<1x520x4xf32, #tpu.memory_space<hbm>>
        %dma_start3A_112 = tpu.memref_squeeze %dma_start3A_111 : memref<1x520x4xf32, #tpu.memory_space<hbm>> -> memref<520x4xf32, #tpu.memory_space<hbm>>
        %dma_start3A_113 = arith.constant 9480 : i32
        %dma_start3A_114 = arith.constant 0 : i32
        %dma_start3A_115 = tpu.memref_slice %arg7[%dma_start3A_113, %dma_start3A_114] : memref<10112x4xf32, #tpu.memory_space<vmem_shared>> -> memref<520x4xf32, #tpu.memory_space<vmem_shared>>
        tpu.enqueue_dma source(%dma_start3A_115 : memref<520x4xf32, #tpu.memory_space<vmem_shared>>) target(%dma_start3A_112 : memref<520x4xf32, #tpu.memory_space<hbm>>) target_semaphore(%run_scoped3A_108 : memref<!tpu.dma_semaphore, #tpu.memory_space<semaphore_mem>>)
        %dma_wait3A = arith.constant 9480 : i32
        %dma_wait3A_116 = arith.constant 0 : i32
        %dma_wait3A_117 = tpu.memref_slice %arg4[%arg0, %dma_wait3A, %dma_wait3A_116] : memref<2x10000x4xf32, #tpu.memory_space<hbm>> -> memref<1x520x4xf32, #tpu.memory_space<hbm>>
        %dma_wait3A_118 = tpu.memref_squeeze %dma_wait3A_117 : memref<1x520x4xf32, #tpu.memory_space<hbm>> -> memref<520x4xf32, #tpu.memory_space<hbm>>
        %dma_wait3A_119 = arith.constant 9480 : i32
        %dma_wait3A_120 = arith.constant 0 : i32
        %dma_wait3A_121 = tpu.memref_slice %arg7[%dma_wait3A_119, %dma_wait3A_120] : memref<10112x4xf32, #tpu.memory_space<vmem_shared>> -> memref<520x4xf32, #tpu.memory_space<vmem_shared>>
        tpu.wait_dma2 semaphore(%run_scoped3A_108 : memref<!tpu.dma_semaphore, #tpu.memory_space<semaphore_mem>>) src(%dma_wait3A_121 : memref<520x4xf32, #tpu.memory_space<vmem_shared>>) dst(%dma_wait3A_118 : memref<520x4xf32, #tpu.memory_space<hbm>>)
        tpu.yield
      }) : () -> ()
    } else {
    }
    return
  }
}

#map = affine_map<(d0, d1) -> (0, 0, 0)>
module attributes {stable_mosaic.version = 14 : i64} {
  func.func @k(%arg0: i32, %arg1: i32, %arg2: memref<2x10000x64xf32, #tpu.memory_space<hbm>>, %arg3: memref<16x160x128xi32, #tpu.memory_space<hbm>>, %arg4: memref<16x160x128xi32, #tpu.memory_space<hbm>>, %arg5: memref<2x10000x64xf32, #tpu.memory_space<hbm>>, %arg6: memref<160x128xi32, #tpu.memory_space<vmem>>, %arg7: memref<160x128xi32, #tpu.memory_space<vmem>>, %arg8: memref<2x128x64xf32, #tpu.memory_space<vmem>>, %arg9: memref<10112x64xf32, #tpu.memory_space<vmem_shared>>, %arg10: memref<!tpu.dma_semaphore, #tpu.memory_space<semaphore_mem>>, %arg11: memref<!tpu.dma_semaphore, #tpu.memory_space<semaphore_mem>>, %arg12: memref<!tpu.dma_semaphore, #tpu.memory_space<semaphore_mem>>, %arg13: memref<!tpu.dma_semaphore, #tpu.memory_space<semaphore_mem>>, %arg14: memref<!tpu.dma_semaphore, #tpu.memory_space<semaphore_mem>>, %arg15: memref<!tpu.dma_semaphore, #tpu.memory_space<semaphore_mem>>, %arg16: memref<!tpu.dma_semaphore, #tpu.memory_space<semaphore_mem>>, %arg17: memref<!tpu.dma_semaphore, #tpu.memory_space<semaphore_mem>>) attributes {dimension_semantics = [#tpu.dimension_semantics<core_parallel>, #tpu.dimension_semantics<subcore_parallel>], iteration_bounds = array<i64: 2, 16>, scalar_prefetch = 0 : i64, scratch_operands = 12 : i64, tpu.core_type = #tpu.core_type<sc_vector_subcore>, window_params = [{transform_indices = #map}, {transform_indices = #map}, {transform_indices = #map}, {transform_indices = #map}]} {
    "tpu.region"() ({
      %run_scoped3A_145 = tpu.sem_alloc : memref<!tpu.dma_semaphore, #tpu.memory_space<semaphore_mem>>
      %dma_start3A_146 = arith.constant 0 : i32
      %dma_start3A_147 = arith.constant 0 : i32
      %dma_start3A_148 = tpu.memref_slice %arg3[%arg1, %dma_start3A_146, %dma_start3A_147] : memref<16x160x128xi32, #tpu.memory_space<hbm>> -> memref<1x160x128xi32, #tpu.memory_space<hbm>>
      %dma_start3A_149 = tpu.memref_squeeze %dma_start3A_148 : memref<1x160x128xi32, #tpu.memory_space<hbm>> -> memref<160x128xi32, #tpu.memory_space<hbm>>
      %dma_start3A_150 = arith.constant 0 : i32
      %dma_start3A_151 = arith.constant 0 : i32
      %dma_start3A_152 = tpu.memref_slice %arg3[%arg1, %dma_start3A_150, %dma_start3A_151] : memref<16x160x128xi32, #tpu.memory_space<hbm>> -> memref<1x160x128xi32, #tpu.memory_space<hbm>>
      %dma_start3A_153 = tpu.memref_squeeze %dma_start3A_152 : memref<1x160x128xi32, #tpu.memory_space<hbm>> -> memref<160x128xi32, #tpu.memory_space<hbm>>
      tpu.enqueue_dma source(%dma_start3A_153 : memref<160x128xi32, #tpu.memory_space<hbm>>) target(%arg6 : memref<160x128xi32, #tpu.memory_space<vmem>>) target_semaphore(%run_scoped3A_145 : memref<!tpu.dma_semaphore, #tpu.memory_space<semaphore_mem>>)
      %dma_wait3A_154 = arith.constant 0 : i32
      %dma_wait3A_155 = arith.constant 0 : i32
      %dma_wait3A_156 = tpu.memref_slice %arg3[%arg1, %dma_wait3A_154, %dma_wait3A_155] : memref<16x160x128xi32, #tpu.memory_space<hbm>> -> memref<1x160x128xi32, #tpu.memory_space<hbm>>
      %dma_wait3A_157 = tpu.memref_squeeze %dma_wait3A_156 : memref<1x160x128xi32, #tpu.memory_space<hbm>> -> memref<160x128xi32, #tpu.memory_space<hbm>>
      %dma_wait3A_158 = arith.constant 0 : i32
      %dma_wait3A_159 = arith.constant 0 : i32
      %dma_wait3A_160 = tpu.memref_slice %arg3[%arg1, %dma_wait3A_158, %dma_wait3A_159] : memref<16x160x128xi32, #tpu.memory_space<hbm>> -> memref<1x160x128xi32, #tpu.memory_space<hbm>>
      %dma_wait3A_161 = tpu.memref_squeeze %dma_wait3A_160 : memref<1x160x128xi32, #tpu.memory_space<hbm>> -> memref<160x128xi32, #tpu.memory_space<hbm>>
      tpu.wait_dma2 semaphore(%run_scoped3A_145 : memref<!tpu.dma_semaphore, #tpu.memory_space<semaphore_mem>>) src(%dma_wait3A_161 : memref<160x128xi32, #tpu.memory_space<hbm>>) dst(%arg6 : memref<160x128xi32, #tpu.memory_space<vmem>>)
      tpu.yield
    }) : () -> ()
    "tpu.region"() ({
      %run_scoped3A_145 = tpu.sem_alloc : memref<!tpu.dma_semaphore, #tpu.memory_space<semaphore_mem>>
      %dma_start3A_146 = arith.constant 0 : i32
      %dma_start3A_147 = arith.constant 0 : i32
      %dma_start3A_148 = tpu.memref_slice %arg4[%arg1, %dma_start3A_146, %dma_start3A_147] : memref<16x160x128xi32, #tpu.memory_space<hbm>> -> memref<1x160x128xi32, #tpu.memory_space<hbm>>
      %dma_start3A_149 = tpu.memref_squeeze %dma_start3A_148 : memref<1x160x128xi32, #tpu.memory_space<hbm>> -> memref<160x128xi32, #tpu.memory_space<hbm>>
      %dma_start3A_150 = arith.constant 0 : i32
      %dma_start3A_151 = arith.constant 0 : i32
      %dma_start3A_152 = tpu.memref_slice %arg4[%arg1, %dma_start3A_150, %dma_start3A_151] : memref<16x160x128xi32, #tpu.memory_space<hbm>> -> memref<1x160x128xi32, #tpu.memory_space<hbm>>
      %dma_start3A_153 = tpu.memref_squeeze %dma_start3A_152 : memref<1x160x128xi32, #tpu.memory_space<hbm>> -> memref<160x128xi32, #tpu.memory_space<hbm>>
      tpu.enqueue_dma source(%dma_start3A_153 : memref<160x128xi32, #tpu.memory_space<hbm>>) target(%arg7 : memref<160x128xi32, #tpu.memory_space<vmem>>) target_semaphore(%run_scoped3A_145 : memref<!tpu.dma_semaphore, #tpu.memory_space<semaphore_mem>>)
      %dma_wait3A_154 = arith.constant 0 : i32
      %dma_wait3A_155 = arith.constant 0 : i32
      %dma_wait3A_156 = tpu.memref_slice %arg4[%arg1, %dma_wait3A_154, %dma_wait3A_155] : memref<16x160x128xi32, #tpu.memory_space<hbm>> -> memref<1x160x128xi32, #tpu.memory_space<hbm>>
      %dma_wait3A_157 = tpu.memref_squeeze %dma_wait3A_156 : memref<1x160x128xi32, #tpu.memory_space<hbm>> -> memref<160x128xi32, #tpu.memory_space<hbm>>
      %dma_wait3A_158 = arith.constant 0 : i32
      %dma_wait3A_159 = arith.constant 0 : i32
      %dma_wait3A_160 = tpu.memref_slice %arg4[%arg1, %dma_wait3A_158, %dma_wait3A_159] : memref<16x160x128xi32, #tpu.memory_space<hbm>> -> memref<1x160x128xi32, #tpu.memory_space<hbm>>
      %dma_wait3A_161 = tpu.memref_squeeze %dma_wait3A_160 : memref<1x160x128xi32, #tpu.memory_space<hbm>> -> memref<160x128xi32, #tpu.memory_space<hbm>>
      tpu.wait_dma2 semaphore(%run_scoped3A_145 : memref<!tpu.dma_semaphore, #tpu.memory_space<semaphore_mem>>) src(%dma_wait3A_161 : memref<160x128xi32, #tpu.memory_space<hbm>>) dst(%arg7 : memref<160x128xi32, #tpu.memory_space<vmem>>)
      tpu.yield
    }) : () -> ()
    %broadcast_in_dim3A = arith.constant 0.000000e+00 : f32
    %broadcast_in_dim3A_0 = vector.broadcast %broadcast_in_dim3A : f32 to vector<16xf32>
    %scan3A = arith.constant 0 : i32
    %scan3A_1 = arith.constant 0 : i32
    %scan3A_2 = arith.constant 128 : i32
    %scan3A_3 = arith.addi %scan3A_1, %scan3A_2 : i32
    %scan3A_4 = arith.constant 1 : i32
    %scan3A_5 = scf.for %scan3A_145 = %scan3A_1 to %scan3A_3 step %scan3A_4 iter_args(%scan3A_146 = %scan3A) -> (i32)  : i32 {
      %swap3A = arith.constant 0 : i32
      %swap3A_147 = arith.index_cast %swap3A : i32 to index
      %swap3A_148 = arith.index_cast %scan3A_145 : i32 to index
      %swap3A_149 = arith.constant 0 : index
      %swap3A_150 = tpu.vector_load %arg8[%swap3A_147, %swap3A_148, %swap3A_149] {strides = array<i32>} : memref<2x128x64xf32, #tpu.memory_space<vmem>>, vector<1x1x16xf32>,
      %swap3A_151 = vector.shape_cast %swap3A_150 : vector<1x1x16xf32> to vector<16xf32>
      %swap3A_152 = vector.shape_cast %broadcast_in_dim3A_0 : vector<16xf32> to vector<1x1x16xf32>
      tpu.vector_store %arg8[%swap3A_147, %swap3A_148, %swap3A_149], %swap3A_152 {strides = array<i32>} : memref<2x128x64xf32, #tpu.memory_space<vmem>>, vector<1x1x16xf32>,
      %swap3A_153 = arith.constant 0 : i32
      %swap3A_154 = arith.index_cast %swap3A_153 : i32 to index
      %swap3A_155 = arith.index_cast %scan3A_145 : i32 to index
      %swap3A_156 = arith.constant 16 : index
      %swap3A_157 = tpu.vector_load %arg8[%swap3A_154, %swap3A_155, %swap3A_156] {strides = array<i32>} : memref<2x128x64xf32, #tpu.memory_space<vmem>>, vector<1x1x16xf32>,
      %swap3A_158 = vector.shape_cast %swap3A_157 : vector<1x1x16xf32> to vector<16xf32>
      %swap3A_159 = vector.shape_cast %broadcast_in_dim3A_0 : vector<16xf32> to vector<1x1x16xf32>
      tpu.vector_store %arg8[%swap3A_154, %swap3A_155, %swap3A_156], %swap3A_159 {strides = array<i32>} : memref<2x128x64xf32, #tpu.memory_space<vmem>>, vector<1x1x16xf32>,
      %swap3A_160 = arith.constant 0 : i32
      %swap3A_161 = arith.index_cast %swap3A_160 : i32 to index
      %swap3A_162 = arith.index_cast %scan3A_145 : i32 to index
      %swap3A_163 = arith.constant 32 : index
      %swap3A_164 = tpu.vector_load %arg8[%swap3A_161, %swap3A_162, %swap3A_163] {strides = array<i32>} : memref<2x128x64xf32, #tpu.memory_space<vmem>>, vector<1x1x16xf32>,
      %swap3A_165 = vector.shape_cast %swap3A_164 : vector<1x1x16xf32> to vector<16xf32>
      %swap3A_166 = vector.shape_cast %broadcast_in_dim3A_0 : vector<16xf32> to vector<1x1x16xf32>
      tpu.vector_store %arg8[%swap3A_161, %swap3A_162, %swap3A_163], %swap3A_166 {strides = array<i32>} : memref<2x128x64xf32, #tpu.memory_space<vmem>>, vector<1x1x16xf32>,
      %swap3A_167 = arith.constant 0 : i32
      %swap3A_168 = arith.index_cast %swap3A_167 : i32 to index
      %swap3A_169 = arith.index_cast %scan3A_145 : i32 to index
      %swap3A_170 = arith.constant 48 : index
      %swap3A_171 = tpu.vector_load %arg8[%swap3A_168, %swap3A_169, %swap3A_170] {strides = array<i32>} : memref<2x128x64xf32, #tpu.memory_space<vmem>>, vector<1x1x16xf32>,
      %swap3A_172 = vector.shape_cast %swap3A_171 : vector<1x1x16xf32> to vector<16xf32>
      %swap3A_173 = vector.shape_cast %broadcast_in_dim3A_0 : vector<16xf32> to vector<1x1x16xf32>
      tpu.vector_store %arg8[%swap3A_168, %swap3A_169, %swap3A_170], %swap3A_173 {strides = array<i32>} : memref<2x128x64xf32, #tpu.memory_space<vmem>>, vector<1x1x16xf32>,
      %scan3A_174 = arith.constant 0 : i32
      scf.yield %scan3A_174 : i32
    }
    %scan3A_6 = arith.constant 128 : i32
    %mul3A = arith.constant 632 : i32
    %mul3A_7 = arith.muli %arg1, %mul3A : i32
    %add3A = arith.constant 0 : i32
    %add3A_8 = arith.addi %mul3A_7, %add3A : i32
    %run_scoped3A = arith.constant 0 : i32
    "tpu.region"() ({
      %run_scoped3A_145 = tpu.sem_alloc : memref<!tpu.dma_semaphore, #tpu.memory_space<semaphore_mem>>
      %dma_start3A_146 = arith.constant 0 : i32
      %dma_start3A_147 = arith.constant 0 : i32
      %dma_start3A_148 = tpu.memref_slice %arg8[%run_scoped3A, %dma_start3A_146, %dma_start3A_147] : memref<2x128x64xf32, #tpu.memory_space<vmem>> -> memref<1x128x64xf32, #tpu.memory_space<vmem>>
      %dma_start3A_149 = tpu.memref_squeeze %dma_start3A_148 : memref<1x128x64xf32, #tpu.memory_space<vmem>> -> memref<128x64xf32, #tpu.memory_space<vmem>>
      %dma_start3A_150 = arith.constant 0 : i32
      %dma_start3A_151 = tpu.memref_slice %arg9[%add3A_8, %dma_start3A_150] : memref<10112x64xf32, #tpu.memory_space<vmem_shared>> -> memref<128x64xf32, #tpu.memory_space<vmem_shared>>
      %dma_start3A_152 = arith.constant 0 : i32
      %dma_start3A_153 = tpu.memref_slice %arg9[%add3A_8, %dma_start3A_152] : memref<10112x64xf32, #tpu.memory_space<vmem_shared>> -> memref<128x64xf32, #tpu.memory_space<vmem_shared>>
      %dma_start3A_154 = arith.constant 0 : i32
      %dma_start3A_155 = arith.constant 0 : i32
      %dma_start3A_156 = tpu.memref_slice %arg8[%run_scoped3A, %dma_start3A_154, %dma_start3A_155] : memref<2x128x64xf32, #tpu.memory_space<vmem>> -> memref<1x128x64xf32, #tpu.memory_space<vmem>>
      %dma_start3A_157 = tpu.memref_squeeze %dma_start3A_156 : memref<1x128x64xf32, #tpu.memory_space<vmem>> -> memref<128x64xf32, #tpu.memory_space<vmem>>
      tpu.enqueue_dma source(%dma_start3A_157 : memref<128x64xf32, #tpu.memory_space<vmem>>) target(%dma_start3A_153 : memref<128x64xf32, #tpu.memory_space<vmem_shared>>) target_semaphore(%run_scoped3A_145 : memref<!tpu.dma_semaphore, #tpu.memory_space<semaphore_mem>>)
      %dma_wait3A_158 = arith.constant 0 : i32
      %dma_wait3A_159 = arith.constant 0 : i32
      %dma_wait3A_160 = tpu.memref_slice %arg8[%run_scoped3A, %dma_wait3A_158, %dma_wait3A_159] : memref<2x128x64xf32, #tpu.memory_space<vmem>> -> memref<1x128x64xf32, #tpu.memory_space<vmem>>
      %dma_wait3A_161 = tpu.memref_squeeze %dma_wait3A_160 : memref<1x128x64xf32, #tpu.memory_space<vmem>> -> memref<128x64xf32, #tpu.memory_space<vmem>>
      %dma_wait3A_162 = arith.constant 0 : i32
      %dma_wait3A_163 = tpu.memref_slice %arg9[%add3A_8, %dma_wait3A_162] : memref<10112x64xf32, #tpu.memory_space<vmem_shared>> -> memref<128x64xf32, #tpu.memory_space<vmem_shared>>
      %dma_wait3A_164 = arith.constant 0 : i32
      %dma_wait3A_165 = tpu.memref_slice %arg9[%add3A_8, %dma_wait3A_164] : memref<10112x64xf32, #tpu.memory_space<vmem_shared>> -> memref<128x64xf32, #tpu.memory_space<vmem_shared>>
      %dma_wait3A_166 = arith.constant 0 : i32
      %dma_wait3A_167 = arith.constant 0 : i32
      %dma_wait3A_168 = tpu.memref_slice %arg8[%run_scoped3A, %dma_wait3A_166, %dma_wait3A_167] : memref<2x128x64xf32, #tpu.memory_space<vmem>> -> memref<1x128x64xf32, #tpu.memory_space<vmem>>
      %dma_wait3A_169 = tpu.memref_squeeze %dma_wait3A_168 : memref<1x128x64xf32, #tpu.memory_space<vmem>> -> memref<128x64xf32, #tpu.memory_space<vmem>>
      tpu.wait_dma2 semaphore(%run_scoped3A_145 : memref<!tpu.dma_semaphore, #tpu.memory_space<semaphore_mem>>) src(%dma_wait3A_169 : memref<128x64xf32, #tpu.memory_space<vmem>>) dst(%dma_wait3A_165 : memref<128x64xf32, #tpu.memory_space<vmem_shared>>)
      tpu.yield
    }) : () -> ()
    %add3A_9 = arith.constant 128 : i32
    %add3A_10 = arith.addi %mul3A_7, %add3A_9 : i32
    %run_scoped3A_11 = arith.constant 0 : i32
    "tpu.region"() ({
      %run_scoped3A_145 = tpu.sem_alloc : memref<!tpu.dma_semaphore, #tpu.memory_space<semaphore_mem>>
      %dma_start3A_146 = arith.constant 0 : i32
      %dma_start3A_147 = arith.constant 0 : i32
      %dma_start3A_148 = tpu.memref_slice %arg8[%run_scoped3A_11, %dma_start3A_146, %dma_start3A_147] : memref<2x128x64xf32, #tpu.memory_space<vmem>> -> memref<1x128x64xf32, #tpu.memory_space<vmem>>
      %dma_start3A_149 = tpu.memref_squeeze %dma_start3A_148 : memref<1x128x64xf32, #tpu.memory_space<vmem>> -> memref<128x64xf32, #tpu.memory_space<vmem>>
      %dma_start3A_150 = arith.constant 0 : i32
      %dma_start3A_151 = tpu.memref_slice %arg9[%add3A_10, %dma_start3A_150] : memref<10112x64xf32, #tpu.memory_space<vmem_shared>> -> memref<128x64xf32, #tpu.memory_space<vmem_shared>>
      %dma_start3A_152 = arith.constant 0 : i32
      %dma_start3A_153 = tpu.memref_slice %arg9[%add3A_10, %dma_start3A_152] : memref<10112x64xf32, #tpu.memory_space<vmem_shared>> -> memref<128x64xf32, #tpu.memory_space<vmem_shared>>
      %dma_start3A_154 = arith.constant 0 : i32
      %dma_start3A_155 = arith.constant 0 : i32
      %dma_start3A_156 = tpu.memref_slice %arg8[%run_scoped3A_11, %dma_start3A_154, %dma_start3A_155] : memref<2x128x64xf32, #tpu.memory_space<vmem>> -> memref<1x128x64xf32, #tpu.memory_space<vmem>>
      %dma_start3A_157 = tpu.memref_squeeze %dma_start3A_156 : memref<1x128x64xf32, #tpu.memory_space<vmem>> -> memref<128x64xf32, #tpu.memory_space<vmem>>
      tpu.enqueue_dma source(%dma_start3A_157 : memref<128x64xf32, #tpu.memory_space<vmem>>) target(%dma_start3A_153 : memref<128x64xf32, #tpu.memory_space<vmem_shared>>) target_semaphore(%run_scoped3A_145 : memref<!tpu.dma_semaphore, #tpu.memory_space<semaphore_mem>>)
      %dma_wait3A_158 = arith.constant 0 : i32
      %dma_wait3A_159 = arith.constant 0 : i32
      %dma_wait3A_160 = tpu.memref_slice %arg8[%run_scoped3A_11, %dma_wait3A_158, %dma_wait3A_159] : memref<2x128x64xf32, #tpu.memory_space<vmem>> -> memref<1x128x64xf32, #tpu.memory_space<vmem>>
      %dma_wait3A_161 = tpu.memref_squeeze %dma_wait3A_160 : memref<1x128x64xf32, #tpu.memory_space<vmem>> -> memref<128x64xf32, #tpu.memory_space<vmem>>
      %dma_wait3A_162 = arith.constant 0 : i32
      %dma_wait3A_163 = tpu.memref_slice %arg9[%add3A_10, %dma_wait3A_162] : memref<10112x64xf32, #tpu.memory_space<vmem_shared>> -> memref<128x64xf32, #tpu.memory_space<vmem_shared>>
      %dma_wait3A_164 = arith.constant 0 : i32
      %dma_wait3A_165 = tpu.memref_slice %arg9[%add3A_10, %dma_wait3A_164] : memref<10112x64xf32, #tpu.memory_space<vmem_shared>> -> memref<128x64xf32, #tpu.memory_space<vmem_shared>>
      %dma_wait3A_166 = arith.constant 0 : i32
      %dma_wait3A_167 = arith.constant 0 : i32
      %dma_wait3A_168 = tpu.memref_slice %arg8[%run_scoped3A_11, %dma_wait3A_166, %dma_wait3A_167] : memref<2x128x64xf32, #tpu.memory_space<vmem>> -> memref<1x128x64xf32, #tpu.memory_space<vmem>>
      %dma_wait3A_169 = tpu.memref_squeeze %dma_wait3A_168 : memref<1x128x64xf32, #tpu.memory_space<vmem>> -> memref<128x64xf32, #tpu.memory_space<vmem>>
      tpu.wait_dma2 semaphore(%run_scoped3A_145 : memref<!tpu.dma_semaphore, #tpu.memory_space<semaphore_mem>>) src(%dma_wait3A_169 : memref<128x64xf32, #tpu.memory_space<vmem>>) dst(%dma_wait3A_165 : memref<128x64xf32, #tpu.memory_space<vmem_shared>>)
      tpu.yield
    }) : () -> ()
    %add3A_12 = arith.constant 256 : i32
    %add3A_13 = arith.addi %mul3A_7, %add3A_12 : i32
    %run_scoped3A_14 = arith.constant 0 : i32
    "tpu.region"() ({
      %run_scoped3A_145 = tpu.sem_alloc : memref<!tpu.dma_semaphore, #tpu.memory_space<semaphore_mem>>
      %dma_start3A_146 = arith.constant 0 : i32
      %dma_start3A_147 = arith.constant 0 : i32
      %dma_start3A_148 = tpu.memref_slice %arg8[%run_scoped3A_14, %dma_start3A_146, %dma_start3A_147] : memref<2x128x64xf32, #tpu.memory_space<vmem>> -> memref<1x128x64xf32, #tpu.memory_space<vmem>>
      %dma_start3A_149 = tpu.memref_squeeze %dma_start3A_148 : memref<1x128x64xf32, #tpu.memory_space<vmem>> -> memref<128x64xf32, #tpu.memory_space<vmem>>
      %dma_start3A_150 = arith.constant 0 : i32
      %dma_start3A_151 = tpu.memref_slice %arg9[%add3A_13, %dma_start3A_150] : memref<10112x64xf32, #tpu.memory_space<vmem_shared>> -> memref<128x64xf32, #tpu.memory_space<vmem_shared>>
      %dma_start3A_152 = arith.constant 0 : i32
      %dma_start3A_153 = tpu.memref_slice %arg9[%add3A_13, %dma_start3A_152] : memref<10112x64xf32, #tpu.memory_space<vmem_shared>> -> memref<128x64xf32, #tpu.memory_space<vmem_shared>>
      %dma_start3A_154 = arith.constant 0 : i32
      %dma_start3A_155 = arith.constant 0 : i32
      %dma_start3A_156 = tpu.memref_slice %arg8[%run_scoped3A_14, %dma_start3A_154, %dma_start3A_155] : memref<2x128x64xf32, #tpu.memory_space<vmem>> -> memref<1x128x64xf32, #tpu.memory_space<vmem>>
      %dma_start3A_157 = tpu.memref_squeeze %dma_start3A_156 : memref<1x128x64xf32, #tpu.memory_space<vmem>> -> memref<128x64xf32, #tpu.memory_space<vmem>>
      tpu.enqueue_dma source(%dma_start3A_157 : memref<128x64xf32, #tpu.memory_space<vmem>>) target(%dma_start3A_153 : memref<128x64xf32, #tpu.memory_space<vmem_shared>>) target_semaphore(%run_scoped3A_145 : memref<!tpu.dma_semaphore, #tpu.memory_space<semaphore_mem>>)
      %dma_wait3A_158 = arith.constant 0 : i32
      %dma_wait3A_159 = arith.constant 0 : i32
      %dma_wait3A_160 = tpu.memref_slice %arg8[%run_scoped3A_14, %dma_wait3A_158, %dma_wait3A_159] : memref<2x128x64xf32, #tpu.memory_space<vmem>> -> memref<1x128x64xf32, #tpu.memory_space<vmem>>
      %dma_wait3A_161 = tpu.memref_squeeze %dma_wait3A_160 : memref<1x128x64xf32, #tpu.memory_space<vmem>> -> memref<128x64xf32, #tpu.memory_space<vmem>>
      %dma_wait3A_162 = arith.constant 0 : i32
      %dma_wait3A_163 = tpu.memref_slice %arg9[%add3A_13, %dma_wait3A_162] : memref<10112x64xf32, #tpu.memory_space<vmem_shared>> -> memref<128x64xf32, #tpu.memory_space<vmem_shared>>
      %dma_wait3A_164 = arith.constant 0 : i32
      %dma_wait3A_165 = tpu.memref_slice %arg9[%add3A_13, %dma_wait3A_164] : memref<10112x64xf32, #tpu.memory_space<vmem_shared>> -> memref<128x64xf32, #tpu.memory_space<vmem_shared>>
      %dma_wait3A_166 = arith.constant 0 : i32
      %dma_wait3A_167 = arith.constant 0 : i32
      %dma_wait3A_168 = tpu.memref_slice %arg8[%run_scoped3A_14, %dma_wait3A_166, %dma_wait3A_167] : memref<2x128x64xf32, #tpu.memory_space<vmem>> -> memref<1x128x64xf32, #tpu.memory_space<vmem>>
      %dma_wait3A_169 = tpu.memref_squeeze %dma_wait3A_168 : memref<1x128x64xf32, #tpu.memory_space<vmem>> -> memref<128x64xf32, #tpu.memory_space<vmem>>
      tpu.wait_dma2 semaphore(%run_scoped3A_145 : memref<!tpu.dma_semaphore, #tpu.memory_space<semaphore_mem>>) src(%dma_wait3A_169 : memref<128x64xf32, #tpu.memory_space<vmem>>) dst(%dma_wait3A_165 : memref<128x64xf32, #tpu.memory_space<vmem_shared>>)
      tpu.yield
    }) : () -> ()
    %add3A_15 = arith.constant 384 : i32
    %add3A_16 = arith.addi %mul3A_7, %add3A_15 : i32
    %run_scoped3A_17 = arith.constant 0 : i32
    "tpu.region"() ({
      %run_scoped3A_145 = tpu.sem_alloc : memref<!tpu.dma_semaphore, #tpu.memory_space<semaphore_mem>>
      %dma_start3A_146 = arith.constant 0 : i32
      %dma_start3A_147 = arith.constant 0 : i32
      %dma_start3A_148 = tpu.memref_slice %arg8[%run_scoped3A_17, %dma_start3A_146, %dma_start3A_147] : memref<2x128x64xf32, #tpu.memory_space<vmem>> -> memref<1x128x64xf32, #tpu.memory_space<vmem>>
      %dma_start3A_149 = tpu.memref_squeeze %dma_start3A_148 : memref<1x128x64xf32, #tpu.memory_space<vmem>> -> memref<128x64xf32, #tpu.memory_space<vmem>>
      %dma_start3A_150 = arith.constant 0 : i32
      %dma_start3A_151 = tpu.memref_slice %arg9[%add3A_16, %dma_start3A_150] : memref<10112x64xf32, #tpu.memory_space<vmem_shared>> -> memref<128x64xf32, #tpu.memory_space<vmem_shared>>
      %dma_start3A_152 = arith.constant 0 : i32
      %dma_start3A_153 = tpu.memref_slice %arg9[%add3A_16, %dma_start3A_152] : memref<10112x64xf32, #tpu.memory_space<vmem_shared>> -> memref<128x64xf32, #tpu.memory_space<vmem_shared>>
      %dma_start3A_154 = arith.constant 0 : i32
      %dma_start3A_155 = arith.constant 0 : i32
      %dma_start3A_156 = tpu.memref_slice %arg8[%run_scoped3A_17, %dma_start3A_154, %dma_start3A_155] : memref<2x128x64xf32, #tpu.memory_space<vmem>> -> memref<1x128x64xf32, #tpu.memory_space<vmem>>
      %dma_start3A_157 = tpu.memref_squeeze %dma_start3A_156 : memref<1x128x64xf32, #tpu.memory_space<vmem>> -> memref<128x64xf32, #tpu.memory_space<vmem>>
      tpu.enqueue_dma source(%dma_start3A_157 : memref<128x64xf32, #tpu.memory_space<vmem>>) target(%dma_start3A_153 : memref<128x64xf32, #tpu.memory_space<vmem_shared>>) target_semaphore(%run_scoped3A_145 : memref<!tpu.dma_semaphore, #tpu.memory_space<semaphore_mem>>)
      %dma_wait3A_158 = arith.constant 0 : i32
      %dma_wait3A_159 = arith.constant 0 : i32
      %dma_wait3A_160 = tpu.memref_slice %arg8[%run_scoped3A_17, %dma_wait3A_158, %dma_wait3A_159] : memref<2x128x64xf32, #tpu.memory_space<vmem>> -> memref<1x128x64xf32, #tpu.memory_space<vmem>>
      %dma_wait3A_161 = tpu.memref_squeeze %dma_wait3A_160 : memref<1x128x64xf32, #tpu.memory_space<vmem>> -> memref<128x64xf32, #tpu.memory_space<vmem>>
      %dma_wait3A_162 = arith.constant 0 : i32
      %dma_wait3A_163 = tpu.memref_slice %arg9[%add3A_16, %dma_wait3A_162] : memref<10112x64xf32, #tpu.memory_space<vmem_shared>> -> memref<128x64xf32, #tpu.memory_space<vmem_shared>>
      %dma_wait3A_164 = arith.constant 0 : i32
      %dma_wait3A_165 = tpu.memref_slice %arg9[%add3A_16, %dma_wait3A_164] : memref<10112x64xf32, #tpu.memory_space<vmem_shared>> -> memref<128x64xf32, #tpu.memory_space<vmem_shared>>
      %dma_wait3A_166 = arith.constant 0 : i32
      %dma_wait3A_167 = arith.constant 0 : i32
      %dma_wait3A_168 = tpu.memref_slice %arg8[%run_scoped3A_17, %dma_wait3A_166, %dma_wait3A_167] : memref<2x128x64xf32, #tpu.memory_space<vmem>> -> memref<1x128x64xf32, #tpu.memory_space<vmem>>
      %dma_wait3A_169 = tpu.memref_squeeze %dma_wait3A_168 : memref<1x128x64xf32, #tpu.memory_space<vmem>> -> memref<128x64xf32, #tpu.memory_space<vmem>>
      tpu.wait_dma2 semaphore(%run_scoped3A_145 : memref<!tpu.dma_semaphore, #tpu.memory_space<semaphore_mem>>) src(%dma_wait3A_169 : memref<128x64xf32, #tpu.memory_space<vmem>>) dst(%dma_wait3A_165 : memref<128x64xf32, #tpu.memory_space<vmem_shared>>)
      tpu.yield
    }) : () -> ()
    %add3A_18 = arith.constant 512 : i32
    %add3A_19 = arith.addi %mul3A_7, %add3A_18 : i32
    %run_scoped3A_20 = arith.constant 0 : i32
    "tpu.region"() ({
      %run_scoped3A_145 = tpu.sem_alloc : memref<!tpu.dma_semaphore, #tpu.memory_space<semaphore_mem>>
      %dma_start3A_146 = arith.constant 0 : i32
      %dma_start3A_147 = arith.constant 0 : i32
      %dma_start3A_148 = tpu.memref_slice %arg8[%run_scoped3A_20, %dma_start3A_146, %dma_start3A_147] : memref<2x128x64xf32, #tpu.memory_space<vmem>> -> memref<1x120x64xf32, #tpu.memory_space<vmem>>
      %dma_start3A_149 = tpu.memref_squeeze %dma_start3A_148 : memref<1x120x64xf32, #tpu.memory_space<vmem>> -> memref<120x64xf32, #tpu.memory_space<vmem>>
      %dma_start3A_150 = arith.constant 0 : i32
      %dma_start3A_151 = tpu.memref_slice %arg9[%add3A_19, %dma_start3A_150] : memref<10112x64xf32, #tpu.memory_space<vmem_shared>> -> memref<120x64xf32, #tpu.memory_space<vmem_shared>>
      %dma_start3A_152 = arith.constant 0 : i32
      %dma_start3A_153 = tpu.memref_slice %arg9[%add3A_19, %dma_start3A_152] : memref<10112x64xf32, #tpu.memory_space<vmem_shared>> -> memref<120x64xf32, #tpu.memory_space<vmem_shared>>
      %dma_start3A_154 = arith.constant 0 : i32
      %dma_start3A_155 = arith.constant 0 : i32
      %dma_start3A_156 = tpu.memref_slice %arg8[%run_scoped3A_20, %dma_start3A_154, %dma_start3A_155] : memref<2x128x64xf32, #tpu.memory_space<vmem>> -> memref<1x120x64xf32, #tpu.memory_space<vmem>>
      %dma_start3A_157 = tpu.memref_squeeze %dma_start3A_156 : memref<1x120x64xf32, #tpu.memory_space<vmem>> -> memref<120x64xf32, #tpu.memory_space<vmem>>
      tpu.enqueue_dma source(%dma_start3A_157 : memref<120x64xf32, #tpu.memory_space<vmem>>) target(%dma_start3A_153 : memref<120x64xf32, #tpu.memory_space<vmem_shared>>) target_semaphore(%run_scoped3A_145 : memref<!tpu.dma_semaphore, #tpu.memory_space<semaphore_mem>>)
      %dma_wait3A_158 = arith.constant 0 : i32
      %dma_wait3A_159 = arith.constant 0 : i32
      %dma_wait3A_160 = tpu.memref_slice %arg8[%run_scoped3A_20, %dma_wait3A_158, %dma_wait3A_159] : memref<2x128x64xf32, #tpu.memory_space<vmem>> -> memref<1x120x64xf32, #tpu.memory_space<vmem>>
      %dma_wait3A_161 = tpu.memref_squeeze %dma_wait3A_160 : memref<1x120x64xf32, #tpu.memory_space<vmem>> -> memref<120x64xf32, #tpu.memory_space<vmem>>
      %dma_wait3A_162 = arith.constant 0 : i32
      %dma_wait3A_163 = tpu.memref_slice %arg9[%add3A_19, %dma_wait3A_162] : memref<10112x64xf32, #tpu.memory_space<vmem_shared>> -> memref<120x64xf32, #tpu.memory_space<vmem_shared>>
      %dma_wait3A_164 = arith.constant 0 : i32
      %dma_wait3A_165 = tpu.memref_slice %arg9[%add3A_19, %dma_wait3A_164] : memref<10112x64xf32, #tpu.memory_space<vmem_shared>> -> memref<120x64xf32, #tpu.memory_space<vmem_shared>>
      %dma_wait3A_166 = arith.constant 0 : i32
      %dma_wait3A_167 = arith.constant 0 : i32
      %dma_wait3A_168 = tpu.memref_slice %arg8[%run_scoped3A_20, %dma_wait3A_166, %dma_wait3A_167] : memref<2x128x64xf32, #tpu.memory_space<vmem>> -> memref<1x120x64xf32, #tpu.memory_space<vmem>>
      %dma_wait3A_169 = tpu.memref_squeeze %dma_wait3A_168 : memref<1x120x64xf32, #tpu.memory_space<vmem>> -> memref<120x64xf32, #tpu.memory_space<vmem>>
      tpu.wait_dma2 semaphore(%run_scoped3A_145 : memref<!tpu.dma_semaphore, #tpu.memory_space<semaphore_mem>>) src(%dma_wait3A_169 : memref<120x64xf32, #tpu.memory_space<vmem>>) dst(%dma_wait3A_165 : memref<120x64xf32, #tpu.memory_space<vmem_shared>>)
      tpu.yield
    }) : () -> ()
    %barrier3A = arith.constant 0 : index
    tpu.barrier barrier_id(%barrier3A)
    %dma_start3A = arith.constant 0 : i32
    %dma_start3A_21 = arith.constant 0 : i32
    %dma_start3A_22 = arith.constant 0 : i32
    %dma_start3A_23 = arith.constant 0 : i32
    %dma_start3A_24 = tpu.memref_slice %arg8[%dma_start3A_21, %dma_start3A_22, %dma_start3A_23] : memref<2x128x64xf32, #tpu.memory_space<vmem>> -> memref<1x128x64xf32, #tpu.memory_space<vmem>>
    %dma_start3A_25 = tpu.memref_squeeze %dma_start3A_24 : memref<1x128x64xf32, #tpu.memory_space<vmem>> -> memref<128x64xf32, #tpu.memory_space<vmem>>
    %dma_start3A_26 = arith.constant 0 : i32
    %dma_start3A_27 = tpu.memref_slice %arg6[%dma_start3A, %dma_start3A_26] : memref<160x128xi32, #tpu.memory_space<vmem>> -> memref<1x128xi32, #tpu.memory_space<vmem>>
    %dma_start3A_28 = tpu.memref_squeeze %dma_start3A_27 : memref<1x128xi32, #tpu.memory_space<vmem>> -> memref<128xi32, #tpu.memory_space<vmem>>
    %dma_start3A_29 = arith.constant 0 : i32
    %dma_start3A_30 = arith.constant 0 : i32
    %dma_start3A_31 = tpu.memref_slice %arg2[%arg0, %dma_start3A_29, %dma_start3A_30] : memref<2x10000x64xf32, #tpu.memory_space<hbm>> -> memref<1x10000x64xf32, #tpu.memory_space<hbm>>
    %dma_start3A_32 = tpu.memref_squeeze %dma_start3A_31 : memref<1x10000x64xf32, #tpu.memory_space<hbm>> -> memref<10000x64xf32, #tpu.memory_space<hbm>>
    %dma_start3A_33 = arith.constant 0 : i32
    %dma_start3A_34 = arith.constant 0 : i32
    %dma_start3A_35 = tpu.memref_slice %dma_start3A_32[%dma_start3A_33, %dma_start3A_34] : memref<10000x64xf32, #tpu.memory_space<hbm>> -> memref<10000x64xf32, #tpu.memory_space<hbm>>
    tpu.enqueue_indirect_dma source(%dma_start3A_35 : memref<10000x64xf32, #tpu.memory_space<hbm>>) target(%dma_start3A_25 : memref<128x64xf32, #tpu.memory_space<vmem>>) offsets(%dma_start3A_28 : memref<128xi32, #tpu.memory_space<vmem>>) semaphore(%arg10 : memref<!tpu.dma_semaphore, #tpu.memory_space<semaphore_mem>>)
    %dma_start3A_36 = arith.constant 1 : i32
    %dma_start3A_37 = arith.constant 1 : i32
    %dma_start3A_38 = arith.constant 0 : i32
    %dma_start3A_39 = arith.constant 0 : i32
    %dma_start3A_40 = tpu.memref_slice %arg8[%dma_start3A_37, %dma_start3A_38, %dma_start3A_39] : memref<2x128x64xf32, #tpu.memory_space<vmem>> -> memref<1x128x64xf32, #tpu.memory_space<vmem>>
    %dma_start3A_41 = tpu.memref_squeeze %dma_start3A_40 : memref<1x128x64xf32, #tpu.memory_space<vmem>> -> memref<128x64xf32, #tpu.memory_space<vmem>>
    %dma_start3A_42 = arith.constant 0 : i32
    %dma_start3A_43 = tpu.memref_slice %arg6[%dma_start3A_36, %dma_start3A_42] : memref<160x128xi32, #tpu.memory_space<vmem>> -> memref<1x128xi32, #tpu.memory_space<vmem>>
    %dma_start3A_44 = tpu.memref_squeeze %dma_start3A_43 : memref<1x128xi32, #tpu.memory_space<vmem>> -> memref<128xi32, #tpu.memory_space<vmem>>
    %dma_start3A_45 = arith.constant 0 : i32
    %dma_start3A_46 = arith.constant 0 : i32
    %dma_start3A_47 = tpu.memref_slice %arg2[%arg0, %dma_start3A_45, %dma_start3A_46] : memref<2x10000x64xf32, #tpu.memory_space<hbm>> -> memref<1x10000x64xf32, #tpu.memory_space<hbm>>
    %dma_start3A_48 = tpu.memref_squeeze %dma_start3A_47 : memref<1x10000x64xf32, #tpu.memory_space<hbm>> -> memref<10000x64xf32, #tpu.memory_space<hbm>>
    %dma_start3A_49 = arith.constant 0 : i32
    %dma_start3A_50 = arith.constant 0 : i32
    %dma_start3A_51 = tpu.memref_slice %dma_start3A_48[%dma_start3A_49, %dma_start3A_50] : memref<10000x64xf32, #tpu.memory_space<hbm>> -> memref<10000x64xf32, #tpu.memory_space<hbm>>
    tpu.enqueue_indirect_dma source(%dma_start3A_51 : memref<10000x64xf32, #tpu.memory_space<hbm>>) target(%dma_start3A_41 : memref<128x64xf32, #tpu.memory_space<vmem>>) offsets(%dma_start3A_44 : memref<128xi32, #tpu.memory_space<vmem>>) semaphore(%arg11 : memref<!tpu.dma_semaphore, #tpu.memory_space<semaphore_mem>>)
    %dma_wait3A = arith.constant 0 : i32
    %dma_wait3A_52 = arith.constant 0 : i32
    %dma_wait3A_53 = arith.constant 0 : i32
    %dma_wait3A_54 = arith.constant 0 : i32
    %dma_wait3A_55 = tpu.memref_slice %arg8[%dma_wait3A_52, %dma_wait3A_53, %dma_wait3A_54] : memref<2x128x64xf32, #tpu.memory_space<vmem>> -> memref<1x128x64xf32, #tpu.memory_space<vmem>>
    %dma_wait3A_56 = tpu.memref_squeeze %dma_wait3A_55 : memref<1x128x64xf32, #tpu.memory_space<vmem>> -> memref<128x64xf32, #tpu.memory_space<vmem>>
    %dma_wait3A_57 = arith.constant 0 : i32
    %dma_wait3A_58 = tpu.memref_slice %arg6[%dma_wait3A, %dma_wait3A_57] : memref<160x128xi32, #tpu.memory_space<vmem>> -> memref<1x128xi32, #tpu.memory_space<vmem>>
    %dma_wait3A_59 = tpu.memref_squeeze %dma_wait3A_58 : memref<1x128xi32, #tpu.memory_space<vmem>> -> memref<128xi32, #tpu.memory_space<vmem>>
    %dma_wait3A_60 = arith.constant 0 : i32
    %dma_wait3A_61 = arith.constant 0 : i32
    %dma_wait3A_62 = tpu.memref_slice %arg2[%arg0, %dma_wait3A_60, %dma_wait3A_61] : memref<2x10000x64xf32, #tpu.memory_space<hbm>> -> memref<1x10000x64xf32, #tpu.memory_space<hbm>>
    %dma_wait3A_63 = tpu.memref_squeeze %dma_wait3A_62 : memref<1x10000x64xf32, #tpu.memory_space<hbm>> -> memref<10000x64xf32, #tpu.memory_space<hbm>>
    %dma_wait3A_64 = arith.constant 0 : i32
    %dma_wait3A_65 = arith.constant 0 : i32
    %dma_wait3A_66 = tpu.memref_slice %dma_wait3A_63[%dma_wait3A_64, %dma_wait3A_65] : memref<10000x64xf32, #tpu.memory_space<hbm>> -> memref<10000x64xf32, #tpu.memory_space<hbm>>
    tpu.wait_indirect_dma semaphore(%arg10 : memref<!tpu.dma_semaphore, #tpu.memory_space<semaphore_mem>>) src(%dma_wait3A_66 : memref<10000x64xf32, #tpu.memory_space<hbm>>) dst(%dma_wait3A_56 : memref<128x64xf32, #tpu.memory_space<vmem>>)
    %dma_start3A_67 = arith.constant 0 : i32
    %dma_start3A_68 = arith.constant 0 : i32
    %dma_start3A_69 = arith.constant 0 : i32
    %dma_start3A_70 = arith.constant 0 : i32
    %dma_start3A_71 = tpu.memref_slice %arg8[%dma_start3A_67, %dma_start3A_69, %dma_start3A_70] : memref<2x128x64xf32, #tpu.memory_space<vmem>> -> memref<1x128x64xf32, #tpu.memory_space<vmem>>
    %dma_start3A_72 = tpu.memref_squeeze %dma_start3A_71 : memref<1x128x64xf32, #tpu.memory_space<vmem>> -> memref<128x64xf32, #tpu.memory_space<vmem>>
    %dma_start3A_73 = arith.constant 0 : i32
    %dma_start3A_74 = tpu.memref_slice %arg7[%dma_start3A_68, %dma_start3A_73] : memref<160x128xi32, #tpu.memory_space<vmem>> -> memref<1x128xi32, #tpu.memory_space<vmem>>
    %dma_start3A_75 = tpu.memref_squeeze %dma_start3A_74 : memref<1x128xi32, #tpu.memory_space<vmem>> -> memref<128xi32, #tpu.memory_space<vmem>>
    %dma_start3A_76 = arith.constant 0 : i32
    %dma_start3A_77 = arith.constant 0 : i32
    %dma_start3A_78 = tpu.memref_slice %arg9[%dma_start3A_76, %dma_start3A_77] : memref<10112x64xf32, #tpu.memory_space<vmem_shared>> -> memref<10112x64xf32, #tpu.memory_space<vmem_shared>>
    tpu.enqueue_indirect_dma source(%dma_start3A_72 : memref<128x64xf32, #tpu.memory_space<vmem>>) target(%dma_start3A_78 : memref<10112x64xf32, #tpu.memory_space<vmem_shared>>) offsets(%dma_start3A_75 : memref<128xi32, #tpu.memory_space<vmem>>) semaphore(%arg12 : memref<!tpu.dma_semaphore, #tpu.memory_space<semaphore_mem>>) {add = true}
    %dma_wait3A_79 = arith.constant 1 : i32
    %dma_wait3A_80 = arith.constant 1 : i32
    %dma_wait3A_81 = arith.constant 0 : i32
    %dma_wait3A_82 = arith.constant 0 : i32
    %dma_wait3A_83 = tpu.memref_slice %arg8[%dma_wait3A_80, %dma_wait3A_81, %dma_wait3A_82] : memref<2x128x64xf32, #tpu.memory_space<vmem>> -> memref<1x128x64xf32, #tpu.memory_space<vmem>>
    %dma_wait3A_84 = tpu.memref_squeeze %dma_wait3A_83 : memref<1x128x64xf32, #tpu.memory_space<vmem>> -> memref<128x64xf32, #tpu.memory_space<vmem>>
    %dma_wait3A_85 = arith.constant 0 : i32
    %dma_wait3A_86 = tpu.memref_slice %arg6[%dma_wait3A_79, %dma_wait3A_85] : memref<160x128xi32, #tpu.memory_space<vmem>> -> memref<1x128xi32, #tpu.memory_space<vmem>>
    %dma_wait3A_87 = tpu.memref_squeeze %dma_wait3A_86 : memref<1x128xi32, #tpu.memory_space<vmem>> -> memref<128xi32, #tpu.memory_space<vmem>>
    %dma_wait3A_88 = arith.constant 0 : i32
    %dma_wait3A_89 = arith.constant 0 : i32
    %dma_wait3A_90 = tpu.memref_slice %arg2[%arg0, %dma_wait3A_88, %dma_wait3A_89] : memref<2x10000x64xf32, #tpu.memory_space<hbm>> -> memref<1x10000x64xf32, #tpu.memory_space<hbm>>
    %dma_wait3A_91 = tpu.memref_squeeze %dma_wait3A_90 : memref<1x10000x64xf32, #tpu.memory_space<hbm>> -> memref<10000x64xf32, #tpu.memory_space<hbm>>
    %dma_wait3A_92 = arith.constant 0 : i32
    %dma_wait3A_93 = arith.constant 0 : i32
    %dma_wait3A_94 = tpu.memref_slice %dma_wait3A_91[%dma_wait3A_92, %dma_wait3A_93] : memref<10000x64xf32, #tpu.memory_space<hbm>> -> memref<10000x64xf32, #tpu.memory_space<hbm>>
    tpu.wait_indirect_dma semaphore(%arg11 : memref<!tpu.dma_semaphore, #tpu.memory_space<semaphore_mem>>) src(%dma_wait3A_94 : memref<10000x64xf32, #tpu.memory_space<hbm>>) dst(%dma_wait3A_84 : memref<128x64xf32, #tpu.memory_space<vmem>>)
    %dma_start3A_95 = arith.constant 1 : i32
    %dma_start3A_96 = arith.constant 1 : i32
    %dma_start3A_97 = arith.constant 0 : i32
    %dma_start3A_98 = arith.constant 0 : i32
    %dma_start3A_99 = tpu.memref_slice %arg8[%dma_start3A_95, %dma_start3A_97, %dma_start3A_98] : memref<2x128x64xf32, #tpu.memory_space<vmem>> -> memref<1x128x64xf32, #tpu.memory_space<vmem>>
    %dma_start3A_100 = tpu.memref_squeeze %dma_start3A_99 : memref<1x128x64xf32, #tpu.memory_space<vmem>> -> memref<128x64xf32, #tpu.memory_space<vmem>>
    %dma_start3A_101 = arith.constant 0 : i32
    %dma_start3A_102 = tpu.memref_slice %arg7[%dma_start3A_96, %dma_start3A_101] : memref<160x128xi32, #tpu.memory_space<vmem>> -> memref<1x128xi32, #tpu.memory_space<vmem>>
    %dma_start3A_103 = tpu.memref_squeeze %dma_start3A_102 : memref<1x128xi32, #tpu.memory_space<vmem>> -> memref<128xi32, #tpu.memory_space<vmem>>
    %dma_start3A_104 = arith.constant 0 : i32
    %dma_start3A_105 = arith.constant 0 : i32
    %dma_start3A_106 = tpu.memref_slice %arg9[%dma_start3A_104, %dma_start3A_105] : memref<10112x64xf32, #tpu.memory_space<vmem_shared>> -> memref<10112x64xf32, #tpu.memory_space<vmem_shared>>
    tpu.enqueue_indirect_dma source(%dma_start3A_100 : memref<128x64xf32, #tpu.memory_space<vmem>>) target(%dma_start3A_106 : memref<10112x64xf32, #tpu.memory_space<vmem_shared>>) offsets(%dma_start3A_103 : memref<128xi32, #tpu.memory_space<vmem>>) semaphore(%arg13 : memref<!tpu.dma_semaphore, #tpu.memory_space<semaphore_mem>>) {add = true}
    %scan3A_107 = arith.constant 0 : i32
    %scan3A_108 = arith.constant 1 : i32
    %scan3A_109 = arith.constant 79 : i32
    %scan3A_110 = arith.addi %scan3A_108, %scan3A_109 : i32
    %scan3A_111 = arith.constant 1 : i32
    %scan3A_112 = scf.for %scan3A_145 = %scan3A_108 to %scan3A_110 step %scan3A_111 iter_args(%scan3A_146 = %scan3A_107) -> (i32)  : i32 {
      %mul3A_147 = arith.constant 2 : i32
      %mul3A_148 = arith.muli %mul3A_147, %scan3A_145 : i32
      %add3A_149 = arith.constant 0 : i32
      %add3A_150 = arith.addi %mul3A_148, %add3A_149 : i32
      %sub3A = arith.constant 2 : i32
      %sub3A_151 = arith.subi %add3A_150, %sub3A : i32
      %dma_wait3A_152 = arith.constant 0 : i32
      %dma_wait3A_153 = arith.constant 0 : i32
      %dma_wait3A_154 = arith.constant 0 : i32
      %dma_wait3A_155 = tpu.memref_slice %arg8[%dma_wait3A_152, %dma_wait3A_153, %dma_wait3A_154] : memref<2x128x64xf32, #tpu.memory_space<vmem>> -> memref<1x128x64xf32, #tpu.memory_space<vmem>>
      %dma_wait3A_156 = tpu.memref_squeeze %dma_wait3A_155 : memref<1x128x64xf32, #tpu.memory_space<vmem>> -> memref<128x64xf32, #tpu.memory_space<vmem>>
      %dma_wait3A_157 = arith.constant 0 : i32
      %dma_wait3A_158 = tpu.memref_slice %arg7[%sub3A_151, %dma_wait3A_157] : memref<160x128xi32, #tpu.memory_space<vmem>> -> memref<1x128xi32, #tpu.memory_space<vmem>>
      %dma_wait3A_159 = tpu.memref_squeeze %dma_wait3A_158 : memref<1x128xi32, #tpu.memory_space<vmem>> -> memref<128xi32, #tpu.memory_space<vmem>>
      %dma_wait3A_160 = arith.constant 0 : i32
      %dma_wait3A_161 = arith.constant 0 : i32
      %dma_wait3A_162 = tpu.memref_slice %arg9[%dma_wait3A_160, %dma_wait3A_161] : memref<10112x64xf32, #tpu.memory_space<vmem_shared>> -> memref<10112x64xf32, #tpu.memory_space<vmem_shared>>
      tpu.wait_indirect_dma semaphore(%arg12 : memref<!tpu.dma_semaphore, #tpu.memory_space<semaphore_mem>>) src(%dma_wait3A_156 : memref<128x64xf32, #tpu.memory_space<vmem>>) dst(%dma_wait3A_162 : memref<10112x64xf32, #tpu.memory_space<vmem_shared>>)
      %dma_start3A_163 = arith.constant 0 : i32
      %dma_start3A_164 = arith.constant 0 : i32
      %dma_start3A_165 = arith.constant 0 : i32
      %dma_start3A_166 = tpu.memref_slice %arg8[%dma_start3A_163, %dma_start3A_164, %dma_start3A_165] : memref<2x128x64xf32, #tpu.memory_space<vmem>> -> memref<1x128x64xf32, #tpu.memory_space<vmem>>
      %dma_start3A_167 = tpu.memref_squeeze %dma_start3A_166 : memref<1x128x64xf32, #tpu.memory_space<vmem>> -> memref<128x64xf32, #tpu.memory_space<vmem>>
      %dma_start3A_168 = arith.constant 0 : i32
      %dma_start3A_169 = tpu.memref_slice %arg6[%add3A_150, %dma_start3A_168] : memref<160x128xi32, #tpu.memory_space<vmem>> -> memref<1x128xi32, #tpu.memory_space<vmem>>
      %dma_start3A_170 = tpu.memref_squeeze %dma_start3A_169 : memref<1x128xi32, #tpu.memory_space<vmem>> -> memref<128xi32, #tpu.memory_space<vmem>>
      %dma_start3A_171 = arith.constant 0 : i32
      %dma_start3A_172 = arith.constant 0 : i32
      %dma_start3A_173 = tpu.memref_slice %arg2[%arg0, %dma_start3A_171, %dma_start3A_172] : memref<2x10000x64xf32, #tpu.memory_space<hbm>> -> memref<1x10000x64xf32, #tpu.memory_space<hbm>>
      %dma_start3A_174 = tpu.memref_squeeze %dma_start3A_173 : memref<1x10000x64xf32, #tpu.memory_space<hbm>> -> memref<10000x64xf32, #tpu.memory_space<hbm>>
      %dma_start3A_175 = arith.constant 0 : i32
      %dma_start3A_176 = arith.constant 0 : i32
      %dma_start3A_177 = tpu.memref_slice %dma_start3A_174[%dma_start3A_175, %dma_start3A_176] : memref<10000x64xf32, #tpu.memory_space<hbm>> -> memref<10000x64xf32, #tpu.memory_space<hbm>>
      tpu.enqueue_indirect_dma source(%dma_start3A_177 : memref<10000x64xf32, #tpu.memory_space<hbm>>) target(%dma_start3A_167 : memref<128x64xf32, #tpu.memory_space<vmem>>) offsets(%dma_start3A_170 : memref<128xi32, #tpu.memory_space<vmem>>) semaphore(%arg10 : memref<!tpu.dma_semaphore, #tpu.memory_space<semaphore_mem>>)
      %mul3A_178 = arith.constant 2 : i32
      %mul3A_179 = arith.muli %mul3A_178, %scan3A_145 : i32
      %add3A_180 = arith.constant 1 : i32
      %add3A_181 = arith.addi %mul3A_179, %add3A_180 : i32
      %sub3A_182 = arith.constant 2 : i32
      %sub3A_183 = arith.subi %add3A_181, %sub3A_182 : i32
      %dma_wait3A_184 = arith.constant 1 : i32
      %dma_wait3A_185 = arith.constant 0 : i32
      %dma_wait3A_186 = arith.constant 0 : i32
      %dma_wait3A_187 = tpu.memref_slice %arg8[%dma_wait3A_184, %dma_wait3A_185, %dma_wait3A_186] : memref<2x128x64xf32, #tpu.memory_space<vmem>> -> memref<1x128x64xf32, #tpu.memory_space<vmem>>
      %dma_wait3A_188 = tpu.memref_squeeze %dma_wait3A_187 : memref<1x128x64xf32, #tpu.memory_space<vmem>> -> memref<128x64xf32, #tpu.memory_space<vmem>>
      %dma_wait3A_189 = arith.constant 0 : i32
      %dma_wait3A_190 = tpu.memref_slice %arg7[%sub3A_183, %dma_wait3A_189] : memref<160x128xi32, #tpu.memory_space<vmem>> -> memref<1x128xi32, #tpu.memory_space<vmem>>
      %dma_wait3A_191 = tpu.memref_squeeze %dma_wait3A_190 : memref<1x128xi32, #tpu.memory_space<vmem>> -> memref<128xi32, #tpu.memory_space<vmem>>
      %dma_wait3A_192 = arith.constant 0 : i32
      %dma_wait3A_193 = arith.constant 0 : i32
      %dma_wait3A_194 = tpu.memref_slice %arg9[%dma_wait3A_192, %dma_wait3A_193] : memref<10112x64xf32, #tpu.memory_space<vmem_shared>> -> memref<10112x64xf32, #tpu.memory_space<vmem_shared>>
      tpu.wait_indirect_dma semaphore(%arg13 : memref<!tpu.dma_semaphore, #tpu.memory_space<semaphore_mem>>) src(%dma_wait3A_188 : memref<128x64xf32, #tpu.memory_space<vmem>>) dst(%dma_wait3A_194 : memref<10112x64xf32, #tpu.memory_space<vmem_shared>>)
      %dma_start3A_195 = arith.constant 1 : i32
      %dma_start3A_196 = arith.constant 0 : i32
      %dma_start3A_197 = arith.constant 0 : i32
      %dma_start3A_198 = tpu.memref_slice %arg8[%dma_start3A_195, %dma_start3A_196, %dma_start3A_197] : memref<2x128x64xf32, #tpu.memory_space<vmem>> -> memref<1x128x64xf32, #tpu.memory_space<vmem>>
      %dma_start3A_199 = tpu.memref_squeeze %dma_start3A_198 : memref<1x128x64xf32, #tpu.memory_space<vmem>> -> memref<128x64xf32, #tpu.memory_space<vmem>>
      %dma_start3A_200 = arith.constant 0 : i32
      %dma_start3A_201 = tpu.memref_slice %arg6[%add3A_181, %dma_start3A_200] : memref<160x128xi32, #tpu.memory_space<vmem>> -> memref<1x128xi32, #tpu.memory_space<vmem>>
      %dma_start3A_202 = tpu.memref_squeeze %dma_start3A_201 : memref<1x128xi32, #tpu.memory_space<vmem>> -> memref<128xi32, #tpu.memory_space<vmem>>
      %dma_start3A_203 = arith.constant 0 : i32
      %dma_start3A_204 = arith.constant 0 : i32
      %dma_start3A_205 = tpu.memref_slice %arg2[%arg0, %dma_start3A_203, %dma_start3A_204] : memref<2x10000x64xf32, #tpu.memory_space<hbm>> -> memref<1x10000x64xf32, #tpu.memory_space<hbm>>
      %dma_start3A_206 = tpu.memref_squeeze %dma_start3A_205 : memref<1x10000x64xf32, #tpu.memory_space<hbm>> -> memref<10000x64xf32, #tpu.memory_space<hbm>>
      %dma_start3A_207 = arith.constant 0 : i32
      %dma_start3A_208 = arith.constant 0 : i32
      %dma_start3A_209 = tpu.memref_slice %dma_start3A_206[%dma_start3A_207, %dma_start3A_208] : memref<10000x64xf32, #tpu.memory_space<hbm>> -> memref<10000x64xf32, #tpu.memory_space<hbm>>
      tpu.enqueue_indirect_dma source(%dma_start3A_209 : memref<10000x64xf32, #tpu.memory_space<hbm>>) target(%dma_start3A_199 : memref<128x64xf32, #tpu.memory_space<vmem>>) offsets(%dma_start3A_202 : memref<128xi32, #tpu.memory_space<vmem>>) semaphore(%arg11 : memref<!tpu.dma_semaphore, #tpu.memory_space<semaphore_mem>>)
      %mul3A_210 = arith.constant 2 : i32
      %mul3A_211 = arith.muli %mul3A_210, %scan3A_145 : i32
      %add3A_212 = arith.constant 0 : i32
      %add3A_213 = arith.addi %mul3A_211, %add3A_212 : i32
      %dma_wait3A_214 = arith.constant 0 : i32
      %dma_wait3A_215 = arith.constant 0 : i32
      %dma_wait3A_216 = arith.constant 0 : i32
      %dma_wait3A_217 = tpu.memref_slice %arg8[%dma_wait3A_214, %dma_wait3A_215, %dma_wait3A_216] : memref<2x128x64xf32, #tpu.memory_space<vmem>> -> memref<1x128x64xf32, #tpu.memory_space<vmem>>
      %dma_wait3A_218 = tpu.memref_squeeze %dma_wait3A_217 : memref<1x128x64xf32, #tpu.memory_space<vmem>> -> memref<128x64xf32, #tpu.memory_space<vmem>>
      %dma_wait3A_219 = arith.constant 0 : i32
      %dma_wait3A_220 = tpu.memref_slice %arg6[%add3A_213, %dma_wait3A_219] : memref<160x128xi32, #tpu.memory_space<vmem>> -> memref<1x128xi32, #tpu.memory_space<vmem>>
      %dma_wait3A_221 = tpu.memref_squeeze %dma_wait3A_220 : memref<1x128xi32, #tpu.memory_space<vmem>> -> memref<128xi32, #tpu.memory_space<vmem>>
      %dma_wait3A_222 = arith.constant 0 : i32
      %dma_wait3A_223 = arith.constant 0 : i32
      %dma_wait3A_224 = tpu.memref_slice %arg2[%arg0, %dma_wait3A_222, %dma_wait3A_223] : memref<2x10000x64xf32, #tpu.memory_space<hbm>> -> memref<1x10000x64xf32, #tpu.memory_space<hbm>>
      %dma_wait3A_225 = tpu.memref_squeeze %dma_wait3A_224 : memref<1x10000x64xf32, #tpu.memory_space<hbm>> -> memref<10000x64xf32, #tpu.memory_space<hbm>>
      %dma_wait3A_226 = arith.constant 0 : i32
      %dma_wait3A_227 = arith.constant 0 : i32
      %dma_wait3A_228 = tpu.memref_slice %dma_wait3A_225[%dma_wait3A_226, %dma_wait3A_227] : memref<10000x64xf32, #tpu.memory_space<hbm>> -> memref<10000x64xf32, #tpu.memory_space<hbm>>
      tpu.wait_indirect_dma semaphore(%arg10 : memref<!tpu.dma_semaphore, #tpu.memory_space<semaphore_mem>>) src(%dma_wait3A_228 : memref<10000x64xf32, #tpu.memory_space<hbm>>) dst(%dma_wait3A_218 : memref<128x64xf32, #tpu.memory_space<vmem>>)
      %dma_start3A_229 = arith.constant 0 : i32
      %dma_start3A_230 = arith.constant 0 : i32
      %dma_start3A_231 = arith.constant 0 : i32
      %dma_start3A_232 = tpu.memref_slice %arg8[%dma_start3A_229, %dma_start3A_230, %dma_start3A_231] : memref<2x128x64xf32, #tpu.memory_space<vmem>> -> memref<1x128x64xf32, #tpu.memory_space<vmem>>
      %dma_start3A_233 = tpu.memref_squeeze %dma_start3A_232 : memref<1x128x64xf32, #tpu.memory_space<vmem>> -> memref<128x64xf32, #tpu.memory_space<vmem>>
      %dma_start3A_234 = arith.constant 0 : i32
      %dma_start3A_235 = tpu.memref_slice %arg7[%add3A_213, %dma_start3A_234] : memref<160x128xi32, #tpu.memory_space<vmem>> -> memref<1x128xi32, #tpu.memory_space<vmem>>
      %dma_start3A_236 = tpu.memref_squeeze %dma_start3A_235 : memref<1x128xi32, #tpu.memory_space<vmem>> -> memref<128xi32, #tpu.memory_space<vmem>>
      %dma_start3A_237 = arith.constant 0 : i32
      %dma_start3A_238 = arith.constant 0 : i32
      %dma_start3A_239 = tpu.memref_slice %arg9[%dma_start3A_237, %dma_start3A_238] : memref<10112x64xf32, #tpu.memory_space<vmem_shared>> -> memref<10112x64xf32, #tpu.memory_space<vmem_shared>>
      tpu.enqueue_indirect_dma source(%dma_start3A_233 : memref<128x64xf32, #tpu.memory_space<vmem>>) target(%dma_start3A_239 : memref<10112x64xf32, #tpu.memory_space<vmem_shared>>) offsets(%dma_start3A_236 : memref<128xi32, #tpu.memory_space<vmem>>) semaphore(%arg12 : memref<!tpu.dma_semaphore, #tpu.memory_space<semaphore_mem>>) {add = true}
      %mul3A_240 = arith.constant 2 : i32
      %mul3A_241 = arith.muli %mul3A_240, %scan3A_145 : i32
      %add3A_242 = arith.constant 1 : i32
      %add3A_243 = arith.addi %mul3A_241, %add3A_242 : i32
      %dma_wait3A_244 = arith.constant 1 : i32
      %dma_wait3A_245 = arith.constant 0 : i32
      %dma_wait3A_246 = arith.constant 0 : i32
      %dma_wait3A_247 = tpu.memref_slice %arg8[%dma_wait3A_244, %dma_wait3A_245, %dma_wait3A_246] : memref<2x128x64xf32, #tpu.memory_space<vmem>> -> memref<1x128x64xf32, #tpu.memory_space<vmem>>
      %dma_wait3A_248 = tpu.memref_squeeze %dma_wait3A_247 : memref<1x128x64xf32, #tpu.memory_space<vmem>> -> memref<128x64xf32, #tpu.memory_space<vmem>>
      %dma_wait3A_249 = arith.constant 0 : i32
      %dma_wait3A_250 = tpu.memref_slice %arg6[%add3A_243, %dma_wait3A_249] : memref<160x128xi32, #tpu.memory_space<vmem>> -> memref<1x128xi32, #tpu.memory_space<vmem>>
      %dma_wait3A_251 = tpu.memref_squeeze %dma_wait3A_250 : memref<1x128xi32, #tpu.memory_space<vmem>> -> memref<128xi32, #tpu.memory_space<vmem>>
      %dma_wait3A_252 = arith.constant 0 : i32
      %dma_wait3A_253 = arith.constant 0 : i32
      %dma_wait3A_254 = tpu.memref_slice %arg2[%arg0, %dma_wait3A_252, %dma_wait3A_253] : memref<2x10000x64xf32, #tpu.memory_space<hbm>> -> memref<1x10000x64xf32, #tpu.memory_space<hbm>>
      %dma_wait3A_255 = tpu.memref_squeeze %dma_wait3A_254 : memref<1x10000x64xf32, #tpu.memory_space<hbm>> -> memref<10000x64xf32, #tpu.memory_space<hbm>>
      %dma_wait3A_256 = arith.constant 0 : i32
      %dma_wait3A_257 = arith.constant 0 : i32
      %dma_wait3A_258 = tpu.memref_slice %dma_wait3A_255[%dma_wait3A_256, %dma_wait3A_257] : memref<10000x64xf32, #tpu.memory_space<hbm>> -> memref<10000x64xf32, #tpu.memory_space<hbm>>
      tpu.wait_indirect_dma semaphore(%arg11 : memref<!tpu.dma_semaphore, #tpu.memory_space<semaphore_mem>>) src(%dma_wait3A_258 : memref<10000x64xf32, #tpu.memory_space<hbm>>) dst(%dma_wait3A_248 : memref<128x64xf32, #tpu.memory_space<vmem>>)
      %dma_start3A_259 = arith.constant 1 : i32
      %dma_start3A_260 = arith.constant 0 : i32
      %dma_start3A_261 = arith.constant 0 : i32
      %dma_start3A_262 = tpu.memref_slice %arg8[%dma_start3A_259, %dma_start3A_260, %dma_start3A_261] : memref<2x128x64xf32, #tpu.memory_space<vmem>> -> memref<1x128x64xf32, #tpu.memory_space<vmem>>
      %dma_start3A_263 = tpu.memref_squeeze %dma_start3A_262 : memref<1x128x64xf32, #tpu.memory_space<vmem>> -> memref<128x64xf32, #tpu.memory_space<vmem>>
      %dma_start3A_264 = arith.constant 0 : i32
      %dma_start3A_265 = tpu.memref_slice %arg7[%add3A_243, %dma_start3A_264] : memref<160x128xi32, #tpu.memory_space<vmem>> -> memref<1x128xi32, #tpu.memory_space<vmem>>
      %dma_start3A_266 = tpu.memref_squeeze %dma_start3A_265 : memref<1x128xi32, #tpu.memory_space<vmem>> -> memref<128xi32, #tpu.memory_space<vmem>>
      %dma_start3A_267 = arith.constant 0 : i32
      %dma_start3A_268 = arith.constant 0 : i32
      %dma_start3A_269 = tpu.memref_slice %arg9[%dma_start3A_267, %dma_start3A_268] : memref<10112x64xf32, #tpu.memory_space<vmem_shared>> -> memref<10112x64xf32, #tpu.memory_space<vmem_shared>>
      tpu.enqueue_indirect_dma source(%dma_start3A_263 : memref<128x64xf32, #tpu.memory_space<vmem>>) target(%dma_start3A_269 : memref<10112x64xf32, #tpu.memory_space<vmem_shared>>) offsets(%dma_start3A_266 : memref<128xi32, #tpu.memory_space<vmem>>) semaphore(%arg13 : memref<!tpu.dma_semaphore, #tpu.memory_space<semaphore_mem>>) {add = true}
      %scan3A_270 = arith.constant 0 : i32
      scf.yield %scan3A_270 : i32
    }
    %scan3A_113 = arith.constant 79 : i32
    %dma_wait3A_114 = arith.constant 0 : i32
    %dma_wait3A_115 = arith.constant 158 : i32
    %dma_wait3A_116 = arith.constant 0 : i32
    %dma_wait3A_117 = arith.constant 0 : i32
    %dma_wait3A_118 = tpu.memref_slice %arg8[%dma_wait3A_114, %dma_wait3A_116, %dma_wait3A_117] : memref<2x128x64xf32, #tpu.memory_space<vmem>> -> memref<1x128x64xf32, #tpu.memory_space<vmem>>
    %dma_wait3A_119 = tpu.memref_squeeze %dma_wait3A_118 : memref<1x128x64xf32, #tpu.memory_space<vmem>> -> memref<128x64xf32, #tpu.memory_space<vmem>>
    %dma_wait3A_120 = arith.constant 0 : i32
    %dma_wait3A_121 = tpu.memref_slice %arg7[%dma_wait3A_115, %dma_wait3A_120] : memref<160x128xi32, #tpu.memory_space<vmem>> -> memref<1x128xi32, #tpu.memory_space<vmem>>
    %dma_wait3A_122 = tpu.memref_squeeze %dma_wait3A_121 : memref<1x128xi32, #tpu.memory_space<vmem>> -> memref<128xi32, #tpu.memory_space<vmem>>
    %dma_wait3A_123 = arith.constant 0 : i32
    %dma_wait3A_124 = arith.constant 0 : i32
    %dma_wait3A_125 = tpu.memref_slice %arg9[%dma_wait3A_123, %dma_wait3A_124] : memref<10112x64xf32, #tpu.memory_space<vmem_shared>> -> memref<10112x64xf32, #tpu.memory_space<vmem_shared>>
    tpu.wait_indirect_dma semaphore(%arg12 : memref<!tpu.dma_semaphore, #tpu.memory_space<semaphore_mem>>) src(%dma_wait3A_119 : memref<128x64xf32, #tpu.memory_space<vmem>>) dst(%dma_wait3A_125 : memref<10112x64xf32, #tpu.memory_space<vmem_shared>>)
    %dma_wait3A_126 = arith.constant 1 : i32
    %dma_wait3A_127 = arith.constant 159 : i32
    %dma_wait3A_128 = arith.constant 0 : i32
    %dma_wait3A_129 = arith.constant 0 : i32
    %dma_wait3A_130 = tpu.memref_slice %arg8[%dma_wait3A_126, %dma_wait3A_128, %dma_wait3A_129] : memref<2x128x64xf32, #tpu.memory_space<vmem>> -> memref<1x128x64xf32, #tpu.memory_space<vmem>>
    %dma_wait3A_131 = tpu.memref_squeeze %dma_wait3A_130 : memref<1x128x64xf32, #tpu.memory_space<vmem>> -> memref<128x64xf32, #tpu.memory_space<vmem>>
    %dma_wait3A_132 = arith.constant 0 : i32
    %dma_wait3A_133 = tpu.memref_slice %arg7[%dma_wait3A_127, %dma_wait3A_132] : memref<160x128xi32, #tpu.memory_space<vmem>> -> memref<1x128xi32, #tpu.memory_space<vmem>>
    %dma_wait3A_134 = tpu.memref_squeeze %dma_wait3A_133 : memref<1x128xi32, #tpu.memory_space<vmem>> -> memref<128xi32, #tpu.memory_space<vmem>>
    %dma_wait3A_135 = arith.constant 0 : i32
    %dma_wait3A_136 = arith.constant 0 : i32
    %dma_wait3A_137 = tpu.memref_slice %arg9[%dma_wait3A_135, %dma_wait3A_136] : memref<10112x64xf32, #tpu.memory_space<vmem_shared>> -> memref<10112x64xf32, #tpu.memory_space<vmem_shared>>
    tpu.wait_indirect_dma semaphore(%arg13 : memref<!tpu.dma_semaphore, #tpu.memory_space<semaphore_mem>>) src(%dma_wait3A_131 : memref<128x64xf32, #tpu.memory_space<vmem>>) dst(%dma_wait3A_137 : memref<10112x64xf32, #tpu.memory_space<vmem_shared>>)
    %barrier3A_138 = arith.constant 0 : index
    tpu.barrier barrier_id(%barrier3A_138)
    %lt3A = arith.constant 15 : i32
    %lt3A_139 = arith.cmpi slt, %arg1, %lt3A : i32
    %convert_element_type3A = arith.extui %lt3A_139 : i1 to i32
    %cond3A = arith.constant 0 : i32
    %cond3A_140 = arith.cmpi ne, %convert_element_type3A, %cond3A : i32
    scf.if %cond3A_140 {
      "tpu.region"() ({
        %run_scoped3A_145 = tpu.sem_alloc : memref<!tpu.dma_semaphore, #tpu.memory_space<semaphore_mem>>
        %dma_start3A_146 = arith.constant 0 : i32
        %dma_start3A_147 = tpu.memref_slice %arg5[%arg0, %mul3A_7, %dma_start3A_146] : memref<2x10000x64xf32, #tpu.memory_space<hbm>> -> memref<1x632x64xf32, #tpu.memory_space<hbm>>
        %dma_start3A_148 = tpu.memref_squeeze %dma_start3A_147 : memref<1x632x64xf32, #tpu.memory_space<hbm>> -> memref<632x64xf32, #tpu.memory_space<hbm>>
        %dma_start3A_149 = arith.constant 0 : i32
        %dma_start3A_150 = tpu.memref_slice %arg9[%mul3A_7, %dma_start3A_149] : memref<10112x64xf32, #tpu.memory_space<vmem_shared>> -> memref<632x64xf32, #tpu.memory_space<vmem_shared>>
        tpu.enqueue_dma source(%dma_start3A_150 : memref<632x64xf32, #tpu.memory_space<vmem_shared>>) target(%dma_start3A_148 : memref<632x64xf32, #tpu.memory_space<hbm>>) target_semaphore(%run_scoped3A_145 : memref<!tpu.dma_semaphore, #tpu.memory_space<semaphore_mem>>)
        %dma_wait3A_151 = arith.constant 0 : i32
        %dma_wait3A_152 = tpu.memref_slice %arg5[%arg0, %mul3A_7, %dma_wait3A_151] : memref<2x10000x64xf32, #tpu.memory_space<hbm>> -> memref<1x632x64xf32, #tpu.memory_space<hbm>>
        %dma_wait3A_153 = tpu.memref_squeeze %dma_wait3A_152 : memref<1x632x64xf32, #tpu.memory_space<hbm>> -> memref<632x64xf32, #tpu.memory_space<hbm>>
        %dma_wait3A_154 = arith.constant 0 : i32
        %dma_wait3A_155 = tpu.memref_slice %arg9[%mul3A_7, %dma_wait3A_154] : memref<10112x64xf32, #tpu.memory_space<vmem_shared>> -> memref<632x64xf32, #tpu.memory_space<vmem_shared>>
        tpu.wait_dma2 semaphore(%run_scoped3A_145 : memref<!tpu.dma_semaphore, #tpu.memory_space<semaphore_mem>>) src(%dma_wait3A_155 : memref<632x64xf32, #tpu.memory_space<vmem_shared>>) dst(%dma_wait3A_153 : memref<632x64xf32, #tpu.memory_space<hbm>>)
        tpu.yield
      }) : () -> ()
    } else {
    }
    %eq3A = arith.constant 15 : i32
    %eq3A_141 = arith.cmpi eq, %arg1, %eq3A : i32
    %convert_element_type3A_142 = arith.extui %eq3A_141 : i1 to i32
    %cond3A_143 = arith.constant 0 : i32
    %cond3A_144 = arith.cmpi ne, %convert_element_type3A_142, %cond3A_143 : i32
    scf.if %cond3A_144 {
      "tpu.region"() ({
        %run_scoped3A_145 = tpu.sem_alloc : memref<!tpu.dma_semaphore, #tpu.memory_space<semaphore_mem>>
        %dma_start3A_146 = arith.constant 9480 : i32
        %dma_start3A_147 = arith.constant 0 : i32
        %dma_start3A_148 = tpu.memref_slice %arg5[%arg0, %dma_start3A_146, %dma_start3A_147] : memref<2x10000x64xf32, #tpu.memory_space<hbm>> -> memref<1x520x64xf32, #tpu.memory_space<hbm>>
        %dma_start3A_149 = tpu.memref_squeeze %dma_start3A_148 : memref<1x520x64xf32, #tpu.memory_space<hbm>> -> memref<520x64xf32, #tpu.memory_space<hbm>>
        %dma_start3A_150 = arith.constant 9480 : i32
        %dma_start3A_151 = arith.constant 0 : i32
        %dma_start3A_152 = tpu.memref_slice %arg9[%dma_start3A_150, %dma_start3A_151] : memref<10112x64xf32, #tpu.memory_space<vmem_shared>> -> memref<520x64xf32, #tpu.memory_space<vmem_shared>>
        tpu.enqueue_dma source(%dma_start3A_152 : memref<520x64xf32, #tpu.memory_space<vmem_shared>>) target(%dma_start3A_149 : memref<520x64xf32, #tpu.memory_space<hbm>>) target_semaphore(%run_scoped3A_145 : memref<!tpu.dma_semaphore, #tpu.memory_space<semaphore_mem>>)
        %dma_wait3A_153 = arith.constant 9480 : i32
        %dma_wait3A_154 = arith.constant 0 : i32
        %dma_wait3A_155 = tpu.memref_slice %arg5[%arg0, %dma_wait3A_153, %dma_wait3A_154] : memref<2x10000x64xf32, #tpu.memory_space<hbm>> -> memref<1x520x64xf32, #tpu.memory_space<hbm>>
        %dma_wait3A_156 = tpu.memref_squeeze %dma_wait3A_155 : memref<1x520x64xf32, #tpu.memory_space<hbm>> -> memref<520x64xf32, #tpu.memory_space<hbm>>
        %dma_wait3A_157 = arith.constant 9480 : i32
        %dma_wait3A_158 = arith.constant 0 : i32
        %dma_wait3A_159 = tpu.memref_slice %arg9[%dma_wait3A_157, %dma_wait3A_158] : memref<10112x64xf32, #tpu.memory_space<vmem_shared>> -> memref<520x64xf32, #tpu.memory_space<vmem_shared>>
        tpu.wait_dma2 semaphore(%run_scoped3A_145 : memref<!tpu.dma_semaphore, #tpu.memory_space<semaphore_mem>>) src(%dma_wait3A_159 : memref<520x64xf32, #tpu.memory_space<vmem_shared>>) dst(%dma_wait3A_156 : memref<520x64xf32, #tpu.memory_space<hbm>>)
        tpu.yield
      }) : () -> ()
    } else {
    }
    return
  }
}

#map = affine_map<(d0, d1) -> (0, 0, 0)>
#map1 = affine_map<(d0, d1) -> (0, 0, 0, 0)>
module attributes {stable_mosaic.version = 14 : i64} {
  func.func @k(%arg0: i32, %arg1: i32, %arg2: memref<1x10000x64xf32, #tpu.memory_space<hbm>>, %arg3: memref<32x80x128xi32, #tpu.memory_space<hbm>>, %arg4: memref<32x80x128xi32, #tpu.memory_space<hbm>>, %arg5: memref<2x1x10000x64xf32, #tpu.memory_space<hbm>>, %arg6: memref<80x128xi32, #tpu.memory_space<vmem>>, %arg7: memref<80x128xi32, #tpu.memory_space<vmem>>, %arg8: memref<2x128x64xf32, #tpu.memory_space<vmem>>, %arg9: memref<10112x64xf32, #tpu.memory_space<vmem_shared>>, %arg10: memref<!tpu.dma_semaphore, #tpu.memory_space<semaphore_mem>>, %arg11: memref<!tpu.dma_semaphore, #tpu.memory_space<semaphore_mem>>, %arg12: memref<!tpu.dma_semaphore, #tpu.memory_space<semaphore_mem>>, %arg13: memref<!tpu.dma_semaphore, #tpu.memory_space<semaphore_mem>>, %arg14: memref<!tpu.dma_semaphore, #tpu.memory_space<semaphore_mem>>, %arg15: memref<!tpu.dma_semaphore, #tpu.memory_space<semaphore_mem>>, %arg16: memref<!tpu.dma_semaphore, #tpu.memory_space<semaphore_mem>>, %arg17: memref<!tpu.dma_semaphore, #tpu.memory_space<semaphore_mem>>) attributes {dimension_semantics = [#tpu.dimension_semantics<core_parallel>, #tpu.dimension_semantics<subcore_parallel>], iteration_bounds = array<i64: 2, 16>, scalar_prefetch = 0 : i64, scratch_operands = 12 : i64, tpu.core_type = #tpu.core_type<sc_vector_subcore>, window_params = [{transform_indices = #map}, {transform_indices = #map}, {transform_indices = #map}, {transform_indices = #map1}]} {
    %mul3A = arith.constant 16 : i32
    %mul3A_0 = arith.muli %arg0, %mul3A : i32
    %add3A = arith.addi %mul3A_0, %arg1 : i32
    "tpu.region"() ({
      %run_scoped3A_153 = tpu.sem_alloc : memref<!tpu.dma_semaphore, #tpu.memory_space<semaphore_mem>>
      %dma_start3A_154 = arith.constant 0 : i32
      %dma_start3A_155 = arith.constant 0 : i32
      %dma_start3A_156 = tpu.memref_slice %arg3[%add3A, %dma_start3A_154, %dma_start3A_155] : memref<32x80x128xi32, #tpu.memory_space<hbm>> -> memref<1x80x128xi32, #tpu.memory_space<hbm>>
      %dma_start3A_157 = tpu.memref_squeeze %dma_start3A_156 : memref<1x80x128xi32, #tpu.memory_space<hbm>> -> memref<80x128xi32, #tpu.memory_space<hbm>>
      %dma_start3A_158 = arith.constant 0 : i32
      %dma_start3A_159 = arith.constant 0 : i32
      %dma_start3A_160 = tpu.memref_slice %arg3[%add3A, %dma_start3A_158, %dma_start3A_159] : memref<32x80x128xi32, #tpu.memory_space<hbm>> -> memref<1x80x128xi32, #tpu.memory_space<hbm>>
      %dma_start3A_161 = tpu.memref_squeeze %dma_start3A_160 : memref<1x80x128xi32, #tpu.memory_space<hbm>> -> memref<80x128xi32, #tpu.memory_space<hbm>>
      tpu.enqueue_dma source(%dma_start3A_161 : memref<80x128xi32, #tpu.memory_space<hbm>>) target(%arg6 : memref<80x128xi32, #tpu.memory_space<vmem>>) target_semaphore(%run_scoped3A_153 : memref<!tpu.dma_semaphore, #tpu.memory_space<semaphore_mem>>)
      %dma_wait3A_162 = arith.constant 0 : i32
      %dma_wait3A_163 = arith.constant 0 : i32
      %dma_wait3A_164 = tpu.memref_slice %arg3[%add3A, %dma_wait3A_162, %dma_wait3A_163] : memref<32x80x128xi32, #tpu.memory_space<hbm>> -> memref<1x80x128xi32, #tpu.memory_space<hbm>>
      %dma_wait3A_165 = tpu.memref_squeeze %dma_wait3A_164 : memref<1x80x128xi32, #tpu.memory_space<hbm>> -> memref<80x128xi32, #tpu.memory_space<hbm>>
      %dma_wait3A_166 = arith.constant 0 : i32
      %dma_wait3A_167 = arith.constant 0 : i32
      %dma_wait3A_168 = tpu.memref_slice %arg3[%add3A, %dma_wait3A_166, %dma_wait3A_167] : memref<32x80x128xi32, #tpu.memory_space<hbm>> -> memref<1x80x128xi32, #tpu.memory_space<hbm>>
      %dma_wait3A_169 = tpu.memref_squeeze %dma_wait3A_168 : memref<1x80x128xi32, #tpu.memory_space<hbm>> -> memref<80x128xi32, #tpu.memory_space<hbm>>
      tpu.wait_dma2 semaphore(%run_scoped3A_153 : memref<!tpu.dma_semaphore, #tpu.memory_space<semaphore_mem>>) src(%dma_wait3A_169 : memref<80x128xi32, #tpu.memory_space<hbm>>) dst(%arg6 : memref<80x128xi32, #tpu.memory_space<vmem>>)
      tpu.yield
    }) : () -> ()
    "tpu.region"() ({
      %run_scoped3A_153 = tpu.sem_alloc : memref<!tpu.dma_semaphore, #tpu.memory_space<semaphore_mem>>
      %dma_start3A_154 = arith.constant 0 : i32
      %dma_start3A_155 = arith.constant 0 : i32
      %dma_start3A_156 = tpu.memref_slice %arg4[%add3A, %dma_start3A_154, %dma_start3A_155] : memref<32x80x128xi32, #tpu.memory_space<hbm>> -> memref<1x80x128xi32, #tpu.memory_space<hbm>>
      %dma_start3A_157 = tpu.memref_squeeze %dma_start3A_156 : memref<1x80x128xi32, #tpu.memory_space<hbm>> -> memref<80x128xi32, #tpu.memory_space<hbm>>
      %dma_start3A_158 = arith.constant 0 : i32
      %dma_start3A_159 = arith.constant 0 : i32
      %dma_start3A_160 = tpu.memref_slice %arg4[%add3A, %dma_start3A_158, %dma_start3A_159] : memref<32x80x128xi32, #tpu.memory_space<hbm>> -> memref<1x80x128xi32, #tpu.memory_space<hbm>>
      %dma_start3A_161 = tpu.memref_squeeze %dma_start3A_160 : memref<1x80x128xi32, #tpu.memory_space<hbm>> -> memref<80x128xi32, #tpu.memory_space<hbm>>
      tpu.enqueue_dma source(%dma_start3A_161 : memref<80x128xi32, #tpu.memory_space<hbm>>) target(%arg7 : memref<80x128xi32, #tpu.memory_space<vmem>>) target_semaphore(%run_scoped3A_153 : memref<!tpu.dma_semaphore, #tpu.memory_space<semaphore_mem>>)
      %dma_wait3A_162 = arith.constant 0 : i32
      %dma_wait3A_163 = arith.constant 0 : i32
      %dma_wait3A_164 = tpu.memref_slice %arg4[%add3A, %dma_wait3A_162, %dma_wait3A_163] : memref<32x80x128xi32, #tpu.memory_space<hbm>> -> memref<1x80x128xi32, #tpu.memory_space<hbm>>
      %dma_wait3A_165 = tpu.memref_squeeze %dma_wait3A_164 : memref<1x80x128xi32, #tpu.memory_space<hbm>> -> memref<80x128xi32, #tpu.memory_space<hbm>>
      %dma_wait3A_166 = arith.constant 0 : i32
      %dma_wait3A_167 = arith.constant 0 : i32
      %dma_wait3A_168 = tpu.memref_slice %arg4[%add3A, %dma_wait3A_166, %dma_wait3A_167] : memref<32x80x128xi32, #tpu.memory_space<hbm>> -> memref<1x80x128xi32, #tpu.memory_space<hbm>>
      %dma_wait3A_169 = tpu.memref_squeeze %dma_wait3A_168 : memref<1x80x128xi32, #tpu.memory_space<hbm>> -> memref<80x128xi32, #tpu.memory_space<hbm>>
      tpu.wait_dma2 semaphore(%run_scoped3A_153 : memref<!tpu.dma_semaphore, #tpu.memory_space<semaphore_mem>>) src(%dma_wait3A_169 : memref<80x128xi32, #tpu.memory_space<hbm>>) dst(%arg7 : memref<80x128xi32, #tpu.memory_space<vmem>>)
      tpu.yield
    }) : () -> ()
    %broadcast_in_dim3A = arith.constant 0.000000e+00 : f32
    %broadcast_in_dim3A_1 = vector.broadcast %broadcast_in_dim3A : f32 to vector<16xf32>
    %scan3A = arith.constant 0 : i32
    %scan3A_2 = arith.constant 0 : i32
    %scan3A_3 = arith.constant 128 : i32
    %scan3A_4 = arith.addi %scan3A_2, %scan3A_3 : i32
    %scan3A_5 = arith.constant 1 : i32
    %scan3A_6 = scf.for %scan3A_153 = %scan3A_2 to %scan3A_4 step %scan3A_5 iter_args(%scan3A_154 = %scan3A) -> (i32)  : i32 {
      %swap3A = arith.constant 0 : i32
      %swap3A_155 = arith.index_cast %swap3A : i32 to index
      %swap3A_156 = arith.index_cast %scan3A_153 : i32 to index
      %swap3A_157 = arith.constant 0 : index
      %swap3A_158 = tpu.vector_load %arg8[%swap3A_155, %swap3A_156, %swap3A_157] {strides = array<i32>} : memref<2x128x64xf32, #tpu.memory_space<vmem>>, vector<1x1x16xf32>,
      %swap3A_159 = vector.shape_cast %swap3A_158 : vector<1x1x16xf32> to vector<16xf32>
      %swap3A_160 = vector.shape_cast %broadcast_in_dim3A_1 : vector<16xf32> to vector<1x1x16xf32>
      tpu.vector_store %arg8[%swap3A_155, %swap3A_156, %swap3A_157], %swap3A_160 {strides = array<i32>} : memref<2x128x64xf32, #tpu.memory_space<vmem>>, vector<1x1x16xf32>,
      %swap3A_161 = arith.constant 0 : i32
      %swap3A_162 = arith.index_cast %swap3A_161 : i32 to index
      %swap3A_163 = arith.index_cast %scan3A_153 : i32 to index
      %swap3A_164 = arith.constant 16 : index
      %swap3A_165 = tpu.vector_load %arg8[%swap3A_162, %swap3A_163, %swap3A_164] {strides = array<i32>} : memref<2x128x64xf32, #tpu.memory_space<vmem>>, vector<1x1x16xf32>,
      %swap3A_166 = vector.shape_cast %swap3A_165 : vector<1x1x16xf32> to vector<16xf32>
      %swap3A_167 = vector.shape_cast %broadcast_in_dim3A_1 : vector<16xf32> to vector<1x1x16xf32>
      tpu.vector_store %arg8[%swap3A_162, %swap3A_163, %swap3A_164], %swap3A_167 {strides = array<i32>} : memref<2x128x64xf32, #tpu.memory_space<vmem>>, vector<1x1x16xf32>,
      %swap3A_168 = arith.constant 0 : i32
      %swap3A_169 = arith.index_cast %swap3A_168 : i32 to index
      %swap3A_170 = arith.index_cast %scan3A_153 : i32 to index
      %swap3A_171 = arith.constant 32 : index
      %swap3A_172 = tpu.vector_load %arg8[%swap3A_169, %swap3A_170, %swap3A_171] {strides = array<i32>} : memref<2x128x64xf32, #tpu.memory_space<vmem>>, vector<1x1x16xf32>,
      %swap3A_173 = vector.shape_cast %swap3A_172 : vector<1x1x16xf32> to vector<16xf32>
      %swap3A_174 = vector.shape_cast %broadcast_in_dim3A_1 : vector<16xf32> to vector<1x1x16xf32>
      tpu.vector_store %arg8[%swap3A_169, %swap3A_170, %swap3A_171], %swap3A_174 {strides = array<i32>} : memref<2x128x64xf32, #tpu.memory_space<vmem>>, vector<1x1x16xf32>,
      %swap3A_175 = arith.constant 0 : i32
      %swap3A_176 = arith.index_cast %swap3A_175 : i32 to index
      %swap3A_177 = arith.index_cast %scan3A_153 : i32 to index
      %swap3A_178 = arith.constant 48 : index
      %swap3A_179 = tpu.vector_load %arg8[%swap3A_176, %swap3A_177, %swap3A_178] {strides = array<i32>} : memref<2x128x64xf32, #tpu.memory_space<vmem>>, vector<1x1x16xf32>,
      %swap3A_180 = vector.shape_cast %swap3A_179 : vector<1x1x16xf32> to vector<16xf32>
      %swap3A_181 = vector.shape_cast %broadcast_in_dim3A_1 : vector<16xf32> to vector<1x1x16xf32>
      tpu.vector_store %arg8[%swap3A_176, %swap3A_177, %swap3A_178], %swap3A_181 {strides = array<i32>} : memref<2x128x64xf32, #tpu.memory_space<vmem>>, vector<1x1x16xf32>,
      %scan3A_182 = arith.constant 0 : i32
      scf.yield %scan3A_182 : i32
    }
    %scan3A_7 = arith.constant 128 : i32
    %mul3A_8 = arith.constant 632 : i32
    %mul3A_9 = arith.muli %arg1, %mul3A_8 : i32
    %add3A_10 = arith.constant 0 : i32
    %add3A_11 = arith.addi %mul3A_9, %add3A_10 : i32
    %run_scoped3A = arith.constant 0 : i32
    "tpu.region"() ({
      %run_scoped3A_153 = tpu.sem_alloc : memref<!tpu.dma_semaphore, #tpu.memory_space<semaphore_mem>>
      %dma_start3A_154 = arith.constant 0 : i32
      %dma_start3A_155 = arith.constant 0 : i32
      %dma_start3A_156 = tpu.memref_slice %arg8[%run_scoped3A, %dma_start3A_154, %dma_start3A_155] : memref<2x128x64xf32, #tpu.memory_space<vmem>> -> memref<1x128x64xf32, #tpu.memory_space<vmem>>
      %dma_start3A_157 = tpu.memref_squeeze %dma_start3A_156 : memref<1x128x64xf32, #tpu.memory_space<vmem>> -> memref<128x64xf32, #tpu.memory_space<vmem>>
      %dma_start3A_158 = arith.constant 0 : i32
      %dma_start3A_159 = tpu.memref_slice %arg9[%add3A_11, %dma_start3A_158] : memref<10112x64xf32, #tpu.memory_space<vmem_shared>> -> memref<128x64xf32, #tpu.memory_space<vmem_shared>>
      %dma_start3A_160 = arith.constant 0 : i32
      %dma_start3A_161 = tpu.memref_slice %arg9[%add3A_11, %dma_start3A_160] : memref<10112x64xf32, #tpu.memory_space<vmem_shared>> -> memref<128x64xf32, #tpu.memory_space<vmem_shared>>
      %dma_start3A_162 = arith.constant 0 : i32
      %dma_start3A_163 = arith.constant 0 : i32
      %dma_start3A_164 = tpu.memref_slice %arg8[%run_scoped3A, %dma_start3A_162, %dma_start3A_163] : memref<2x128x64xf32, #tpu.memory_space<vmem>> -> memref<1x128x64xf32, #tpu.memory_space<vmem>>
      %dma_start3A_165 = tpu.memref_squeeze %dma_start3A_164 : memref<1x128x64xf32, #tpu.memory_space<vmem>> -> memref<128x64xf32, #tpu.memory_space<vmem>>
      tpu.enqueue_dma source(%dma_start3A_165 : memref<128x64xf32, #tpu.memory_space<vmem>>) target(%dma_start3A_161 : memref<128x64xf32, #tpu.memory_space<vmem_shared>>) target_semaphore(%run_scoped3A_153 : memref<!tpu.dma_semaphore, #tpu.memory_space<semaphore_mem>>)
      %dma_wait3A_166 = arith.constant 0 : i32
      %dma_wait3A_167 = arith.constant 0 : i32
      %dma_wait3A_168 = tpu.memref_slice %arg8[%run_scoped3A, %dma_wait3A_166, %dma_wait3A_167] : memref<2x128x64xf32, #tpu.memory_space<vmem>> -> memref<1x128x64xf32, #tpu.memory_space<vmem>>
      %dma_wait3A_169 = tpu.memref_squeeze %dma_wait3A_168 : memref<1x128x64xf32, #tpu.memory_space<vmem>> -> memref<128x64xf32, #tpu.memory_space<vmem>>
      %dma_wait3A_170 = arith.constant 0 : i32
      %dma_wait3A_171 = tpu.memref_slice %arg9[%add3A_11, %dma_wait3A_170] : memref<10112x64xf32, #tpu.memory_space<vmem_shared>> -> memref<128x64xf32, #tpu.memory_space<vmem_shared>>
      %dma_wait3A_172 = arith.constant 0 : i32
      %dma_wait3A_173 = tpu.memref_slice %arg9[%add3A_11, %dma_wait3A_172] : memref<10112x64xf32, #tpu.memory_space<vmem_shared>> -> memref<128x64xf32, #tpu.memory_space<vmem_shared>>
      %dma_wait3A_174 = arith.constant 0 : i32
      %dma_wait3A_175 = arith.constant 0 : i32
      %dma_wait3A_176 = tpu.memref_slice %arg8[%run_scoped3A, %dma_wait3A_174, %dma_wait3A_175] : memref<2x128x64xf32, #tpu.memory_space<vmem>> -> memref<1x128x64xf32, #tpu.memory_space<vmem>>
      %dma_wait3A_177 = tpu.memref_squeeze %dma_wait3A_176 : memref<1x128x64xf32, #tpu.memory_space<vmem>> -> memref<128x64xf32, #tpu.memory_space<vmem>>
      tpu.wait_dma2 semaphore(%run_scoped3A_153 : memref<!tpu.dma_semaphore, #tpu.memory_space<semaphore_mem>>) src(%dma_wait3A_177 : memref<128x64xf32, #tpu.memory_space<vmem>>) dst(%dma_wait3A_173 : memref<128x64xf32, #tpu.memory_space<vmem_shared>>)
      tpu.yield
    }) : () -> ()
    %add3A_12 = arith.constant 128 : i32
    %add3A_13 = arith.addi %mul3A_9, %add3A_12 : i32
    %run_scoped3A_14 = arith.constant 0 : i32
    "tpu.region"() ({
      %run_scoped3A_153 = tpu.sem_alloc : memref<!tpu.dma_semaphore, #tpu.memory_space<semaphore_mem>>
      %dma_start3A_154 = arith.constant 0 : i32
      %dma_start3A_155 = arith.constant 0 : i32
      %dma_start3A_156 = tpu.memref_slice %arg8[%run_scoped3A_14, %dma_start3A_154, %dma_start3A_155] : memref<2x128x64xf32, #tpu.memory_space<vmem>> -> memref<1x128x64xf32, #tpu.memory_space<vmem>>
      %dma_start3A_157 = tpu.memref_squeeze %dma_start3A_156 : memref<1x128x64xf32, #tpu.memory_space<vmem>> -> memref<128x64xf32, #tpu.memory_space<vmem>>
      %dma_start3A_158 = arith.constant 0 : i32
      %dma_start3A_159 = tpu.memref_slice %arg9[%add3A_13, %dma_start3A_158] : memref<10112x64xf32, #tpu.memory_space<vmem_shared>> -> memref<128x64xf32, #tpu.memory_space<vmem_shared>>
      %dma_start3A_160 = arith.constant 0 : i32
      %dma_start3A_161 = tpu.memref_slice %arg9[%add3A_13, %dma_start3A_160] : memref<10112x64xf32, #tpu.memory_space<vmem_shared>> -> memref<128x64xf32, #tpu.memory_space<vmem_shared>>
      %dma_start3A_162 = arith.constant 0 : i32
      %dma_start3A_163 = arith.constant 0 : i32
      %dma_start3A_164 = tpu.memref_slice %arg8[%run_scoped3A_14, %dma_start3A_162, %dma_start3A_163] : memref<2x128x64xf32, #tpu.memory_space<vmem>> -> memref<1x128x64xf32, #tpu.memory_space<vmem>>
      %dma_start3A_165 = tpu.memref_squeeze %dma_start3A_164 : memref<1x128x64xf32, #tpu.memory_space<vmem>> -> memref<128x64xf32, #tpu.memory_space<vmem>>
      tpu.enqueue_dma source(%dma_start3A_165 : memref<128x64xf32, #tpu.memory_space<vmem>>) target(%dma_start3A_161 : memref<128x64xf32, #tpu.memory_space<vmem_shared>>) target_semaphore(%run_scoped3A_153 : memref<!tpu.dma_semaphore, #tpu.memory_space<semaphore_mem>>)
      %dma_wait3A_166 = arith.constant 0 : i32
      %dma_wait3A_167 = arith.constant 0 : i32
      %dma_wait3A_168 = tpu.memref_slice %arg8[%run_scoped3A_14, %dma_wait3A_166, %dma_wait3A_167] : memref<2x128x64xf32, #tpu.memory_space<vmem>> -> memref<1x128x64xf32, #tpu.memory_space<vmem>>
      %dma_wait3A_169 = tpu.memref_squeeze %dma_wait3A_168 : memref<1x128x64xf32, #tpu.memory_space<vmem>> -> memref<128x64xf32, #tpu.memory_space<vmem>>
      %dma_wait3A_170 = arith.constant 0 : i32
      %dma_wait3A_171 = tpu.memref_slice %arg9[%add3A_13, %dma_wait3A_170] : memref<10112x64xf32, #tpu.memory_space<vmem_shared>> -> memref<128x64xf32, #tpu.memory_space<vmem_shared>>
      %dma_wait3A_172 = arith.constant 0 : i32
      %dma_wait3A_173 = tpu.memref_slice %arg9[%add3A_13, %dma_wait3A_172] : memref<10112x64xf32, #tpu.memory_space<vmem_shared>> -> memref<128x64xf32, #tpu.memory_space<vmem_shared>>
      %dma_wait3A_174 = arith.constant 0 : i32
      %dma_wait3A_175 = arith.constant 0 : i32
      %dma_wait3A_176 = tpu.memref_slice %arg8[%run_scoped3A_14, %dma_wait3A_174, %dma_wait3A_175] : memref<2x128x64xf32, #tpu.memory_space<vmem>> -> memref<1x128x64xf32, #tpu.memory_space<vmem>>
      %dma_wait3A_177 = tpu.memref_squeeze %dma_wait3A_176 : memref<1x128x64xf32, #tpu.memory_space<vmem>> -> memref<128x64xf32, #tpu.memory_space<vmem>>
      tpu.wait_dma2 semaphore(%run_scoped3A_153 : memref<!tpu.dma_semaphore, #tpu.memory_space<semaphore_mem>>) src(%dma_wait3A_177 : memref<128x64xf32, #tpu.memory_space<vmem>>) dst(%dma_wait3A_173 : memref<128x64xf32, #tpu.memory_space<vmem_shared>>)
      tpu.yield
    }) : () -> ()
    %add3A_15 = arith.constant 256 : i32
    %add3A_16 = arith.addi %mul3A_9, %add3A_15 : i32
    %run_scoped3A_17 = arith.constant 0 : i32
    "tpu.region"() ({
      %run_scoped3A_153 = tpu.sem_alloc : memref<!tpu.dma_semaphore, #tpu.memory_space<semaphore_mem>>
      %dma_start3A_154 = arith.constant 0 : i32
      %dma_start3A_155 = arith.constant 0 : i32
      %dma_start3A_156 = tpu.memref_slice %arg8[%run_scoped3A_17, %dma_start3A_154, %dma_start3A_155] : memref<2x128x64xf32, #tpu.memory_space<vmem>> -> memref<1x128x64xf32, #tpu.memory_space<vmem>>
      %dma_start3A_157 = tpu.memref_squeeze %dma_start3A_156 : memref<1x128x64xf32, #tpu.memory_space<vmem>> -> memref<128x64xf32, #tpu.memory_space<vmem>>
      %dma_start3A_158 = arith.constant 0 : i32
      %dma_start3A_159 = tpu.memref_slice %arg9[%add3A_16, %dma_start3A_158] : memref<10112x64xf32, #tpu.memory_space<vmem_shared>> -> memref<128x64xf32, #tpu.memory_space<vmem_shared>>
      %dma_start3A_160 = arith.constant 0 : i32
      %dma_start3A_161 = tpu.memref_slice %arg9[%add3A_16, %dma_start3A_160] : memref<10112x64xf32, #tpu.memory_space<vmem_shared>> -> memref<128x64xf32, #tpu.memory_space<vmem_shared>>
      %dma_start3A_162 = arith.constant 0 : i32
      %dma_start3A_163 = arith.constant 0 : i32
      %dma_start3A_164 = tpu.memref_slice %arg8[%run_scoped3A_17, %dma_start3A_162, %dma_start3A_163] : memref<2x128x64xf32, #tpu.memory_space<vmem>> -> memref<1x128x64xf32, #tpu.memory_space<vmem>>
      %dma_start3A_165 = tpu.memref_squeeze %dma_start3A_164 : memref<1x128x64xf32, #tpu.memory_space<vmem>> -> memref<128x64xf32, #tpu.memory_space<vmem>>
      tpu.enqueue_dma source(%dma_start3A_165 : memref<128x64xf32, #tpu.memory_space<vmem>>) target(%dma_start3A_161 : memref<128x64xf32, #tpu.memory_space<vmem_shared>>) target_semaphore(%run_scoped3A_153 : memref<!tpu.dma_semaphore, #tpu.memory_space<semaphore_mem>>)
      %dma_wait3A_166 = arith.constant 0 : i32
      %dma_wait3A_167 = arith.constant 0 : i32
      %dma_wait3A_168 = tpu.memref_slice %arg8[%run_scoped3A_17, %dma_wait3A_166, %dma_wait3A_167] : memref<2x128x64xf32, #tpu.memory_space<vmem>> -> memref<1x128x64xf32, #tpu.memory_space<vmem>>
      %dma_wait3A_169 = tpu.memref_squeeze %dma_wait3A_168 : memref<1x128x64xf32, #tpu.memory_space<vmem>> -> memref<128x64xf32, #tpu.memory_space<vmem>>
      %dma_wait3A_170 = arith.constant 0 : i32
      %dma_wait3A_171 = tpu.memref_slice %arg9[%add3A_16, %dma_wait3A_170] : memref<10112x64xf32, #tpu.memory_space<vmem_shared>> -> memref<128x64xf32, #tpu.memory_space<vmem_shared>>
      %dma_wait3A_172 = arith.constant 0 : i32
      %dma_wait3A_173 = tpu.memref_slice %arg9[%add3A_16, %dma_wait3A_172] : memref<10112x64xf32, #tpu.memory_space<vmem_shared>> -> memref<128x64xf32, #tpu.memory_space<vmem_shared>>
      %dma_wait3A_174 = arith.constant 0 : i32
      %dma_wait3A_175 = arith.constant 0 : i32
      %dma_wait3A_176 = tpu.memref_slice %arg8[%run_scoped3A_17, %dma_wait3A_174, %dma_wait3A_175] : memref<2x128x64xf32, #tpu.memory_space<vmem>> -> memref<1x128x64xf32, #tpu.memory_space<vmem>>
      %dma_wait3A_177 = tpu.memref_squeeze %dma_wait3A_176 : memref<1x128x64xf32, #tpu.memory_space<vmem>> -> memref<128x64xf32, #tpu.memory_space<vmem>>
      tpu.wait_dma2 semaphore(%run_scoped3A_153 : memref<!tpu.dma_semaphore, #tpu.memory_space<semaphore_mem>>) src(%dma_wait3A_177 : memref<128x64xf32, #tpu.memory_space<vmem>>) dst(%dma_wait3A_173 : memref<128x64xf32, #tpu.memory_space<vmem_shared>>)
      tpu.yield
    }) : () -> ()
    %add3A_18 = arith.constant 384 : i32
    %add3A_19 = arith.addi %mul3A_9, %add3A_18 : i32
    %run_scoped3A_20 = arith.constant 0 : i32
    "tpu.region"() ({
      %run_scoped3A_153 = tpu.sem_alloc : memref<!tpu.dma_semaphore, #tpu.memory_space<semaphore_mem>>
      %dma_start3A_154 = arith.constant 0 : i32
      %dma_start3A_155 = arith.constant 0 : i32
      %dma_start3A_156 = tpu.memref_slice %arg8[%run_scoped3A_20, %dma_start3A_154, %dma_start3A_155] : memref<2x128x64xf32, #tpu.memory_space<vmem>> -> memref<1x128x64xf32, #tpu.memory_space<vmem>>
      %dma_start3A_157 = tpu.memref_squeeze %dma_start3A_156 : memref<1x128x64xf32, #tpu.memory_space<vmem>> -> memref<128x64xf32, #tpu.memory_space<vmem>>
      %dma_start3A_158 = arith.constant 0 : i32
      %dma_start3A_159 = tpu.memref_slice %arg9[%add3A_19, %dma_start3A_158] : memref<10112x64xf32, #tpu.memory_space<vmem_shared>> -> memref<128x64xf32, #tpu.memory_space<vmem_shared>>
      %dma_start3A_160 = arith.constant 0 : i32
      %dma_start3A_161 = tpu.memref_slice %arg9[%add3A_19, %dma_start3A_160] : memref<10112x64xf32, #tpu.memory_space<vmem_shared>> -> memref<128x64xf32, #tpu.memory_space<vmem_shared>>
      %dma_start3A_162 = arith.constant 0 : i32
      %dma_start3A_163 = arith.constant 0 : i32
      %dma_start3A_164 = tpu.memref_slice %arg8[%run_scoped3A_20, %dma_start3A_162, %dma_start3A_163] : memref<2x128x64xf32, #tpu.memory_space<vmem>> -> memref<1x128x64xf32, #tpu.memory_space<vmem>>
      %dma_start3A_165 = tpu.memref_squeeze %dma_start3A_164 : memref<1x128x64xf32, #tpu.memory_space<vmem>> -> memref<128x64xf32, #tpu.memory_space<vmem>>
      tpu.enqueue_dma source(%dma_start3A_165 : memref<128x64xf32, #tpu.memory_space<vmem>>) target(%dma_start3A_161 : memref<128x64xf32, #tpu.memory_space<vmem_shared>>) target_semaphore(%run_scoped3A_153 : memref<!tpu.dma_semaphore, #tpu.memory_space<semaphore_mem>>)
      %dma_wait3A_166 = arith.constant 0 : i32
      %dma_wait3A_167 = arith.constant 0 : i32
      %dma_wait3A_168 = tpu.memref_slice %arg8[%run_scoped3A_20, %dma_wait3A_166, %dma_wait3A_167] : memref<2x128x64xf32, #tpu.memory_space<vmem>> -> memref<1x128x64xf32, #tpu.memory_space<vmem>>
      %dma_wait3A_169 = tpu.memref_squeeze %dma_wait3A_168 : memref<1x128x64xf32, #tpu.memory_space<vmem>> -> memref<128x64xf32, #tpu.memory_space<vmem>>
      %dma_wait3A_170 = arith.constant 0 : i32
      %dma_wait3A_171 = tpu.memref_slice %arg9[%add3A_19, %dma_wait3A_170] : memref<10112x64xf32, #tpu.memory_space<vmem_shared>> -> memref<128x64xf32, #tpu.memory_space<vmem_shared>>
      %dma_wait3A_172 = arith.constant 0 : i32
      %dma_wait3A_173 = tpu.memref_slice %arg9[%add3A_19, %dma_wait3A_172] : memref<10112x64xf32, #tpu.memory_space<vmem_shared>> -> memref<128x64xf32, #tpu.memory_space<vmem_shared>>
      %dma_wait3A_174 = arith.constant 0 : i32
      %dma_wait3A_175 = arith.constant 0 : i32
      %dma_wait3A_176 = tpu.memref_slice %arg8[%run_scoped3A_20, %dma_wait3A_174, %dma_wait3A_175] : memref<2x128x64xf32, #tpu.memory_space<vmem>> -> memref<1x128x64xf32, #tpu.memory_space<vmem>>
      %dma_wait3A_177 = tpu.memref_squeeze %dma_wait3A_176 : memref<1x128x64xf32, #tpu.memory_space<vmem>> -> memref<128x64xf32, #tpu.memory_space<vmem>>
      tpu.wait_dma2 semaphore(%run_scoped3A_153 : memref<!tpu.dma_semaphore, #tpu.memory_space<semaphore_mem>>) src(%dma_wait3A_177 : memref<128x64xf32, #tpu.memory_space<vmem>>) dst(%dma_wait3A_173 : memref<128x64xf32, #tpu.memory_space<vmem_shared>>)
      tpu.yield
    }) : () -> ()
    %add3A_21 = arith.constant 512 : i32
    %add3A_22 = arith.addi %mul3A_9, %add3A_21 : i32
    %run_scoped3A_23 = arith.constant 0 : i32
    "tpu.region"() ({
      %run_scoped3A_153 = tpu.sem_alloc : memref<!tpu.dma_semaphore, #tpu.memory_space<semaphore_mem>>
      %dma_start3A_154 = arith.constant 0 : i32
      %dma_start3A_155 = arith.constant 0 : i32
      %dma_start3A_156 = tpu.memref_slice %arg8[%run_scoped3A_23, %dma_start3A_154, %dma_start3A_155] : memref<2x128x64xf32, #tpu.memory_space<vmem>> -> memref<1x120x64xf32, #tpu.memory_space<vmem>>
      %dma_start3A_157 = tpu.memref_squeeze %dma_start3A_156 : memref<1x120x64xf32, #tpu.memory_space<vmem>> -> memref<120x64xf32, #tpu.memory_space<vmem>>
      %dma_start3A_158 = arith.constant 0 : i32
      %dma_start3A_159 = tpu.memref_slice %arg9[%add3A_22, %dma_start3A_158] : memref<10112x64xf32, #tpu.memory_space<vmem_shared>> -> memref<120x64xf32, #tpu.memory_space<vmem_shared>>
      %dma_start3A_160 = arith.constant 0 : i32
      %dma_start3A_161 = tpu.memref_slice %arg9[%add3A_22, %dma_start3A_160] : memref<10112x64xf32, #tpu.memory_space<vmem_shared>> -> memref<120x64xf32, #tpu.memory_space<vmem_shared>>
      %dma_start3A_162 = arith.constant 0 : i32
      %dma_start3A_163 = arith.constant 0 : i32
      %dma_start3A_164 = tpu.memref_slice %arg8[%run_scoped3A_23, %dma_start3A_162, %dma_start3A_163] : memref<2x128x64xf32, #tpu.memory_space<vmem>> -> memref<1x120x64xf32, #tpu.memory_space<vmem>>
      %dma_start3A_165 = tpu.memref_squeeze %dma_start3A_164 : memref<1x120x64xf32, #tpu.memory_space<vmem>> -> memref<120x64xf32, #tpu.memory_space<vmem>>
      tpu.enqueue_dma source(%dma_start3A_165 : memref<120x64xf32, #tpu.memory_space<vmem>>) target(%dma_start3A_161 : memref<120x64xf32, #tpu.memory_space<vmem_shared>>) target_semaphore(%run_scoped3A_153 : memref<!tpu.dma_semaphore, #tpu.memory_space<semaphore_mem>>)
      %dma_wait3A_166 = arith.constant 0 : i32
      %dma_wait3A_167 = arith.constant 0 : i32
      %dma_wait3A_168 = tpu.memref_slice %arg8[%run_scoped3A_23, %dma_wait3A_166, %dma_wait3A_167] : memref<2x128x64xf32, #tpu.memory_space<vmem>> -> memref<1x120x64xf32, #tpu.memory_space<vmem>>
      %dma_wait3A_169 = tpu.memref_squeeze %dma_wait3A_168 : memref<1x120x64xf32, #tpu.memory_space<vmem>> -> memref<120x64xf32, #tpu.memory_space<vmem>>
      %dma_wait3A_170 = arith.constant 0 : i32
      %dma_wait3A_171 = tpu.memref_slice %arg9[%add3A_22, %dma_wait3A_170] : memref<10112x64xf32, #tpu.memory_space<vmem_shared>> -> memref<120x64xf32, #tpu.memory_space<vmem_shared>>
      %dma_wait3A_172 = arith.constant 0 : i32
      %dma_wait3A_173 = tpu.memref_slice %arg9[%add3A_22, %dma_wait3A_172] : memref<10112x64xf32, #tpu.memory_space<vmem_shared>> -> memref<120x64xf32, #tpu.memory_space<vmem_shared>>
      %dma_wait3A_174 = arith.constant 0 : i32
      %dma_wait3A_175 = arith.constant 0 : i32
      %dma_wait3A_176 = tpu.memref_slice %arg8[%run_scoped3A_23, %dma_wait3A_174, %dma_wait3A_175] : memref<2x128x64xf32, #tpu.memory_space<vmem>> -> memref<1x120x64xf32, #tpu.memory_space<vmem>>
      %dma_wait3A_177 = tpu.memref_squeeze %dma_wait3A_176 : memref<1x120x64xf32, #tpu.memory_space<vmem>> -> memref<120x64xf32, #tpu.memory_space<vmem>>
      tpu.wait_dma2 semaphore(%run_scoped3A_153 : memref<!tpu.dma_semaphore, #tpu.memory_space<semaphore_mem>>) src(%dma_wait3A_177 : memref<120x64xf32, #tpu.memory_space<vmem>>) dst(%dma_wait3A_173 : memref<120x64xf32, #tpu.memory_space<vmem_shared>>)
      tpu.yield
    }) : () -> ()
    %barrier3A = arith.constant 0 : index
    tpu.barrier barrier_id(%barrier3A)
    %dma_start3A = arith.constant 0 : i32
    %dma_start3A_24 = arith.constant 0 : i32
    %dma_start3A_25 = arith.constant 0 : i32
    %dma_start3A_26 = arith.constant 0 : i32
    %dma_start3A_27 = arith.constant 0 : i32
    %dma_start3A_28 = tpu.memref_slice %arg8[%dma_start3A_25, %dma_start3A_26, %dma_start3A_27] : memref<2x128x64xf32, #tpu.memory_space<vmem>> -> memref<1x128x64xf32, #tpu.memory_space<vmem>>
    %dma_start3A_29 = tpu.memref_squeeze %dma_start3A_28 : memref<1x128x64xf32, #tpu.memory_space<vmem>> -> memref<128x64xf32, #tpu.memory_space<vmem>>
    %dma_start3A_30 = arith.constant 0 : i32
    %dma_start3A_31 = tpu.memref_slice %arg6[%dma_start3A_24, %dma_start3A_30] : memref<80x128xi32, #tpu.memory_space<vmem>> -> memref<1x128xi32, #tpu.memory_space<vmem>>
    %dma_start3A_32 = tpu.memref_squeeze %dma_start3A_31 : memref<1x128xi32, #tpu.memory_space<vmem>> -> memref<128xi32, #tpu.memory_space<vmem>>
    %dma_start3A_33 = arith.constant 0 : i32
    %dma_start3A_34 = arith.constant 0 : i32
    %dma_start3A_35 = tpu.memref_slice %arg2[%dma_start3A, %dma_start3A_33, %dma_start3A_34] : memref<1x10000x64xf32, #tpu.memory_space<hbm>> -> memref<1x10000x64xf32, #tpu.memory_space<hbm>>
    %dma_start3A_36 = tpu.memref_squeeze %dma_start3A_35 : memref<1x10000x64xf32, #tpu.memory_space<hbm>> -> memref<10000x64xf32, #tpu.memory_space<hbm>>
    %dma_start3A_37 = arith.constant 0 : i32
    %dma_start3A_38 = arith.constant 0 : i32
    %dma_start3A_39 = tpu.memref_slice %dma_start3A_36[%dma_start3A_37, %dma_start3A_38] : memref<10000x64xf32, #tpu.memory_space<hbm>> -> memref<10000x64xf32, #tpu.memory_space<hbm>>
    tpu.enqueue_indirect_dma source(%dma_start3A_39 : memref<10000x64xf32, #tpu.memory_space<hbm>>) target(%dma_start3A_29 : memref<128x64xf32, #tpu.memory_space<vmem>>) offsets(%dma_start3A_32 : memref<128xi32, #tpu.memory_space<vmem>>) semaphore(%arg10 : memref<!tpu.dma_semaphore, #tpu.memory_space<semaphore_mem>>)
    %dma_start3A_40 = arith.constant 0 : i32
    %dma_start3A_41 = arith.constant 1 : i32
    %dma_start3A_42 = arith.constant 1 : i32
    %dma_start3A_43 = arith.constant 0 : i32
    %dma_start3A_44 = arith.constant 0 : i32
    %dma_start3A_45 = tpu.memref_slice %arg8[%dma_start3A_42, %dma_start3A_43, %dma_start3A_44] : memref<2x128x64xf32, #tpu.memory_space<vmem>> -> memref<1x128x64xf32, #tpu.memory_space<vmem>>
    %dma_start3A_46 = tpu.memref_squeeze %dma_start3A_45 : memref<1x128x64xf32, #tpu.memory_space<vmem>> -> memref<128x64xf32, #tpu.memory_space<vmem>>
    %dma_start3A_47 = arith.constant 0 : i32
    %dma_start3A_48 = tpu.memref_slice %arg6[%dma_start3A_41, %dma_start3A_47] : memref<80x128xi32, #tpu.memory_space<vmem>> -> memref<1x128xi32, #tpu.memory_space<vmem>>
    %dma_start3A_49 = tpu.memref_squeeze %dma_start3A_48 : memref<1x128xi32, #tpu.memory_space<vmem>> -> memref<128xi32, #tpu.memory_space<vmem>>
    %dma_start3A_50 = arith.constant 0 : i32
    %dma_start3A_51 = arith.constant 0 : i32
    %dma_start3A_52 = tpu.memref_slice %arg2[%dma_start3A_40, %dma_start3A_50, %dma_start3A_51] : memref<1x10000x64xf32, #tpu.memory_space<hbm>> -> memref<1x10000x64xf32, #tpu.memory_space<hbm>>
    %dma_start3A_53 = tpu.memref_squeeze %dma_start3A_52 : memref<1x10000x64xf32, #tpu.memory_space<hbm>> -> memref<10000x64xf32, #tpu.memory_space<hbm>>
    %dma_start3A_54 = arith.constant 0 : i32
    %dma_start3A_55 = arith.constant 0 : i32
    %dma_start3A_56 = tpu.memref_slice %dma_start3A_53[%dma_start3A_54, %dma_start3A_55] : memref<10000x64xf32, #tpu.memory_space<hbm>> -> memref<10000x64xf32, #tpu.memory_space<hbm>>
    tpu.enqueue_indirect_dma source(%dma_start3A_56 : memref<10000x64xf32, #tpu.memory_space<hbm>>) target(%dma_start3A_46 : memref<128x64xf32, #tpu.memory_space<vmem>>) offsets(%dma_start3A_49 : memref<128xi32, #tpu.memory_space<vmem>>) semaphore(%arg11 : memref<!tpu.dma_semaphore, #tpu.memory_space<semaphore_mem>>)
    %dma_wait3A = arith.constant 0 : i32
    %dma_wait3A_57 = arith.constant 0 : i32
    %dma_wait3A_58 = arith.constant 0 : i32
    %dma_wait3A_59 = arith.constant 0 : i32
    %dma_wait3A_60 = arith.constant 0 : i32
    %dma_wait3A_61 = tpu.memref_slice %arg8[%dma_wait3A_58, %dma_wait3A_59, %dma_wait3A_60] : memref<2x128x64xf32, #tpu.memory_space<vmem>> -> memref<1x128x64xf32, #tpu.memory_space<vmem>>
    %dma_wait3A_62 = tpu.memref_squeeze %dma_wait3A_61 : memref<1x128x64xf32, #tpu.memory_space<vmem>> -> memref<128x64xf32, #tpu.memory_space<vmem>>
    %dma_wait3A_63 = arith.constant 0 : i32
    %dma_wait3A_64 = tpu.memref_slice %arg6[%dma_wait3A_57, %dma_wait3A_63] : memref<80x128xi32, #tpu.memory_space<vmem>> -> memref<1x128xi32, #tpu.memory_space<vmem>>
    %dma_wait3A_65 = tpu.memref_squeeze %dma_wait3A_64 : memref<1x128xi32, #tpu.memory_space<vmem>> -> memref<128xi32, #tpu.memory_space<vmem>>
    %dma_wait3A_66 = arith.constant 0 : i32
    %dma_wait3A_67 = arith.constant 0 : i32
    %dma_wait3A_68 = tpu.memref_slice %arg2[%dma_wait3A, %dma_wait3A_66, %dma_wait3A_67] : memref<1x10000x64xf32, #tpu.memory_space<hbm>> -> memref<1x10000x64xf32, #tpu.memory_space<hbm>>
    %dma_wait3A_69 = tpu.memref_squeeze %dma_wait3A_68 : memref<1x10000x64xf32, #tpu.memory_space<hbm>> -> memref<10000x64xf32, #tpu.memory_space<hbm>>
    %dma_wait3A_70 = arith.constant 0 : i32
    %dma_wait3A_71 = arith.constant 0 : i32
    %dma_wait3A_72 = tpu.memref_slice %dma_wait3A_69[%dma_wait3A_70, %dma_wait3A_71] : memref<10000x64xf32, #tpu.memory_space<hbm>> -> memref<10000x64xf32, #tpu.memory_space<hbm>>
    tpu.wait_indirect_dma semaphore(%arg10 : memref<!tpu.dma_semaphore, #tpu.memory_space<semaphore_mem>>) src(%dma_wait3A_72 : memref<10000x64xf32, #tpu.memory_space<hbm>>) dst(%dma_wait3A_62 : memref<128x64xf32, #tpu.memory_space<vmem>>)
    %dma_start3A_73 = arith.constant 0 : i32
    %dma_start3A_74 = arith.constant 0 : i32
    %dma_start3A_75 = arith.constant 0 : i32
    %dma_start3A_76 = arith.constant 0 : i32
    %dma_start3A_77 = tpu.memref_slice %arg8[%dma_start3A_73, %dma_start3A_75, %dma_start3A_76] : memref<2x128x64xf32, #tpu.memory_space<vmem>> -> memref<1x128x64xf32, #tpu.memory_space<vmem>>
    %dma_start3A_78 = tpu.memref_squeeze %dma_start3A_77 : memref<1x128x64xf32, #tpu.memory_space<vmem>> -> memref<128x64xf32, #tpu.memory_space<vmem>>
    %dma_start3A_79 = arith.constant 0 : i32
    %dma_start3A_80 = tpu.memref_slice %arg7[%dma_start3A_74, %dma_start3A_79] : memref<80x128xi32, #tpu.memory_space<vmem>> -> memref<1x128xi32, #tpu.memory_space<vmem>>
    %dma_start3A_81 = tpu.memref_squeeze %dma_start3A_80 : memref<1x128xi32, #tpu.memory_space<vmem>> -> memref<128xi32, #tpu.memory_space<vmem>>
    %dma_start3A_82 = arith.constant 0 : i32
    %dma_start3A_83 = arith.constant 0 : i32
    %dma_start3A_84 = tpu.memref_slice %arg9[%dma_start3A_82, %dma_start3A_83] : memref<10112x64xf32, #tpu.memory_space<vmem_shared>> -> memref<10112x64xf32, #tpu.memory_space<vmem_shared>>
    tpu.enqueue_indirect_dma source(%dma_start3A_78 : memref<128x64xf32, #tpu.memory_space<vmem>>) target(%dma_start3A_84 : memref<10112x64xf32, #tpu.memory_space<vmem_shared>>) offsets(%dma_start3A_81 : memref<128xi32, #tpu.memory_space<vmem>>) semaphore(%arg12 : memref<!tpu.dma_semaphore, #tpu.memory_space<semaphore_mem>>) {add = true}
    %dma_wait3A_85 = arith.constant 0 : i32
    %dma_wait3A_86 = arith.constant 1 : i32
    %dma_wait3A_87 = arith.constant 1 : i32
    %dma_wait3A_88 = arith.constant 0 : i32
    %dma_wait3A_89 = arith.constant 0 : i32
    %dma_wait3A_90 = tpu.memref_slice %arg8[%dma_wait3A_87, %dma_wait3A_88, %dma_wait3A_89] : memref<2x128x64xf32, #tpu.memory_space<vmem>> -> memref<1x128x64xf32, #tpu.memory_space<vmem>>
    %dma_wait3A_91 = tpu.memref_squeeze %dma_wait3A_90 : memref<1x128x64xf32, #tpu.memory_space<vmem>> -> memref<128x64xf32, #tpu.memory_space<vmem>>
    %dma_wait3A_92 = arith.constant 0 : i32
    %dma_wait3A_93 = tpu.memref_slice %arg6[%dma_wait3A_86, %dma_wait3A_92] : memref<80x128xi32, #tpu.memory_space<vmem>> -> memref<1x128xi32, #tpu.memory_space<vmem>>
    %dma_wait3A_94 = tpu.memref_squeeze %dma_wait3A_93 : memref<1x128xi32, #tpu.memory_space<vmem>> -> memref<128xi32, #tpu.memory_space<vmem>>
    %dma_wait3A_95 = arith.constant 0 : i32
    %dma_wait3A_96 = arith.constant 0 : i32
    %dma_wait3A_97 = tpu.memref_slice %arg2[%dma_wait3A_85, %dma_wait3A_95, %dma_wait3A_96] : memref<1x10000x64xf32, #tpu.memory_space<hbm>> -> memref<1x10000x64xf32, #tpu.memory_space<hbm>>
    %dma_wait3A_98 = tpu.memref_squeeze %dma_wait3A_97 : memref<1x10000x64xf32, #tpu.memory_space<hbm>> -> memref<10000x64xf32, #tpu.memory_space<hbm>>
    %dma_wait3A_99 = arith.constant 0 : i32
    %dma_wait3A_100 = arith.constant 0 : i32
    %dma_wait3A_101 = tpu.memref_slice %dma_wait3A_98[%dma_wait3A_99, %dma_wait3A_100] : memref<10000x64xf32, #tpu.memory_space<hbm>> -> memref<10000x64xf32, #tpu.memory_space<hbm>>
    tpu.wait_indirect_dma semaphore(%arg11 : memref<!tpu.dma_semaphore, #tpu.memory_space<semaphore_mem>>) src(%dma_wait3A_101 : memref<10000x64xf32, #tpu.memory_space<hbm>>) dst(%dma_wait3A_91 : memref<128x64xf32, #tpu.memory_space<vmem>>)
    %dma_start3A_102 = arith.constant 1 : i32
    %dma_start3A_103 = arith.constant 1 : i32
    %dma_start3A_104 = arith.constant 0 : i32
    %dma_start3A_105 = arith.constant 0 : i32
    %dma_start3A_106 = tpu.memref_slice %arg8[%dma_start3A_102, %dma_start3A_104, %dma_start3A_105] : memref<2x128x64xf32, #tpu.memory_space<vmem>> -> memref<1x128x64xf32, #tpu.memory_space<vmem>>
    %dma_start3A_107 = tpu.memref_squeeze %dma_start3A_106 : memref<1x128x64xf32, #tpu.memory_space<vmem>> -> memref<128x64xf32, #tpu.memory_space<vmem>>
    %dma_start3A_108 = arith.constant 0 : i32
    %dma_start3A_109 = tpu.memref_slice %arg7[%dma_start3A_103, %dma_start3A_108] : memref<80x128xi32, #tpu.memory_space<vmem>> -> memref<1x128xi32, #tpu.memory_space<vmem>>
    %dma_start3A_110 = tpu.memref_squeeze %dma_start3A_109 : memref<1x128xi32, #tpu.memory_space<vmem>> -> memref<128xi32, #tpu.memory_space<vmem>>
    %dma_start3A_111 = arith.constant 0 : i32
    %dma_start3A_112 = arith.constant 0 : i32
    %dma_start3A_113 = tpu.memref_slice %arg9[%dma_start3A_111, %dma_start3A_112] : memref<10112x64xf32, #tpu.memory_space<vmem_shared>> -> memref<10112x64xf32, #tpu.memory_space<vmem_shared>>
    tpu.enqueue_indirect_dma source(%dma_start3A_107 : memref<128x64xf32, #tpu.memory_space<vmem>>) target(%dma_start3A_113 : memref<10112x64xf32, #tpu.memory_space<vmem_shared>>) offsets(%dma_start3A_110 : memref<128xi32, #tpu.memory_space<vmem>>) semaphore(%arg13 : memref<!tpu.dma_semaphore, #tpu.memory_space<semaphore_mem>>) {add = true}
    %scan3A_114 = arith.constant 0 : i32
    %scan3A_115 = arith.constant 0 : i32
    %scan3A_116 = arith.constant 1 : i32
    %scan3A_117 = arith.constant 39 : i32
    %scan3A_118 = arith.addi %scan3A_116, %scan3A_117 : i32
    %scan3A_119 = arith.constant 1 : i32
    %scan3A_120 = scf.for %scan3A_153 = %scan3A_116 to %scan3A_118 step %scan3A_119 iter_args(%scan3A_154 = %scan3A_115) -> (i32)  : i32 {
      %mul3A_155 = arith.constant 2 : i32
      %mul3A_156 = arith.muli %mul3A_155, %scan3A_153 : i32
      %add3A_157 = arith.constant 0 : i32
      %add3A_158 = arith.addi %mul3A_156, %add3A_157 : i32
      %sub3A = arith.constant 2 : i32
      %sub3A_159 = arith.subi %add3A_158, %sub3A : i32
      %dma_wait3A_160 = arith.constant 0 : i32
      %dma_wait3A_161 = arith.constant 0 : i32
      %dma_wait3A_162 = arith.constant 0 : i32
      %dma_wait3A_163 = tpu.memref_slice %arg8[%dma_wait3A_160, %dma_wait3A_161, %dma_wait3A_162] : memref<2x128x64xf32, #tpu.memory_space<vmem>> -> memref<1x128x64xf32, #tpu.memory_space<vmem>>
      %dma_wait3A_164 = tpu.memref_squeeze %dma_wait3A_163 : memref<1x128x64xf32, #tpu.memory_space<vmem>> -> memref<128x64xf32, #tpu.memory_space<vmem>>
      %dma_wait3A_165 = arith.constant 0 : i32
      %dma_wait3A_166 = tpu.memref_slice %arg7[%sub3A_159, %dma_wait3A_165] : memref<80x128xi32, #tpu.memory_space<vmem>> -> memref<1x128xi32, #tpu.memory_space<vmem>>
      %dma_wait3A_167 = tpu.memref_squeeze %dma_wait3A_166 : memref<1x128xi32, #tpu.memory_space<vmem>> -> memref<128xi32, #tpu.memory_space<vmem>>
      %dma_wait3A_168 = arith.constant 0 : i32
      %dma_wait3A_169 = arith.constant 0 : i32
      %dma_wait3A_170 = tpu.memref_slice %arg9[%dma_wait3A_168, %dma_wait3A_169] : memref<10112x64xf32, #tpu.memory_space<vmem_shared>> -> memref<10112x64xf32, #tpu.memory_space<vmem_shared>>
      tpu.wait_indirect_dma semaphore(%arg12 : memref<!tpu.dma_semaphore, #tpu.memory_space<semaphore_mem>>) src(%dma_wait3A_164 : memref<128x64xf32, #tpu.memory_space<vmem>>) dst(%dma_wait3A_170 : memref<10112x64xf32, #tpu.memory_space<vmem_shared>>)
      %dma_start3A_171 = arith.constant 0 : i32
      %dma_start3A_172 = arith.constant 0 : i32
      %dma_start3A_173 = arith.constant 0 : i32
      %dma_start3A_174 = tpu.memref_slice %arg8[%dma_start3A_171, %dma_start3A_172, %dma_start3A_173] : memref<2x128x64xf32, #tpu.memory_space<vmem>> -> memref<1x128x64xf32, #tpu.memory_space<vmem>>
      %dma_start3A_175 = tpu.memref_squeeze %dma_start3A_174 : memref<1x128x64xf32, #tpu.memory_space<vmem>> -> memref<128x64xf32, #tpu.memory_space<vmem>>
      %dma_start3A_176 = arith.constant 0 : i32
      %dma_start3A_177 = tpu.memref_slice %arg6[%add3A_158, %dma_start3A_176] : memref<80x128xi32, #tpu.memory_space<vmem>> -> memref<1x128xi32, #tpu.memory_space<vmem>>
      %dma_start3A_178 = tpu.memref_squeeze %dma_start3A_177 : memref<1x128xi32, #tpu.memory_space<vmem>> -> memref<128xi32, #tpu.memory_space<vmem>>
      %dma_start3A_179 = arith.constant 0 : i32
      %dma_start3A_180 = arith.constant 0 : i32
      %dma_start3A_181 = tpu.memref_slice %arg2[%scan3A_114, %dma_start3A_179, %dma_start3A_180] : memref<1x10000x64xf32, #tpu.memory_space<hbm>> -> memref<1x10000x64xf32, #tpu.memory_space<hbm>>
      %dma_start3A_182 = tpu.memref_squeeze %dma_start3A_181 : memref<1x10000x64xf32, #tpu.memory_space<hbm>> -> memref<10000x64xf32, #tpu.memory_space<hbm>>
      %dma_start3A_183 = arith.constant 0 : i32
      %dma_start3A_184 = arith.constant 0 : i32
      %dma_start3A_185 = tpu.memref_slice %dma_start3A_182[%dma_start3A_183, %dma_start3A_184] : memref<10000x64xf32, #tpu.memory_space<hbm>> -> memref<10000x64xf32, #tpu.memory_space<hbm>>
      tpu.enqueue_indirect_dma source(%dma_start3A_185 : memref<10000x64xf32, #tpu.memory_space<hbm>>) target(%dma_start3A_175 : memref<128x64xf32, #tpu.memory_space<vmem>>) offsets(%dma_start3A_178 : memref<128xi32, #tpu.memory_space<vmem>>) semaphore(%arg10 : memref<!tpu.dma_semaphore, #tpu.memory_space<semaphore_mem>>)
      %mul3A_186 = arith.constant 2 : i32
      %mul3A_187 = arith.muli %mul3A_186, %scan3A_153 : i32
      %add3A_188 = arith.constant 1 : i32
      %add3A_189 = arith.addi %mul3A_187, %add3A_188 : i32
      %sub3A_190 = arith.constant 2 : i32
      %sub3A_191 = arith.subi %add3A_189, %sub3A_190 : i32
      %dma_wait3A_192 = arith.constant 1 : i32
      %dma_wait3A_193 = arith.constant 0 : i32
      %dma_wait3A_194 = arith.constant 0 : i32
      %dma_wait3A_195 = tpu.memref_slice %arg8[%dma_wait3A_192, %dma_wait3A_193, %dma_wait3A_194] : memref<2x128x64xf32, #tpu.memory_space<vmem>> -> memref<1x128x64xf32, #tpu.memory_space<vmem>>
      %dma_wait3A_196 = tpu.memref_squeeze %dma_wait3A_195 : memref<1x128x64xf32, #tpu.memory_space<vmem>> -> memref<128x64xf32, #tpu.memory_space<vmem>>
      %dma_wait3A_197 = arith.constant 0 : i32
      %dma_wait3A_198 = tpu.memref_slice %arg7[%sub3A_191, %dma_wait3A_197] : memref<80x128xi32, #tpu.memory_space<vmem>> -> memref<1x128xi32, #tpu.memory_space<vmem>>
      %dma_wait3A_199 = tpu.memref_squeeze %dma_wait3A_198 : memref<1x128xi32, #tpu.memory_space<vmem>> -> memref<128xi32, #tpu.memory_space<vmem>>
      %dma_wait3A_200 = arith.constant 0 : i32
      %dma_wait3A_201 = arith.constant 0 : i32
      %dma_wait3A_202 = tpu.memref_slice %arg9[%dma_wait3A_200, %dma_wait3A_201] : memref<10112x64xf32, #tpu.memory_space<vmem_shared>> -> memref<10112x64xf32, #tpu.memory_space<vmem_shared>>
      tpu.wait_indirect_dma semaphore(%arg13 : memref<!tpu.dma_semaphore, #tpu.memory_space<semaphore_mem>>) src(%dma_wait3A_196 : memref<128x64xf32, #tpu.memory_space<vmem>>) dst(%dma_wait3A_202 : memref<10112x64xf32, #tpu.memory_space<vmem_shared>>)
      %dma_start3A_203 = arith.constant 1 : i32
      %dma_start3A_204 = arith.constant 0 : i32
      %dma_start3A_205 = arith.constant 0 : i32
      %dma_start3A_206 = tpu.memref_slice %arg8[%dma_start3A_203, %dma_start3A_204, %dma_start3A_205] : memref<2x128x64xf32, #tpu.memory_space<vmem>> -> memref<1x128x64xf32, #tpu.memory_space<vmem>>
      %dma_start3A_207 = tpu.memref_squeeze %dma_start3A_206 : memref<1x128x64xf32, #tpu.memory_space<vmem>> -> memref<128x64xf32, #tpu.memory_space<vmem>>
      %dma_start3A_208 = arith.constant 0 : i32
      %dma_start3A_209 = tpu.memref_slice %arg6[%add3A_189, %dma_start3A_208] : memref<80x128xi32, #tpu.memory_space<vmem>> -> memref<1x128xi32, #tpu.memory_space<vmem>>
      %dma_start3A_210 = tpu.memref_squeeze %dma_start3A_209 : memref<1x128xi32, #tpu.memory_space<vmem>> -> memref<128xi32, #tpu.memory_space<vmem>>
      %dma_start3A_211 = arith.constant 0 : i32
      %dma_start3A_212 = arith.constant 0 : i32
      %dma_start3A_213 = tpu.memref_slice %arg2[%scan3A_114, %dma_start3A_211, %dma_start3A_212] : memref<1x10000x64xf32, #tpu.memory_space<hbm>> -> memref<1x10000x64xf32, #tpu.memory_space<hbm>>
      %dma_start3A_214 = tpu.memref_squeeze %dma_start3A_213 : memref<1x10000x64xf32, #tpu.memory_space<hbm>> -> memref<10000x64xf32, #tpu.memory_space<hbm>>
      %dma_start3A_215 = arith.constant 0 : i32
      %dma_start3A_216 = arith.constant 0 : i32
      %dma_start3A_217 = tpu.memref_slice %dma_start3A_214[%dma_start3A_215, %dma_start3A_216] : memref<10000x64xf32, #tpu.memory_space<hbm>> -> memref<10000x64xf32, #tpu.memory_space<hbm>>
      tpu.enqueue_indirect_dma source(%dma_start3A_217 : memref<10000x64xf32, #tpu.memory_space<hbm>>) target(%dma_start3A_207 : memref<128x64xf32, #tpu.memory_space<vmem>>) offsets(%dma_start3A_210 : memref<128xi32, #tpu.memory_space<vmem>>) semaphore(%arg11 : memref<!tpu.dma_semaphore, #tpu.memory_space<semaphore_mem>>)
      %mul3A_218 = arith.constant 2 : i32
      %mul3A_219 = arith.muli %mul3A_218, %scan3A_153 : i32
      %add3A_220 = arith.constant 0 : i32
      %add3A_221 = arith.addi %mul3A_219, %add3A_220 : i32
      %dma_wait3A_222 = arith.constant 0 : i32
      %dma_wait3A_223 = arith.constant 0 : i32
      %dma_wait3A_224 = arith.constant 0 : i32
      %dma_wait3A_225 = tpu.memref_slice %arg8[%dma_wait3A_222, %dma_wait3A_223, %dma_wait3A_224] : memref<2x128x64xf32, #tpu.memory_space<vmem>> -> memref<1x128x64xf32, #tpu.memory_space<vmem>>
      %dma_wait3A_226 = tpu.memref_squeeze %dma_wait3A_225 : memref<1x128x64xf32, #tpu.memory_space<vmem>> -> memref<128x64xf32, #tpu.memory_space<vmem>>
      %dma_wait3A_227 = arith.constant 0 : i32
      %dma_wait3A_228 = tpu.memref_slice %arg6[%add3A_221, %dma_wait3A_227] : memref<80x128xi32, #tpu.memory_space<vmem>> -> memref<1x128xi32, #tpu.memory_space<vmem>>
      %dma_wait3A_229 = tpu.memref_squeeze %dma_wait3A_228 : memref<1x128xi32, #tpu.memory_space<vmem>> -> memref<128xi32, #tpu.memory_space<vmem>>
      %dma_wait3A_230 = arith.constant 0 : i32
      %dma_wait3A_231 = arith.constant 0 : i32
      %dma_wait3A_232 = tpu.memref_slice %arg2[%scan3A_114, %dma_wait3A_230, %dma_wait3A_231] : memref<1x10000x64xf32, #tpu.memory_space<hbm>> -> memref<1x10000x64xf32, #tpu.memory_space<hbm>>
      %dma_wait3A_233 = tpu.memref_squeeze %dma_wait3A_232 : memref<1x10000x64xf32, #tpu.memory_space<hbm>> -> memref<10000x64xf32, #tpu.memory_space<hbm>>
      %dma_wait3A_234 = arith.constant 0 : i32
      %dma_wait3A_235 = arith.constant 0 : i32
      %dma_wait3A_236 = tpu.memref_slice %dma_wait3A_233[%dma_wait3A_234, %dma_wait3A_235] : memref<10000x64xf32, #tpu.memory_space<hbm>> -> memref<10000x64xf32, #tpu.memory_space<hbm>>
      tpu.wait_indirect_dma semaphore(%arg10 : memref<!tpu.dma_semaphore, #tpu.memory_space<semaphore_mem>>) src(%dma_wait3A_236 : memref<10000x64xf32, #tpu.memory_space<hbm>>) dst(%dma_wait3A_226 : memref<128x64xf32, #tpu.memory_space<vmem>>)
      %dma_start3A_237 = arith.constant 0 : i32
      %dma_start3A_238 = arith.constant 0 : i32
      %dma_start3A_239 = arith.constant 0 : i32
      %dma_start3A_240 = tpu.memref_slice %arg8[%dma_start3A_237, %dma_start3A_238, %dma_start3A_239] : memref<2x128x64xf32, #tpu.memory_space<vmem>> -> memref<1x128x64xf32, #tpu.memory_space<vmem>>
      %dma_start3A_241 = tpu.memref_squeeze %dma_start3A_240 : memref<1x128x64xf32, #tpu.memory_space<vmem>> -> memref<128x64xf32, #tpu.memory_space<vmem>>
      %dma_start3A_242 = arith.constant 0 : i32
      %dma_start3A_243 = tpu.memref_slice %arg7[%add3A_221, %dma_start3A_242] : memref<80x128xi32, #tpu.memory_space<vmem>> -> memref<1x128xi32, #tpu.memory_space<vmem>>
      %dma_start3A_244 = tpu.memref_squeeze %dma_start3A_243 : memref<1x128xi32, #tpu.memory_space<vmem>> -> memref<128xi32, #tpu.memory_space<vmem>>
      %dma_start3A_245 = arith.constant 0 : i32
      %dma_start3A_246 = arith.constant 0 : i32
      %dma_start3A_247 = tpu.memref_slice %arg9[%dma_start3A_245, %dma_start3A_246] : memref<10112x64xf32, #tpu.memory_space<vmem_shared>> -> memref<10112x64xf32, #tpu.memory_space<vmem_shared>>
      tpu.enqueue_indirect_dma source(%dma_start3A_241 : memref<128x64xf32, #tpu.memory_space<vmem>>) target(%dma_start3A_247 : memref<10112x64xf32, #tpu.memory_space<vmem_shared>>) offsets(%dma_start3A_244 : memref<128xi32, #tpu.memory_space<vmem>>) semaphore(%arg12 : memref<!tpu.dma_semaphore, #tpu.memory_space<semaphore_mem>>) {add = true}
      %mul3A_248 = arith.constant 2 : i32
      %mul3A_249 = arith.muli %mul3A_248, %scan3A_153 : i32
      %add3A_250 = arith.constant 1 : i32
      %add3A_251 = arith.addi %mul3A_249, %add3A_250 : i32
      %dma_wait3A_252 = arith.constant 1 : i32
      %dma_wait3A_253 = arith.constant 0 : i32
      %dma_wait3A_254 = arith.constant 0 : i32
      %dma_wait3A_255 = tpu.memref_slice %arg8[%dma_wait3A_252, %dma_wait3A_253, %dma_wait3A_254] : memref<2x128x64xf32, #tpu.memory_space<vmem>> -> memref<1x128x64xf32, #tpu.memory_space<vmem>>
      %dma_wait3A_256 = tpu.memref_squeeze %dma_wait3A_255 : memref<1x128x64xf32, #tpu.memory_space<vmem>> -> memref<128x64xf32, #tpu.memory_space<vmem>>
      %dma_wait3A_257 = arith.constant 0 : i32
      %dma_wait3A_258 = tpu.memref_slice %arg6[%add3A_251, %dma_wait3A_257] : memref<80x128xi32, #tpu.memory_space<vmem>> -> memref<1x128xi32, #tpu.memory_space<vmem>>
      %dma_wait3A_259 = tpu.memref_squeeze %dma_wait3A_258 : memref<1x128xi32, #tpu.memory_space<vmem>> -> memref<128xi32, #tpu.memory_space<vmem>>
      %dma_wait3A_260 = arith.constant 0 : i32
      %dma_wait3A_261 = arith.constant 0 : i32
      %dma_wait3A_262 = tpu.memref_slice %arg2[%scan3A_114, %dma_wait3A_260, %dma_wait3A_261] : memref<1x10000x64xf32, #tpu.memory_space<hbm>> -> memref<1x10000x64xf32, #tpu.memory_space<hbm>>
      %dma_wait3A_263 = tpu.memref_squeeze %dma_wait3A_262 : memref<1x10000x64xf32, #tpu.memory_space<hbm>> -> memref<10000x64xf32, #tpu.memory_space<hbm>>
      %dma_wait3A_264 = arith.constant 0 : i32
      %dma_wait3A_265 = arith.constant 0 : i32
      %dma_wait3A_266 = tpu.memref_slice %dma_wait3A_263[%dma_wait3A_264, %dma_wait3A_265] : memref<10000x64xf32, #tpu.memory_space<hbm>> -> memref<10000x64xf32, #tpu.memory_space<hbm>>
      tpu.wait_indirect_dma semaphore(%arg11 : memref<!tpu.dma_semaphore, #tpu.memory_space<semaphore_mem>>) src(%dma_wait3A_266 : memref<10000x64xf32, #tpu.memory_space<hbm>>) dst(%dma_wait3A_256 : memref<128x64xf32, #tpu.memory_space<vmem>>)
      %dma_start3A_267 = arith.constant 1 : i32
      %dma_start3A_268 = arith.constant 0 : i32
      %dma_start3A_269 = arith.constant 0 : i32
      %dma_start3A_270 = tpu.memref_slice %arg8[%dma_start3A_267, %dma_start3A_268, %dma_start3A_269] : memref<2x128x64xf32, #tpu.memory_space<vmem>> -> memref<1x128x64xf32, #tpu.memory_space<vmem>>
      %dma_start3A_271 = tpu.memref_squeeze %dma_start3A_270 : memref<1x128x64xf32, #tpu.memory_space<vmem>> -> memref<128x64xf32, #tpu.memory_space<vmem>>
      %dma_start3A_272 = arith.constant 0 : i32
      %dma_start3A_273 = tpu.memref_slice %arg7[%add3A_251, %dma_start3A_272] : memref<80x128xi32, #tpu.memory_space<vmem>> -> memref<1x128xi32, #tpu.memory_space<vmem>>
      %dma_start3A_274 = tpu.memref_squeeze %dma_start3A_273 : memref<1x128xi32, #tpu.memory_space<vmem>> -> memref<128xi32, #tpu.memory_space<vmem>>
      %dma_start3A_275 = arith.constant 0 : i32
      %dma_start3A_276 = arith.constant 0 : i32
      %dma_start3A_277 = tpu.memref_slice %arg9[%dma_start3A_275, %dma_start3A_276] : memref<10112x64xf32, #tpu.memory_space<vmem_shared>> -> memref<10112x64xf32, #tpu.memory_space<vmem_shared>>
      tpu.enqueue_indirect_dma source(%dma_start3A_271 : memref<128x64xf32, #tpu.memory_space<vmem>>) target(%dma_start3A_277 : memref<10112x64xf32, #tpu.memory_space<vmem_shared>>) offsets(%dma_start3A_274 : memref<128xi32, #tpu.memory_space<vmem>>) semaphore(%arg13 : memref<!tpu.dma_semaphore, #tpu.memory_space<semaphore_mem>>) {add = true}
      %scan3A_278 = arith.constant 0 : i32
      scf.yield %scan3A_278 : i32
    }
    %scan3A_121 = arith.constant 39 : i32
    %dma_wait3A_122 = arith.constant 0 : i32
    %dma_wait3A_123 = arith.constant 78 : i32
    %dma_wait3A_124 = arith.constant 0 : i32
    %dma_wait3A_125 = arith.constant 0 : i32
    %dma_wait3A_126 = tpu.memref_slice %arg8[%dma_wait3A_122, %dma_wait3A_124, %dma_wait3A_125] : memref<2x128x64xf32, #tpu.memory_space<vmem>> -> memref<1x128x64xf32, #tpu.memory_space<vmem>>
    %dma_wait3A_127 = tpu.memref_squeeze %dma_wait3A_126 : memref<1x128x64xf32, #tpu.memory_space<vmem>> -> memref<128x64xf32, #tpu.memory_space<vmem>>
    %dma_wait3A_128 = arith.constant 0 : i32
    %dma_wait3A_129 = tpu.memref_slice %arg7[%dma_wait3A_123, %dma_wait3A_128] : memref<80x128xi32, #tpu.memory_space<vmem>> -> memref<1x128xi32, #tpu.memory_space<vmem>>
    %dma_wait3A_130 = tpu.memref_squeeze %dma_wait3A_129 : memref<1x128xi32, #tpu.memory_space<vmem>> -> memref<128xi32, #tpu.memory_space<vmem>>
    %dma_wait3A_131 = arith.constant 0 : i32
    %dma_wait3A_132 = arith.constant 0 : i32
    %dma_wait3A_133 = tpu.memref_slice %arg9[%dma_wait3A_131, %dma_wait3A_132] : memref<10112x64xf32, #tpu.memory_space<vmem_shared>> -> memref<10112x64xf32, #tpu.memory_space<vmem_shared>>
    tpu.wait_indirect_dma semaphore(%arg12 : memref<!tpu.dma_semaphore, #tpu.memory_space<semaphore_mem>>) src(%dma_wait3A_127 : memref<128x64xf32, #tpu.memory_space<vmem>>) dst(%dma_wait3A_133 : memref<10112x64xf32, #tpu.memory_space<vmem_shared>>)
    %dma_wait3A_134 = arith.constant 1 : i32
    %dma_wait3A_135 = arith.constant 79 : i32
    %dma_wait3A_136 = arith.constant 0 : i32
    %dma_wait3A_137 = arith.constant 0 : i32
    %dma_wait3A_138 = tpu.memref_slice %arg8[%dma_wait3A_134, %dma_wait3A_136, %dma_wait3A_137] : memref<2x128x64xf32, #tpu.memory_space<vmem>> -> memref<1x128x64xf32, #tpu.memory_space<vmem>>
    %dma_wait3A_139 = tpu.memref_squeeze %dma_wait3A_138 : memref<1x128x64xf32, #tpu.memory_space<vmem>> -> memref<128x64xf32, #tpu.memory_space<vmem>>
    %dma_wait3A_140 = arith.constant 0 : i32
    %dma_wait3A_141 = tpu.memref_slice %arg7[%dma_wait3A_135, %dma_wait3A_140] : memref<80x128xi32, #tpu.memory_space<vmem>> -> memref<1x128xi32, #tpu.memory_space<vmem>>
    %dma_wait3A_142 = tpu.memref_squeeze %dma_wait3A_141 : memref<1x128xi32, #tpu.memory_space<vmem>> -> memref<128xi32, #tpu.memory_space<vmem>>
    %dma_wait3A_143 = arith.constant 0 : i32
    %dma_wait3A_144 = arith.constant 0 : i32
    %dma_wait3A_145 = tpu.memref_slice %arg9[%dma_wait3A_143, %dma_wait3A_144] : memref<10112x64xf32, #tpu.memory_space<vmem_shared>> -> memref<10112x64xf32, #tpu.memory_space<vmem_shared>>
    tpu.wait_indirect_dma semaphore(%arg13 : memref<!tpu.dma_semaphore, #tpu.memory_space<semaphore_mem>>) src(%dma_wait3A_139 : memref<128x64xf32, #tpu.memory_space<vmem>>) dst(%dma_wait3A_145 : memref<10112x64xf32, #tpu.memory_space<vmem_shared>>)
    %barrier3A_146 = arith.constant 0 : index
    tpu.barrier barrier_id(%barrier3A_146)
    %lt3A = arith.constant 15 : i32
    %lt3A_147 = arith.cmpi slt, %arg1, %lt3A : i32
    %convert_element_type3A = arith.extui %lt3A_147 : i1 to i32
    %cond3A = arith.constant 0 : i32
    %cond3A_148 = arith.cmpi ne, %convert_element_type3A, %cond3A : i32
    scf.if %cond3A_148 {
      %run_scoped3A_153 = arith.constant 0 : i32
      "tpu.region"() ({
        %run_scoped3A_154 = tpu.sem_alloc : memref<!tpu.dma_semaphore, #tpu.memory_space<semaphore_mem>>
        %dma_start3A_155 = arith.constant 0 : i32
        %dma_start3A_156 = tpu.memref_slice %arg5[%arg0, %run_scoped3A_153, %mul3A_9, %dma_start3A_155] : memref<2x1x10000x64xf32, #tpu.memory_space<hbm>> -> memref<1x1x632x64xf32, #tpu.memory_space<hbm>>
        %dma_start3A_157 = tpu.memref_squeeze %dma_start3A_156 : memref<1x1x632x64xf32, #tpu.memory_space<hbm>> -> memref<632x64xf32, #tpu.memory_space<hbm>>
        %dma_start3A_158 = arith.constant 0 : i32
        %dma_start3A_159 = tpu.memref_slice %arg9[%mul3A_9, %dma_start3A_158] : memref<10112x64xf32, #tpu.memory_space<vmem_shared>> -> memref<632x64xf32, #tpu.memory_space<vmem_shared>>
        tpu.enqueue_dma source(%dma_start3A_159 : memref<632x64xf32, #tpu.memory_space<vmem_shared>>) target(%dma_start3A_157 : memref<632x64xf32, #tpu.memory_space<hbm>>) target_semaphore(%run_scoped3A_154 : memref<!tpu.dma_semaphore, #tpu.memory_space<semaphore_mem>>)
        %dma_wait3A_160 = arith.constant 0 : i32
        %dma_wait3A_161 = tpu.memref_slice %arg5[%arg0, %run_scoped3A_153, %mul3A_9, %dma_wait3A_160] : memref<2x1x10000x64xf32, #tpu.memory_space<hbm>> -> memref<1x1x632x64xf32, #tpu.memory_space<hbm>>
        %dma_wait3A_162 = tpu.memref_squeeze %dma_wait3A_161 : memref<1x1x632x64xf32, #tpu.memory_space<hbm>> -> memref<632x64xf32, #tpu.memory_space<hbm>>
        %dma_wait3A_163 = arith.constant 0 : i32
        %dma_wait3A_164 = tpu.memref_slice %arg9[%mul3A_9, %dma_wait3A_163] : memref<10112x64xf32, #tpu.memory_space<vmem_shared>> -> memref<632x64xf32, #tpu.memory_space<vmem_shared>>
        tpu.wait_dma2 semaphore(%run_scoped3A_154 : memref<!tpu.dma_semaphore, #tpu.memory_space<semaphore_mem>>) src(%dma_wait3A_164 : memref<632x64xf32, #tpu.memory_space<vmem_shared>>) dst(%dma_wait3A_162 : memref<632x64xf32, #tpu.memory_space<hbm>>)
        tpu.yield
      }) : () -> ()
    } else {
    }
    %eq3A = arith.constant 15 : i32
    %eq3A_149 = arith.cmpi eq, %arg1, %eq3A : i32
    %convert_element_type3A_150 = arith.extui %eq3A_149 : i1 to i32
    %cond3A_151 = arith.constant 0 : i32
    %cond3A_152 = arith.cmpi ne, %convert_element_type3A_150, %cond3A_151 : i32
    scf.if %cond3A_152 {
      %run_scoped3A_153 = arith.constant 0 : i32
      "tpu.region"() ({
        %run_scoped3A_154 = tpu.sem_alloc : memref<!tpu.dma_semaphore, #tpu.memory_space<semaphore_mem>>
        %dma_start3A_155 = arith.constant 9480 : i32
        %dma_start3A_156 = arith.constant 0 : i32
        %dma_start3A_157 = tpu.memref_slice %arg5[%arg0, %run_scoped3A_153, %dma_start3A_155, %dma_start3A_156] : memref<2x1x10000x64xf32, #tpu.memory_space<hbm>> -> memref<1x1x520x64xf32, #tpu.memory_space<hbm>>
        %dma_start3A_158 = tpu.memref_squeeze %dma_start3A_157 : memref<1x1x520x64xf32, #tpu.memory_space<hbm>> -> memref<520x64xf32, #tpu.memory_space<hbm>>
        %dma_start3A_159 = arith.constant 9480 : i32
        %dma_start3A_160 = arith.constant 0 : i32
        %dma_start3A_161 = tpu.memref_slice %arg9[%dma_start3A_159, %dma_start3A_160] : memref<10112x64xf32, #tpu.memory_space<vmem_shared>> -> memref<520x64xf32, #tpu.memory_space<vmem_shared>>
        tpu.enqueue_dma source(%dma_start3A_161 : memref<520x64xf32, #tpu.memory_space<vmem_shared>>) target(%dma_start3A_158 : memref<520x64xf32, #tpu.memory_space<hbm>>) target_semaphore(%run_scoped3A_154 : memref<!tpu.dma_semaphore, #tpu.memory_space<semaphore_mem>>)
        %dma_wait3A_162 = arith.constant 9480 : i32
        %dma_wait3A_163 = arith.constant 0 : i32
        %dma_wait3A_164 = tpu.memref_slice %arg5[%arg0, %run_scoped3A_153, %dma_wait3A_162, %dma_wait3A_163] : memref<2x1x10000x64xf32, #tpu.memory_space<hbm>> -> memref<1x1x520x64xf32, #tpu.memory_space<hbm>>
        %dma_wait3A_165 = tpu.memref_squeeze %dma_wait3A_164 : memref<1x1x520x64xf32, #tpu.memory_space<hbm>> -> memref<520x64xf32, #tpu.memory_space<hbm>>
        %dma_wait3A_166 = arith.constant 9480 : i32
        %dma_wait3A_167 = arith.constant 0 : i32
        %dma_wait3A_168 = tpu.memref_slice %arg9[%dma_wait3A_166, %dma_wait3A_167] : memref<10112x64xf32, #tpu.memory_space<vmem_shared>> -> memref<520x64xf32, #tpu.memory_space<vmem_shared>>
        tpu.wait_dma2 semaphore(%run_scoped3A_154 : memref<!tpu.dma_semaphore, #tpu.memory_space<semaphore_mem>>) src(%dma_wait3A_168 : memref<520x64xf32, #tpu.memory_space<vmem_shared>>) dst(%dma_wait3A_165 : memref<520x64xf32, #tpu.memory_space<hbm>>)
        tpu.yield
      }) : () -> ()
    } else {
    }
    return
  }
}

module attributes {stable_mosaic.version = 14 : i64} {
  func.func @body(%arg0: i32, %arg1: memref<1x2000x4xf32, #tpu.memory_space<vmem>>, %arg2: memref<1x2000x4xf32, #tpu.memory_space<vmem>>, %arg3: memref<2000x128xf32, #tpu.memory_space<vmem>>, %arg4: memref<2x2000x64xf32, #tpu.memory_space<vmem>>) attributes {dimension_semantics = [#tpu.dimension_semantics<arbitrary>], iteration_bounds = array<i64: 5>, scalar_prefetch = 0 : i64, scratch_operands = 0 : i64, tpu.core_type = #tpu.core_type<tc>, window_params = [{transform_indices = @transform_0, window_bounds = array<i64: 1, 2000, 4>}, {transform_indices = @transform_1, window_bounds = array<i64: 1, 2000, 4>}, {transform_indices = @transform_2, window_bounds = array<i64: 2000, 128>}, {transform_indices = @transform_3, window_bounds = array<i64: 2, 2000, 64>}]} {
    %get3A = arith.constant 0 : index
    %get3A_0 = arith.constant 0 : index
    %get3A_1 = arith.constant 0 : index
    %get3A_2 = vector.load %arg1[%get3A, %get3A_0, %get3A_1] : memref<1x2000x4xf32, #tpu.memory_space<vmem>>, vector<1x2000x1xf32>
    %get3A_3 = vector.shape_cast %get3A_2 : vector<1x2000x1xf32> to vector<2000x1xf32>
    %get3A_4 = arith.constant 0 : index
    %get3A_5 = arith.constant 0 : index
    %get3A_6 = arith.constant 0 : index
    %get3A_7 = vector.load %arg2[%get3A_4, %get3A_5, %get3A_6] : memref<1x2000x4xf32, #tpu.memory_space<vmem>>, vector<1x2000x1xf32>
    %get3A_8 = vector.shape_cast %get3A_7 : vector<1x2000x1xf32> to vector<2000x1xf32>
    %add3A = arith.addf %get3A_3, %get3A_8 : vector<2000x1xf32>
    %add3A_9 = arith.constant 1.000000e+00 : f32
    %add3A_10 = vector.broadcast %add3A_9 : f32 to vector<2000x1xf32>
    %add3A_11 = arith.addf %add3A, %add3A_10 : vector<2000x1xf32>
    %rsqrt3A = math.rsqrt %add3A_11 : vector<2000x1xf32>
    %get3A_12 = arith.constant 0 : index
    %get3A_13 = arith.constant 0 : index
    %get3A_14 = vector.load %arg3[%get3A_12, %get3A_13] : memref<2000x128xf32, #tpu.memory_space<vmem>>, vector<2000x64xf32>
    %mul3A = vector.broadcast %rsqrt3A : vector<2000x1xf32> to vector<2000x64xf32>
    %mul3A_15 = arith.mulf %get3A_14, %mul3A : vector<2000x64xf32>
    %swap3A = arith.constant 0 : index
    %swap3A_16 = arith.constant 0 : index
    %swap3A_17 = arith.constant 0 : index
    %swap3A_18 = vector.load %arg4[%swap3A, %swap3A_16, %swap3A_17] : memref<2x2000x64xf32, #tpu.memory_space<vmem>>, vector<1x2000x64xf32>
    %swap3A_19 = vector.shape_cast %swap3A_18 : vector<1x2000x64xf32> to vector<2000x64xf32>
    %swap3A_20 = vector.shape_cast %mul3A_15 : vector<2000x64xf32> to vector<1x2000x64xf32>
    tpu.vector_store %arg4[%swap3A, %swap3A_16, %swap3A_17], %swap3A_20 {strides = array<i32>} : memref<2x2000x64xf32, #tpu.memory_space<vmem>>, vector<1x2000x64xf32>,
    %get3A_21 = arith.constant 0 : index
    %get3A_22 = arith.constant 64 : index
    %get3A_23 = vector.load %arg3[%get3A_21, %get3A_22] : memref<2000x128xf32, #tpu.memory_space<vmem>>, vector<2000x64xf32>
    %mul3A_24 = vector.broadcast %rsqrt3A : vector<2000x1xf32> to vector<2000x64xf32>
    %mul3A_25 = arith.mulf %get3A_23, %mul3A_24 : vector<2000x64xf32>
    %swap3A_26 = arith.constant 1 : index
    %swap3A_27 = arith.constant 0 : index
    %swap3A_28 = arith.constant 0 : index
    %swap3A_29 = vector.load %arg4[%swap3A_26, %swap3A_27, %swap3A_28] : memref<2x2000x64xf32, #tpu.memory_space<vmem>>, vector<1x2000x64xf32>
    %swap3A_30 = vector.shape_cast %swap3A_29 : vector<1x2000x64xf32> to vector<2000x64xf32>
    %swap3A_31 = vector.shape_cast %mul3A_25 : vector<2000x64xf32> to vector<1x2000x64xf32>
    tpu.vector_store %arg4[%swap3A_26, %swap3A_27, %swap3A_28], %swap3A_31 {strides = array<i32>} : memref<2x2000x64xf32, #tpu.memory_space<vmem>>, vector<1x2000x64xf32>,
    return
  }
  func.func @transform_0(%arg0: i32) -> (i32, i32, i32) {
    %c0_i32 = arith.constant 0 : i32
    %c0_i32_0 = arith.constant 0 : i32
    %c0_i32_1 = arith.constant 0 : i32
    return %c0_i32, %arg0, %c0_i32_0 : i32, i32, i32
  }
  func.func @transform_1(%arg0: i32) -> (i32, i32, i32) {
    %c1_i32 = arith.constant 1 : i32
    %c0_i32 = arith.constant 0 : i32
    %c0_i32_0 = arith.constant 0 : i32
    return %c1_i32, %arg0, %c0_i32 : i32, i32, i32
  }
  func.func @transform_2(%arg0: i32) -> (i32, i32) {
    %c0_i32 = arith.constant 0 : i32
    %c0_i32_0 = arith.constant 0 : i32
    return %arg0, %c0_i32 : i32, i32
  }
  func.func @transform_3(%arg0: i32) -> (i32, i32, i32) {
    %c0_i32 = arith.constant 0 : i32
    %c0_i32_0 = arith.constant 0 : i32
    %c0_i32_1 = arith.constant 0 : i32
    return %c0_i32, %arg0, %c0_i32_0 : i32, i32, i32
  }
}

module attributes {stable_mosaic.version = 14 : i64} {
  func.func @body(%arg0: i32, %arg1: memref<1x2000x64xf32, #tpu.memory_space<vmem>>, %arg2: memref<1x2000x64xf32, #tpu.memory_space<vmem>>, %arg3: memref<2x2000x64xf32, #tpu.memory_space<vmem>>, %arg4: memref<1x2000x4xf32, #tpu.memory_space<vmem>>, %arg5: memref<1x2000x4xf32, #tpu.memory_space<vmem>>, %arg6: memref<128x256xf32, #tpu.memory_space<vmem>>, %arg7: memref<1x256xf32, #tpu.memory_space<vmem>>, %arg8: memref<256x64xf32, #tpu.memory_space<vmem>>, %arg9: memref<1x2000x64xf32, #tpu.memory_space<vmem>>) attributes {dimension_semantics = [#tpu.dimension_semantics<arbitrary>], iteration_bounds = array<i64: 5>, scalar_prefetch = 0 : i64, scratch_operands = 0 : i64, tpu.core_type = #tpu.core_type<tc>, window_params = [{transform_indices = @transform_0, window_bounds = array<i64: 1, 2000, 64>}, {transform_indices = @transform_1, window_bounds = array<i64: 1, 2000, 64>}, {transform_indices = @transform_2, window_bounds = array<i64: 2, 2000, 64>}, {transform_indices = @transform_3, window_bounds = array<i64: 1, 2000, 4>}, {transform_indices = @transform_4, window_bounds = array<i64: 1, 2000, 4>}, {pipeline_mode = #tpu.pipeline_mode<synchronous>, transform_indices = @transform_5, window_bounds = array<i64: 128, 256>}, {pipeline_mode = #tpu.pipeline_mode<synchronous>, transform_indices = @transform_6, window_bounds = array<i64: 1, 256>}, {pipeline_mode = #tpu.pipeline_mode<synchronous>, transform_indices = @transform_7, window_bounds = array<i64: 256, 64>}, {transform_indices = @transform_8, window_bounds = array<i64: 1, 2000, 64>}]} {
    %get3A = arith.constant 0 : index
    %get3A_0 = arith.constant 0 : index
    %get3A_1 = arith.constant 0 : index
    %get3A_2 = vector.load %arg4[%get3A, %get3A_0, %get3A_1] : memref<1x2000x4xf32, #tpu.memory_space<vmem>>, vector<1x2000x1xf32>
    %get3A_3 = vector.shape_cast %get3A_2 : vector<1x2000x1xf32> to vector<2000x1xf32>
    %get3A_4 = arith.constant 0 : index
    %get3A_5 = arith.constant 0 : index
    %get3A_6 = arith.constant 0 : index
    %get3A_7 = vector.load %arg5[%get3A_4, %get3A_5, %get3A_6] : memref<1x2000x4xf32, #tpu.memory_space<vmem>>, vector<1x2000x1xf32>
    %get3A_8 = vector.shape_cast %get3A_7 : vector<1x2000x1xf32> to vector<2000x1xf32>
    %add3A = arith.addf %get3A_3, %get3A_8 : vector<2000x1xf32>
    %add3A_9 = arith.constant 1.000000e+00 : f32
    %add3A_10 = vector.broadcast %add3A_9 : f32 to vector<2000x1xf32>
    %add3A_11 = arith.addf %add3A, %add3A_10 : vector<2000x1xf32>
    %rsqrt3A = math.rsqrt %add3A_11 : vector<2000x1xf32>
    %get3A_12 = arith.constant 0 : index
    %get3A_13 = arith.constant 0 : index
    %get3A_14 = arith.constant 0 : index
    %get3A_15 = vector.load %arg1[%get3A_12, %get3A_13, %get3A_14] : memref<1x2000x64xf32, #tpu.memory_space<vmem>>, vector<1x2000x64xf32>
    %get3A_16 = vector.shape_cast %get3A_15 : vector<1x2000x64xf32> to vector<2000x64xf32>
    %get3A_17 = arith.constant 0 : index
    %get3A_18 = arith.constant 0 : index
    %get3A_19 = arith.constant 0 : index
    %get3A_20 = vector.load %arg3[%get3A_17, %get3A_18, %get3A_19] : memref<2x2000x64xf32, #tpu.memory_space<vmem>>, vector<1x2000x64xf32>
    %get3A_21 = vector.shape_cast %get3A_20 : vector<1x2000x64xf32> to vector<2000x64xf32>
    %add3A_22 = arith.addf %get3A_16, %get3A_21 : vector<2000x64xf32>
    %get3A_23 = arith.constant 0 : index
    %get3A_24 = arith.constant 0 : index
    %get3A_25 = arith.constant 0 : index
    %get3A_26 = vector.load %arg2[%get3A_23, %get3A_24, %get3A_25] : memref<1x2000x64xf32, #tpu.memory_space<vmem>>, vector<1x2000x64xf32>
    %get3A_27 = vector.shape_cast %get3A_26 : vector<1x2000x64xf32> to vector<2000x64xf32>
    %get3A_28 = arith.constant 1 : index
    %get3A_29 = arith.constant 0 : index
    %get3A_30 = arith.constant 0 : index
    %get3A_31 = vector.load %arg3[%get3A_28, %get3A_29, %get3A_30] : memref<2x2000x64xf32, #tpu.memory_space<vmem>>, vector<1x2000x64xf32>
    %get3A_32 = vector.shape_cast %get3A_31 : vector<1x2000x64xf32> to vector<2000x64xf32>
    %add3A_33 = arith.addf %get3A_27, %get3A_32 : vector<2000x64xf32>
    %concatenate3A = tpu.concatenate %add3A_22, %add3A_33 in 1 : vector<2000x64xf32>, vector<2000x64xf32> -> vector<2000x128xf32>
    %mul3A = vector.broadcast %rsqrt3A : vector<2000x1xf32> to vector<2000x128xf32>
    %mul3A_34 = arith.mulf %concatenate3A, %mul3A : vector<2000x128xf32>
    %get3A_35 = arith.constant 0 : index
    %get3A_36 = arith.constant 0 : index
    %get3A_37 = vector.load %arg6[%get3A_35, %get3A_36] : memref<128x256xf32, #tpu.memory_space<vmem>>, vector<128x256xf32>
    %dot_general3A = arith.constant dense<0.000000e+00> : vector<2000x256xf32>
    %dot_general3A_38 = tpu.matmul %mul3A_34, %get3A_37, %dot_general3A {dimension_numbers = #tpu.dot_dimension_numbers<[1], [0], [0], [1], [0, 0, 1, 1], [], []>, transpose_lhs_hint = false} : vector<2000x128xf32>, vector<128x256xf32>, vector<2000x256xf32> -> vector<2000x256xf32>
    %get3A_39 = arith.constant 0 : index
    %get3A_40 = arith.constant 0 : index
    %get3A_41 = vector.load %arg7[%get3A_39, %get3A_40] : memref<1x256xf32, #tpu.memory_space<vmem>>, vector<1x256xf32>
    %add3A_42 = vector.broadcast %get3A_41 : vector<1x256xf32> to vector<2000x256xf32>
    %add3A_43 = arith.addf %dot_general3A_38, %add3A_42 : vector<2000x256xf32>
    %max3A = arith.constant 0.000000e+00 : f32
    %max3A_44 = vector.broadcast %max3A : f32 to vector<2000x256xf32>
    %max3A_45 = arith.maximumf %add3A_43, %max3A_44 : vector<2000x256xf32>
    %get3A_46 = arith.constant 0 : index
    %get3A_47 = arith.constant 0 : index
    %get3A_48 = vector.load %arg8[%get3A_46, %get3A_47] : memref<256x64xf32, #tpu.memory_space<vmem>>, vector<256x64xf32>
    %dot_general3A_49 = arith.constant dense<0.000000e+00> : vector<2000x64xf32>
    %dot_general3A_50 = tpu.matmul %max3A_45, %get3A_48, %dot_general3A_49 {dimension_numbers = #tpu.dot_dimension_numbers<[1], [0], [0], [1], [0, 0, 1, 1], [], []>, transpose_lhs_hint = false} : vector<2000x256xf32>, vector<256x64xf32>, vector<2000x64xf32> -> vector<2000x64xf32>
    %mul3A_51 = vector.broadcast %rsqrt3A : vector<2000x1xf32> to vector<2000x64xf32>
    %mul3A_52 = arith.mulf %dot_general3A_50, %mul3A_51 : vector<2000x64xf32>
    %swap3A = arith.constant 0 : index
    %swap3A_53 = arith.constant 0 : index
    %swap3A_54 = arith.constant 0 : index
    %swap3A_55 = vector.load %arg9[%swap3A, %swap3A_53, %swap3A_54] : memref<1x2000x64xf32, #tpu.memory_space<vmem>>, vector<1x2000x64xf32>
    %swap3A_56 = vector.shape_cast %swap3A_55 : vector<1x2000x64xf32> to vector<2000x64xf32>
    %swap3A_57 = vector.shape_cast %mul3A_52 : vector<2000x64xf32> to vector<1x2000x64xf32>
    tpu.vector_store %arg9[%swap3A, %swap3A_53, %swap3A_54], %swap3A_57 {strides = array<i32>} : memref<1x2000x64xf32, #tpu.memory_space<vmem>>, vector<1x2000x64xf32>,
    return
  }
  func.func @transform_0(%arg0: i32) -> (i32, i32, i32) {
    %c0_i32 = arith.constant 0 : i32
    %c0_i32_0 = arith.constant 0 : i32
    %c0_i32_1 = arith.constant 0 : i32
    return %c0_i32, %arg0, %c0_i32_0 : i32, i32, i32
  }
  func.func @transform_1(%arg0: i32) -> (i32, i32, i32) {
    %c1_i32 = arith.constant 1 : i32
    %c0_i32 = arith.constant 0 : i32
    %c0_i32_0 = arith.constant 0 : i32
    return %c1_i32, %arg0, %c0_i32 : i32, i32, i32
  }
  func.func @transform_2(%arg0: i32) -> (i32, i32, i32) {
    %c0_i32 = arith.constant 0 : i32
    %c0_i32_0 = arith.constant 0 : i32
    %c0_i32_1 = arith.constant 0 : i32
    return %c0_i32, %arg0, %c0_i32_0 : i32, i32, i32
  }
  func.func @transform_3(%arg0: i32) -> (i32, i32, i32) {
    %c0_i32 = arith.constant 0 : i32
    %c0_i32_0 = arith.constant 0 : i32
    %c0_i32_1 = arith.constant 0 : i32
    return %c0_i32, %arg0, %c0_i32_0 : i32, i32, i32
  }
  func.func @transform_4(%arg0: i32) -> (i32, i32, i32) {
    %c1_i32 = arith.constant 1 : i32
    %c0_i32 = arith.constant 0 : i32
    %c0_i32_0 = arith.constant 0 : i32
    return %c1_i32, %arg0, %c0_i32 : i32, i32, i32
  }
  func.func @transform_5(%arg0: i32) -> (i32, i32) {
    %c0_i32 = arith.constant 0 : i32
    %c0_i32_0 = arith.constant 0 : i32
    %c0_i32_1 = arith.constant 0 : i32
    return %c0_i32, %c0_i32_0 : i32, i32
  }
  func.func @transform_6(%arg0: i32) -> (i32, i32) {
    %c0_i32 = arith.constant 0 : i32
    %c0_i32_0 = arith.constant 0 : i32
    %c0_i32_1 = arith.constant 0 : i32
    return %c0_i32, %c0_i32_0 : i32, i32
  }
  func.func @transform_7(%arg0: i32) -> (i32, i32) {
    %c0_i32 = arith.constant 0 : i32
    %c0_i32_0 = arith.constant 0 : i32
    %c0_i32_1 = arith.constant 0 : i32
    return %c0_i32, %c0_i32_0 : i32, i32
  }
  func.func @transform_8(%arg0: i32) -> (i32, i32, i32) {
    %c0_i32 = arith.constant 0 : i32
    %c0_i32_0 = arith.constant 0 : i32
    %c0_i32_1 = arith.constant 0 : i32
    return %c0_i32, %arg0, %c0_i32_0 : i32, i32, i32
  }
}

module attributes {stable_mosaic.version = 14 : i64} {
  func.func @body(%arg0: i32, %arg1: memref<1x1x2000x64xf32, #tpu.memory_space<vmem>>, %arg2: memref<1x1x2000x64xf32, #tpu.memory_space<vmem>>, %arg3: memref<1x2000x64xf32, #tpu.memory_space<vmem>>, %arg4: memref<1x2000x4xf32, #tpu.memory_space<vmem>>, %arg5: memref<1x2000x4xf32, #tpu.memory_space<vmem>>, %arg6: memref<1x64xf32, #tpu.memory_space<vmem>>, %arg7: memref<2000x64xf32, #tpu.memory_space<vmem>>) attributes {dimension_semantics = [#tpu.dimension_semantics<arbitrary>], iteration_bounds = array<i64: 5>, scalar_prefetch = 0 : i64, scratch_operands = 0 : i64, tpu.core_type = #tpu.core_type<tc>, window_params = [{transform_indices = @transform_0, window_bounds = array<i64: 1, 1, 2000, 64>}, {transform_indices = @transform_1, window_bounds = array<i64: 1, 1, 2000, 64>}, {transform_indices = @transform_2, window_bounds = array<i64: 1, 2000, 64>}, {transform_indices = @transform_3, window_bounds = array<i64: 1, 2000, 4>}, {transform_indices = @transform_4, window_bounds = array<i64: 1, 2000, 4>}, {pipeline_mode = #tpu.pipeline_mode<synchronous>, transform_indices = @transform_5, window_bounds = array<i64: 1, 64>}, {transform_indices = @transform_6, window_bounds = array<i64: 2000, 64>}]} {
    %get3A = arith.constant 0 : index
    %get3A_0 = arith.constant 0 : index
    %get3A_1 = arith.constant 0 : index
    %get3A_2 = vector.load %arg4[%get3A, %get3A_0, %get3A_1] : memref<1x2000x4xf32, #tpu.memory_space<vmem>>, vector<1x2000x1xf32>
    %get3A_3 = vector.shape_cast %get3A_2 : vector<1x2000x1xf32> to vector<2000x1xf32>
    %get3A_4 = arith.constant 0 : index
    %get3A_5 = arith.constant 0 : index
    %get3A_6 = arith.constant 0 : index
    %get3A_7 = vector.load %arg5[%get3A_4, %get3A_5, %get3A_6] : memref<1x2000x4xf32, #tpu.memory_space<vmem>>, vector<1x2000x1xf32>
    %get3A_8 = vector.shape_cast %get3A_7 : vector<1x2000x1xf32> to vector<2000x1xf32>
    %add3A = arith.addf %get3A_3, %get3A_8 : vector<2000x1xf32>
    %add3A_9 = arith.constant 1.000000e+00 : f32
    %add3A_10 = vector.broadcast %add3A_9 : f32 to vector<2000x1xf32>
    %add3A_11 = arith.addf %add3A, %add3A_10 : vector<2000x1xf32>
    %rsqrt3A = math.rsqrt %add3A_11 : vector<2000x1xf32>
    %get3A_12 = arith.constant 0 : index
    %get3A_13 = arith.constant 0 : index
    %get3A_14 = arith.constant 0 : index
    %get3A_15 = arith.constant 0 : index
    %get3A_16 = vector.load %arg1[%get3A_12, %get3A_13, %get3A_14, %get3A_15] : memref<1x1x2000x64xf32, #tpu.memory_space<vmem>>, vector<1x1x2000x64xf32>
    %get3A_17 = vector.shape_cast %get3A_16 : vector<1x1x2000x64xf32> to vector<2000x64xf32>
    %get3A_18 = arith.constant 0 : index
    %get3A_19 = arith.constant 0 : index
    %get3A_20 = arith.constant 0 : index
    %get3A_21 = arith.constant 0 : index
    %get3A_22 = vector.load %arg2[%get3A_18, %get3A_19, %get3A_20, %get3A_21] : memref<1x1x2000x64xf32, #tpu.memory_space<vmem>>, vector<1x1x2000x64xf32>
    %get3A_23 = vector.shape_cast %get3A_22 : vector<1x1x2000x64xf32> to vector<2000x64xf32>
    %add3A_24 = arith.addf %get3A_17, %get3A_23 : vector<2000x64xf32>
    %get3A_25 = arith.constant 0 : index
    %get3A_26 = arith.constant 0 : index
    %get3A_27 = arith.constant 0 : index
    %get3A_28 = vector.load %arg3[%get3A_25, %get3A_26, %get3A_27] : memref<1x2000x64xf32, #tpu.memory_space<vmem>>, vector<1x2000x64xf32>
    %get3A_29 = vector.shape_cast %get3A_28 : vector<1x2000x64xf32> to vector<2000x64xf32>
    %add3A_30 = arith.addf %add3A_24, %get3A_29 : vector<2000x64xf32>
    %mul3A = vector.broadcast %rsqrt3A : vector<2000x1xf32> to vector<2000x64xf32>
    %mul3A_31 = arith.mulf %add3A_30, %mul3A : vector<2000x64xf32>
    %get3A_32 = arith.constant 0 : index
    %get3A_33 = arith.constant 0 : index
    %get3A_34 = vector.load %arg6[%get3A_32, %get3A_33] : memref<1x64xf32, #tpu.memory_space<vmem>>, vector<1x64xf32>
    %add3A_35 = vector.broadcast %get3A_34 : vector<1x64xf32> to vector<2000x64xf32>
    %add3A_36 = arith.addf %mul3A_31, %add3A_35 : vector<2000x64xf32>
    %reduce_max3A = arith.constant dense<0xFF800000> : vector<2000xf32>
    %reduce_max3A_37 = vector.multi_reduction <maximumf>, %add3A_36, %reduce_max3A [1] : vector<2000x64xf32> to vector<2000xf32>
    %broadcast_in_dim3A = vector.shape_cast %reduce_max3A_37 : vector<2000xf32> to vector<2000x1xf32>
    %sub3A = vector.broadcast %broadcast_in_dim3A : vector<2000x1xf32> to vector<2000x64xf32>
    %sub3A_38 = arith.subf %add3A_36, %sub3A : vector<2000x64xf32>
    %exp3A = math.exp %sub3A_38 : vector<2000x64xf32>
    %reduce_sum3A = arith.constant dense<0.000000e+00> : vector<2000xf32>
    %reduce_sum3A_39 = vector.multi_reduction <add>, %exp3A, %reduce_sum3A [1] : vector<2000x64xf32> to vector<2000xf32>
    %broadcast_in_dim3A_40 = vector.shape_cast %reduce_sum3A_39 : vector<2000xf32> to vector<2000x1xf32>
    %log3A = math.log %broadcast_in_dim3A_40 : vector<2000x1xf32>
    %sub3A_41 = vector.broadcast %broadcast_in_dim3A : vector<2000x1xf32> to vector<2000x64xf32>
    %sub3A_42 = arith.subf %add3A_36, %sub3A_41 : vector<2000x64xf32>
    %sub3A_43 = vector.broadcast %log3A : vector<2000x1xf32> to vector<2000x64xf32>
    %sub3A_44 = arith.subf %sub3A_42, %sub3A_43 : vector<2000x64xf32>
    %swap3A = arith.constant 0 : index
    %swap3A_45 = arith.constant 0 : index
    %swap3A_46 = vector.load %arg7[%swap3A, %swap3A_45] : memref<2000x64xf32, #tpu.memory_space<vmem>>, vector<2000x64xf32>
    tpu.vector_store %arg7[%swap3A, %swap3A_45], %sub3A_44 {strides = array<i32>} : memref<2000x64xf32, #tpu.memory_space<vmem>>, vector<2000x64xf32>,
    return
  }
  func.func @transform_0(%arg0: i32) -> (i32, i32, i32, i32) {
    %c0_i32 = arith.constant 0 : i32
    %c0_i32_0 = arith.constant 0 : i32
    %c0_i32_1 = arith.constant 0 : i32
    %c0_i32_2 = arith.constant 0 : i32
    return %c0_i32, %c0_i32_0, %arg0, %c0_i32_1 : i32, i32, i32, i32
  }
  func.func @transform_1(%arg0: i32) -> (i32, i32, i32, i32) {
    %c1_i32 = arith.constant 1 : i32
    %c0_i32 = arith.constant 0 : i32
    %c0_i32_0 = arith.constant 0 : i32
    %c0_i32_1 = arith.constant 0 : i32
    return %c1_i32, %c0_i32, %arg0, %c0_i32_0 : i32, i32, i32, i32
  }
  func.func @transform_2(%arg0: i32) -> (i32, i32, i32) {
    %c0_i32 = arith.constant 0 : i32
    %c0_i32_0 = arith.constant 0 : i32
    %c0_i32_1 = arith.constant 0 : i32
    return %c0_i32, %arg0, %c0_i32_0 : i32, i32, i32
  }
  func.func @transform_3(%arg0: i32) -> (i32, i32, i32) {
    %c0_i32 = arith.constant 0 : i32
    %c0_i32_0 = arith.constant 0 : i32
    %c0_i32_1 = arith.constant 0 : i32
    return %c0_i32, %arg0, %c0_i32_0 : i32, i32, i32
  }
  func.func @transform_4(%arg0: i32) -> (i32, i32, i32) {
    %c1_i32 = arith.constant 1 : i32
    %c0_i32 = arith.constant 0 : i32
    %c0_i32_0 = arith.constant 0 : i32
    return %c1_i32, %arg0, %c0_i32 : i32, i32, i32
  }
  func.func @transform_5(%arg0: i32) -> (i32, i32) {
    %c0_i32 = arith.constant 0 : i32
    %c0_i32_0 = arith.constant 0 : i32
    %c0_i32_1 = arith.constant 0 : i32
    return %c0_i32, %c0_i32_0 : i32, i32
  }
  func.func @transform_6(%arg0: i32) -> (i32, i32) {
    %c0_i32 = arith.constant 0 : i32
    %c0_i32_0 = arith.constant 0 : i32
    return %arg0, %c0_i32 : i32, i32
  }
}

</mosaic_0001>

<sc_bundles>
// kernel: kernel.11.cloned.1.call-start
scs
__scs_entry_jumppad:
0x0: {  	(pc) =	sbr.rel $0x88, $3  }
0x1: {  	(tag) =	ssettag $0x0;
	lr =	simm.s32 $0x1  }
0x2: {  	[smem:$0x3F9B] =	sst lr;
	_ =	strace $0xD0000000  }
0x3: {  	_ = 	snop  }
0x4: {  	_ = 	snop  }
0x5: {  	_ = 	snop  }
0x6: {  	_ = 	snop  }
0x7: {  	_ = 	snop  }
__scs_overlays_trampoline_lowered:
0x8: {  	[smem:$0x3FAA] =	sst s0  }
0x9: {  	[smem:$0x3FAB] =	sst s1  }
0xa: {  	[smem:$0x3FAC] =	sst s2  }
0xb: {  	[smem:$0x3FAD] =	sst s3  }
0xc: {  	[smem:$0x3FAE] =	sst s4  }
0xd: {  	[smem:$0x3FAF] =	sst s5  }
0xe: {  	[smem:$0x3FB0] =	sst s6  }
0xf: {  	[smem:$0x3FB1] =	sst s7  }
0x10: {  	[smem:$0x3FB2] =	sst s8  }
0x11: {  	[smem:$0x3FB3] =	sst s9;
	s0 =	simm.s32 @!p0 $0x0  }
0x12: {  	s1 =	sld [smem:$0x3F99];
	s0 =	simm.s32 @p0 $0x1  }
0x13: {  	[smem:$0x3FB4] =	sst s0;
	s0 =	simm.s32 @!p1 $0x0  }
0x14: {  	s2 =	sld [smem:$0x3F98];
	s0 =	simm.s32 @p1 $0x1  }
0x15: {  	[smem:$0x3FB5] =	sst s0;
	s0 =	simm.s32 @!p2 $0x0  }
0x16: {  	s3 =	sld [smem:$0x3FDB];
	s0 =	simm.s32 @p2 $0x1  }
0x17: {  	s4 =	simm.s32 $0x1BF5;
	[smem:$0x3FB7] =	sst s0  }
0x18: {  	s0 =	sld [smem:$0x3F9A];
	_ =	swait.ge [sflag:s4], $0x0  }
0x19: {  	s7 =	sld [smem:$0x3F9B]  }
0x1a: {  	s8 =	sadd.s32 $0xFFFFE003, lr  }
0x1b: {  	s9 =	sadd.s32 $0xFFFFFEF7, lr;
	s5 =	simm.s32 $0xFFFFFFFF;
	p2 =	slt.u32 s8, $0xFFFFF086  }
0x1c: {  	p1 =	slt.u32 s9, $0xF7A;
	s5 =	simm.s32 @!p2 $0x0  }
0x1d: {  	s5 =	simm.s32 @p1 $0x1;
	p0 =	seq.s32 s7, s2  }
0x1e: {  	s7 =	smul.u32 @!p0 $0xF7A, s2;
	p2 =	seq.s32 @!p0 s5, $0x0  }
0x1f: {  	s9 =	smul.u32 $0xF7A, s1;
	s8 =	simm.s32 @!p0 $0x1BF5;
	p2 =	por !p2, p0  }
0x20: {  	[sflag:s8] =	ssyncset.s32 @!p0 $0xFFFFF086;
	s6 =	sadd.s32 @!p0 s3, s7;
	s7 =	simm.s32 @!p0 $0x108  }
0x21: {  	s3 =	sadd.s32 s3, s9;
	s6 =	sadd.s32 @!p0 $0x88, s6;
	s7 =	simm.s32 @p2 $0x1082  }
0x22: {  	[simem:s7], [sflag:s8] =	dma.local @!p0 [hbm:s6], $0xF7A  }
0x23: {  	s9 =	sor.u32 $0xD0000000, s2;
	s6 =	simm.s32 $0x108;
	_ =	swait.ge @!p0 [sflag:s8], $0x0  }
0x24: {  	s3 =	sadd.s32 $0x88, s3;
	s6 =	simm.s32 @!p1 $0x1082;
	[sflag:s4] =	ssyncset.s32 $0xFFFFF086  }
0x25: {  	[simem:s6], [sflag:s4] =	dma.local [hbm:s3], $0xF7A  }
0x26: {  	[smem:$0x3F9B] =	sst s1;
	(tag) =	ssettag s2;
	_ =	strace s9  }
0x27: {  	s1 =	sld [smem:$0x3FAB]  }
0x28: {  	s2 =	sld [smem:$0x3FAC]  }
0x29: {  	s4 =	sld [smem:$0x3FAE]  }
0x2a: {  	p0 =	seq.s32 s5, $0x0;
	s5 =	sld [smem:$0x3FAF]  }
0x2b: {  	s6 =	sld [smem:$0x3FB0]  }
0x2c: {  	s7 =	sld [smem:$0x3FB1]  }
0x2d: {  	s3 =	simm.s32 $0x108;
	s8 =	sld [smem:$0x3FB2]  }
0x2e: {  	s3 =	simm.s32 @!p0 $0x1082;
	s9 =	sld [smem:$0x3FB3]  }
0x2f: {  	lr =	sadd.s32 s0, s3;
	s0 =	sld [smem:$0x3FAA]  }
0x30: {  	s3 =	sld [smem:$0x3FAD]  }
0x31: {  	[smem:$0x3FB6] =	sst s10  }
0x32: {  	s10 =	sld [smem:$0x3FB4];
	_ =	sdelay $0x3  }
0x33: {  	p0 =	seq.s32 s10, $0x1;
	s10 =	sld [smem:$0x3FB6];
	_ =	sdelay $0x3  }
0x34: {  	[smem:$0x3FB6] =	sst s10  }
0x35: {  	s10 =	sld [smem:$0x3FB5];
	_ =	sdelay $0x3  }
0x36: {  	p1 =	seq.s32 s10, $0x1;
	s10 =	sld [smem:$0x3FB6];
	_ =	sdelay $0x3  }
0x37: {  	[smem:$0x3FB6] =	sst s10  }
0x38: {  	s10 =	sld [smem:$0x3FB7]  }
0x39: {  	_ = 	snop;
	(pc) =	sbr.ind lr, $3  }
0x3a: {  	_ = 	snop  }
0x3b: {  	_ = 	snop  }
0x3c: {  	p2 =	seq.s32 s10, $0x1;
	s10 =	sld [smem:$0x3FB6]  }
0x3d: {  	_ =	shalt  }
0x3e: {  	_ =	shalt  }
0x3f: {  	_ =	shalt  }
0x40: {  	_ =	shalt  }
0x41: {  	_ =	shalt  }
0x42: {  	_ =	shalt  }
0x43: {  	_ =	shalt  }
0x44: {  	_ =	shalt  }
0x45: {  	_ =	shalt  }
0x46: {  	_ =	shalt  }
0x47: {  	_ =	shalt  }
0x48: {  	_ =	shalt  }
0x49: {  	_ =	shalt  }
0x4a: {  	_ =	shalt  }
0x4b: {  	_ =	shalt  }
0x4c: {  	_ =	shalt  }
0x4d: {  	_ =	shalt  }
0x4e: {  	_ =	shalt  }
0x4f: {  	_ =	shalt  }
0x50: {  	_ =	shalt  }
0x51: {  	_ =	shalt  }
0x52: {  	_ =	shalt  }
0x53: {  	_ =	shalt  }
0x54: {  	_ =	shalt  }
0x55: {  	_ =	shalt  }
0x56: {  	_ =	shalt  }
0x57: {  	_ =	shalt  }
0x58: {  	_ =	shalt  }
0x59: {  	_ =	shalt  }
0x5a: {  	_ =	shalt  }
0x5b: {  	_ =	shalt  }
0x5c: {  	_ =	shalt  }
0x5d: {  	_ =	shalt  }
0x5e: {  	_ =	shalt  }
0x5f: {  	_ =	shalt  }
0x60: {  	_ =	shalt  }
0x61: {  	_ =	shalt  }
0x62: {  	_ =	shalt  }
0x63: {  	_ =	shalt  }
0x64: {  	_ =	shalt  }
0x65: {  	_ =	shalt  }
0x66: {  	_ =	shalt  }
0x67: {  	_ =	shalt  }
0x68: {  	_ =	shalt  }
0x69: {  	_ =	shalt  }
0x6a: {  	_ =	shalt  }
0x6b: {  	_ =	shalt  }
0x6c: {  	_ =	shalt  }
0x6d: {  	_ =	shalt  }
0x6e: {  	_ =	shalt  }
0x6f: {  	_ =	shalt  }
0x70: {  	_ =	shalt  }
0x71: {  	_ =	shalt  }
0x72: {  	_ =	shalt  }
0x73: {  	_ =	shalt  }
0x74: {  	_ =	shalt  }
0x75: {  	_ =	shalt  }
0x76: {  	_ =	shalt  }
0x77: {  	_ =	shalt  }
0x78: {  	_ =	shalt  }
0x79: {  	_ =	shalt  }
0x7a: {  	_ =	shalt  }
0x7b: {  	_ =	shalt  }
0x7c: {  	_ =	shalt  }
0x7d: {  	_ =	shalt  }
0x7e: {  	_ =	shalt  }
0x7f: {  	_ =	shalt  }
0x80: {  	_ =	shalt  }
0x81: {  	_ =	shalt  }
0x82: {  	_ =	shalt  }
0x83: {  	_ =	shalt  }
0x84: {  	_ =	shalt  }
0x85: {  	_ =	shalt  }
0x86: {  	_ =	shalt  }
0x87: {  	_ =	shalt  }
.Lfunc_end0:
.L_simem_size_0:
called_computation.1_lowered:
.L_overlay_start_0:
0x88: {  	s2 =	sld [smem:$0x3FD9]  }
0x89: {  	s3 =	sld [smem:$0x3FFE];
	_ =	sdelay $0x1  }
0x8a: {  	s1 =	srdreg.scid  }
0x8b: {  	s0 =	sand.u32 $0x1, s1  }
0x8c: {  	s16 =	sshll.u32 s0, $0xA;
	s2 =	sadd.s32 s3, s2  }
0x8d: {  	s2 =	sadd.s32 s2, s16  }
0x8e: {  	[smem:$0x3FC2] =	sst s2  }
0x8f: {  	_ = 	snop  }
0x90: {  	(tm) =	ssettm $0x1  }
0x91: {  	s17 =	sld [smem:$0x3FFB];
	_ =	sdelay $0x3  }
0x92: {  	_ =	strace s17  }
0x93: {  	s2 =	sld [smem:$0x3FFC];
	_ =	sdelay $0x3  }
0x94: {  	_ =	strace s2  }
0x95: {  	s2 =	sld [smem:$0x3FFD];
	_ =	sdelay $0x3  }
0x96: {  	_ =	strace s2  }
0x97: {  	_ =	strace $0x8FFFFFFF  }
0x98: {  	s18 =	sld [smem:$0x3FDB];
	_ =	sdelay $0x1  }
0x99: {  	s19 =	simm.s32 $_scs_section_size  }
0x9a: {  	s4 =	simm.s32 $_size__tile_overlayer_lowered;
	s5 =	simm.s32 $_tile_overlayer_lowered  }
0x9b: {  	s22 =	simm.s32 $0x1BFF;
	s21 =	sshll.u32 s5, $0x1;
	s2 =	sadd.s32 s19, s18  }
0x9c: {  	s6 =	simm.s32 $0x0;
	s20 =	sshll.u32 s4, $0x1;
	s4 =	sadd.s32 s21, s2  }
0x9d: {  	[timem:s6], [sflag:s22] =	dma.local [hbm:s4], s20  }
0x9e: {  	_ =	swait.ge [sflag:s22], s20  }
0x9f: {  	s3 =	ssub.s32 $0x0, s20;
	[sflag:s22] =	ssyncset.done $0x0  }
0xa0: {  	[sflag:s22] =	ssyncadd.s32 s3;
	_ =	sdelay $0x1  }
0xa1: {  	s23 =	simm.s32 $0x1B8B  }
0xa2: {  	_ =	swait.ge [sflag:s23], $0x1  }
0xa3: {  	[sflag:s23] =	ssyncset.done $0x0  }
0xa4: {  	s25 =	simm.s32 $0x1B8E;
	s24 =	sld [smem:$0x3FFE];
	[sflag:s23] =	ssyncadd.s32 $0xFFFFFFFF  }
0xa5: {  	s26 =	simm.s32 $execute0_lowered;
	[smem:$0x3FD2] =	sst s25  }
0xa6: {  	s4 =	sshll.u32 s26, $0x1;
	_ =	strace $0x80000049;
	[dreg:$0x1] =	wrdreg $0xFFFFFFFF  }
0xa7: {  	s28 =	simm.s32 $_size_execute0_lowered;
	s2 =	sadd.s32 s2, s4;
	[dreg:$0x0] =	wrdreg $0x0  }
0xa8: {  	s4 =	sshll.u32 s28, $0x1;
	[dreg:$0x2] =	wrdreg s2  }
0xa9: {  	[dreg:$0x3] =	wrdreg s4  }
0xaa: {  	[dreg:$0x4] =	wrdreg $0xC0  }
0xab: {  	_ =	task [dreg:s6], $0x5FFFF  }
0xac: {  	[dreg:$0x1] =	wrdreg $0xFFFFFFFF  }
0xad: {  	[dreg:$0x0] =	wrdreg $0x60  }
0xae: {  	[dreg:$0x2] =	wrdreg s24  }
0xaf: {  	[dreg:$0x3] =	wrdreg $0xE0000  }
0xb0: {  	[dreg:$0x4] =	wrdreg $0x9  }
0xb1: {  	_ =	task.clear_ibuf [dreg:s6], $0x5FFFF;
	_ =	strace $0x90000049  }
0xb2: {  	s29 =	simm.s32 $0x9;
	_ =	strace $0x8000004B  }
0xb3: {  	_ =	swait.ge [sflag:s29], $0x1  }
0xb4: {  	[sflag:s29] =	ssyncadd.s32 $0xFFFFFFFF  }
0xb5: {  	_ =	strace $0x9000004B  }
0xb6: {  	_ =	sfence  }
0xb7: {  	s30 =	sld [smem:$0x0];
	_ =	sdelay $0x2  }
0xb8: {  	s31 =	sshll.u32 s1, $0xD;
	s1 =	sshrl.u32 s1, $0x2  }
0xb9: {  	s3 =	sand.u32 $0x4000, s31;
	s1 =	sadd.s32 s1, s30  }
0xba: {  	s0 =	sor.u32 s3, s0;
	s1 =	sshll.u32 s1, $0x11  }
0xbb: {  	s0 =	sor.u32 s1, s0  }
0xbc: {  	s0 =	sadd.s32 $0x8F2B, s0  }
0xbd: {  	[sflag:s0] =	ssyncadd.remote.s32 $0x1  }
0xbe: {  	_ =	sfence.sel $0xFFFF  }
0xbf: {  	[dreg:$0x0] =	wrdreg $0xFFFFFFFF;
	(pc) =	sbr.abs _section_cstart, $3  }
0xc0: {  	[dreg:$0x1] =	wrdreg $0xFFFFFFFF  }
0xc1: {  	_ =	task.clear_ibuf [dreg:s6], $0x2FFFF;
	_ =	strace $0x9FFFFFFF  }
0xc2: {  	(tm) =	ssettm $0x7FFFFFFF  }
0xc3: {  	_ =	shalt  }
tec
execute0_lowered:
.L_overlay_start_1:
0x0: {  	(tag) =	ssettag $0x1  }
0x1: {  	s0 =	srdreg.scid;
	s4 =	rddreg [dreg:$0x0]  }
0x2: {  	s2 =	rddreg [dreg:$0x1];
	s3 =	simm.s32 $0x0;
	s1 =	stileid.u32  }
0x3: {  	s17 =	simm.s32 $0xA000;
	s18 =	simm.s32 $0x80;
	s19 =	simm.s32 $0xC000  }
0x4: {  	s20 =	simm.s32 $0x1;
	s21 =	simm.s32 $0x2;
	s22 =	simm.s32 $0x5080  }
0x5: {  	s23 =	simm.s32 $0x3;
	s24 =	simm.s32 $0x4;
	s26 =	simm.s32 $0x0  }
0x6: {  	s5 =	sand.u32 $0x1, s0;
	s0 =	rddreg [dreg:$0x2];
	s6 =	smul.u32 $0xA00, s1  }
0x7: {  	[smem:$0x7FF] =	sst s3;
	s7 =	smul.u32 $0x27800, s1;
	s13 =	sadd.s32 $0xDE000, s4  }
0x8: {  	s14 =	smul.u32 $0x9E00, s1;
	s25 =	sadd.s32 $0x94200, s2;
	p0 =	seq.s32 s1, $0xF  }
0x9: {  	s10 =	smul.u32 $0x9C400, s5;
	_ =	strace $0x8000004A;
	s30 =	ssub.s32 $0x2, s5  }
0xa: {  	s25 =	sshrl.u32 @p0 s25, $0x3;
	s6 =	sadd.s32 s6, s4;
	s5 =	sshrl.u32 s30, $0x1  }
0xb: {  	s7 =	sshrl.u32 s7, $0x2;
	s11 =	sshrl.u32 s10, $0x3;
	s15 =	ssub.s32 s30, s5  }
0xc: {  	s16 =	sadd.s32 s7, s2;
	s5 =	sadd.s32 $0x10A00, s6;
	s12 =	sadd.s32 s11, s4  }
0xd: {  	s4 =	sadd.s32 $0x6A00, s6;
	s6 =	sadd.s32 s14, s2;
	s7 =	sadd.s32 $0x2000, s16  }
0xe: {  	s8 =	sadd.s32 $0x4000, s16;
	s9 =	sadd.s32 $0x6000, s16;
	s14 =	sadd.s32 s14, s10  }
0xf: {  	s10 =	sadd.s32 $0x8000, s16;
	s31 =	sadd.s32 s13, s11;
	s14 =	sshrl.u32 s14, $0x3  }
0x10: {  	s16 =	simm.s32 $0x5000;
	s11 =	sadd.s32 $0xB6E00, s12;
	s12 =	sadd.s32 s13, s14  }
0x11: {  	v0 =	vimm.f32 $0.0e+00;
	s13 =	sadd.s32 $0x12840, s31;
	s14 =	smax.u32 s15, $0x1;
	s15 =	simm.s32 $0x5  }
.LBB2_1:
0x12: {  	[tilespmem:s3], [sflag:$0x5] =	stream.linear.gather [hbm4b:s4+s3], $0x5000, $0x38;
	[tilespmem:$0x17E00] =	vst v63  }
0x13: {  	_ =	swait.ge [sflag:s15], $0x5000  }
0x14: {  	[sflag:s15] =	ssyncset.done $0x0  }
0x15: {  	[sflag:s15] =	ssyncadd.s32 $0xFFFFB000  }
0x16: {  	[tilespmem:s16], [sflag:$0x5] =	stream.linear.gather [hbm4b:s5+s3], $0x5000, $0x38;
	[tilespmem:$0x17E00] =	vst v63  }
0x17: {  	_ =	swait.ge [sflag:s15], $0x5000  }
0x18: {  	[sflag:s15] =	ssyncset.done $0x0  }
0x19: {  	s29 =	simm.s32 $0x100;
	s28 =	simm.s32 $0x0;
	[sflag:s15] =	ssyncadd.s32 $0xFFFFB000  }
.LBB2_2:
0x1a: {  	p1 =	sne.s32 s29, $0x7F00;
	[tilespmem:s28+$0xA030] =	vst v0;
	s30 =	smov.u32 s29;
	s29 =	sadd.s32 $0x100, s29  }
.Ltmp0:
0x1b: {  	[tilespmem:s28+$0xA020] =	vst v0;
	(pc) =	sbr.rel @p1 .LBB2_2-.Ltmp0, $3  }
0x1c: {  	[tilespmem:s28+$0xA000] =	vst v0  }
0x1d: {  	[tilespmem:s28+$0xA010] =	vst v0;
	_ =	sdelay $0x1  }
0x1e: {  	s28 =	sshra.s32 s30, $0x2  }
0x1f: {  	[tilespmem:s28+$0xA030] =	vst v0  }
0x20: {  	[tilespmem:s28+$0xA020] =	vst v0  }
0x21: {  	[tilespmem:s28+$0xA000] =	vst v0  }
0x22: {  	[tilespmem:s28+$0xA010] =	vst v0  }
0x23: {  	[spmem:s6] =	stream.linear.scatter [tilespmem:s17], [sflag:$0x5], $0x2000, $0x38;
	[tilespmem:$0x17E00] =	vst v63  }
0x24: {  	_ =	swait.ge [sflag:s15], $0x2000  }
0x25: {  	[sflag:s15] =	ssyncset.done $0x0  }
0x26: {  	[sflag:s15] =	ssyncadd.s32 $0xFFFFE000  }
0x27: {  	[spmem:s7] =	stream.linear.scatter [tilespmem:s17], [sflag:$0x5], $0x2000, $0x38;
	[tilespmem:$0x17E00] =	vst v63  }
0x28: {  	_ =	swait.ge [sflag:s15], $0x2000  }
0x29: {  	[sflag:s15] =	ssyncset.done $0x0  }
0x2a: {  	[sflag:s15] =	ssyncadd.s32 $0xFFFFE000  }
0x2b: {  	[spmem:s8] =	stream.linear.scatter [tilespmem:s17], [sflag:$0x5], $0x2000, $0x38;
	[tilespmem:$0x17E00] =	vst v63  }
0x2c: {  	_ =	swait.ge [sflag:s15], $0x2000  }
0x2d: {  	[sflag:s15] =	ssyncset.done $0x0  }
0x2e: {  	[sflag:s15] =	ssyncadd.s32 $0xFFFFE000  }
0x2f: {  	[spmem:s9] =	stream.linear.scatter [tilespmem:s17], [sflag:$0x5], $0x2000, $0x38;
	[tilespmem:$0x17E00] =	vst v63  }
0x30: {  	_ =	swait.ge [sflag:s15], $0x2000  }
0x31: {  	[sflag:s15] =	ssyncset.done $0x0  }
0x32: {  	[sflag:s15] =	ssyncadd.s32 $0xFFFFE000  }
0x33: {  	[spmem:s10] =	stream.linear.scatter [tilespmem:s17], [sflag:$0x5], $0x1E00, $0x38;
	[tilespmem:$0x17E00] =	vst v63  }
0x34: {  	_ =	swait.ge [sflag:s15], $0x1E00  }
0x35: {  	[sflag:s15] =	ssyncset.done $0x0  }
0x36: {  	[sflag:s15] =	ssyncadd.s32 $0xFFFFE200  }
0x37: {  	[bflag:$0x0] =	sbarrier.arrive $0xFFFF  }
0x38: {  	[tilespmem:s17], [sflag:$0x1] =	stream.indirect.gather [hbm4b:s11+s18], $0x40, s3, s18, $0xb8;
	[tilespmem:$0x17E00] =	vst v63  }
0x39: {  	_ = 	snop  }
0x3a: {  	[tilespmem:s19], [sflag:$0x2] =	stream.indirect.gather [hbm4b:s11+s18], $0x40, s18, s18, $0xb8;
	[tilespmem:$0x17E00] =	vst v63  }
0x3b: {  	_ =	swait.ge [sflag:s20], $0x2000  }
0x3c: {  	[sflag:s20] =	ssyncset.done $0x0  }
0x3d: {  	[sflag:s20] =	ssyncadd.s32 $0xFFFFE000  }
0x3e: {  	[spmem:s2] =	stream.indirect.scatter.add.f32 [tilespmem:s17], [sflag:$0x3], $0x40, s16, s18, $0xb8;
	[tilespmem:$0x17E00] =	vst v63  }
0x3f: {  	_ =	swait.ge [sflag:s21], $0x2000  }
0x40: {  	[sflag:s21] =	ssyncset.done $0x0  }
0x41: {  	[sflag:s21] =	ssyncadd.s32 $0xFFFFE000  }
0x42: {  	[spmem:s2] =	stream.indirect.scatter.add.f32 [tilespmem:s19], [sflag:$0x4], $0x40, s22, s18, $0xb8;
	[tilespmem:$0x17E00] =	vst v63  }
0x43: {  	_ =	swait.ge [sflag:s23], $0x2000  }
0x44: {  	[sflag:s23] =	ssyncset.done $0x0  }
0x45: {  	s28 =	simm.s32 $0x100;
	[sflag:s23] =	ssyncadd.s32 $0xFFFFE000  }
0x46: {  	[tilespmem:s17], [sflag:$0x1] =	stream.indirect.gather [hbm4b:s11+s18], $0x40, s28, s18, $0xb8;
	[tilespmem:$0x17E00] =	vst v63  }
0x47: {  	_ =	swait.ge [sflag:s24], $0x2000  }
0x48: {  	[sflag:s24] =	ssyncset.done $0x0  }
0x49: {  	s28 =	simm.s32 $0x180;
	[sflag:s24] =	ssyncadd.s32 $0xFFFFE000  }
0x4a: {  	[tilespmem:s19], [sflag:$0x2] =	stream.indirect.gather [hbm4b:s11+s18], $0x40, s28, s18, $0xb8;
	[tilespmem:$0x17E00] =	vst v63  }
0x4b: {  	_ =	swait.ge [sflag:s20], $0x2000  }
0x4c: {  	[sflag:s20] =	ssyncset.done $0x0  }
0x4d: {  	s28 =	simm.s32 $0x5100;
	[sflag:s20] =	ssyncadd.s32 $0xFFFFE000  }
0x4e: {  	[spmem:s2] =	stream.indirect.scatter.add.f32 [tilespmem:s17], [sflag:$0x3], $0x40, s28, s18, $0xb8;
	[tilespmem:$0x17E00] =	vst v63  }
0x4f: {  	_ =	swait.ge [sflag:s21], $0x2000  }
0x50: {  	[sflag:s21] =	ssyncset.done $0x0  }
0x51: {  	s29 =	simm.s32 $0x5180;
	s28 =	simm.s32 $0xFFFEC800;
	[sflag:s21] =	ssyncadd.s32 $0xFFFFE000  }
.LBB2_4:
0x52: {  	[spmem:s2] =	stream.indirect.scatter.add.f32 [tilespmem:s19], [sflag:$0x4], $0x40, s29, s18, $0xb8;
	[tilespmem:$0x17E00] =	vst v63  }
0x53: {  	s29 =	smov.u32 s28  }
0x54: {  	p1 =	sne.s32 s28, $0xFFFFFC00;
	s28 =	sadd.s32 $0x400, s28;
	_ =	swait.ge [sflag:s23], $0x2000  }
0x55: {  	s29 =	sshra.s32 s29, $0x2;
	[sflag:s23] =	ssyncset.done $0x0  }
0x56: {  	s30 =	sadd.s32 $0x5000, s29;
	[sflag:s23] =	ssyncadd.s32 $0xFFFFE000  }
0x57: {  	[tilespmem:s17], [sflag:$0x1] =	stream.indirect.gather [hbm4b:s11+s18], $0x40, s30, s18, $0xb8;
	[tilespmem:$0x17E00] =	vst v63  }
0x58: {  	_ =	swait.ge [sflag:s24], $0x2000  }
0x59: {  	[sflag:s24] =	ssyncset.done $0x0  }
0x5a: {  	s30 =	sadd.s32 $0x5080, s29;
	[sflag:s24] =	ssyncadd.s32 $0xFFFFE000  }
0x5b: {  	[tilespmem:s19], [sflag:$0x2] =	stream.indirect.gather [hbm4b:s11+s18], $0x40, s30, s18, $0xb8;
	[tilespmem:$0x17E00] =	vst v63  }
0x5c: {  	_ =	swait.ge [sflag:s20], $0x2000  }
0x5d: {  	[sflag:s20] =	ssyncset.done $0x0  }
.Ltmp1:
0x5e: {  	s30 =	sadd.s32 $0xA000, s29;
	[sflag:s20] =	ssyncadd.s32 $0xFFFFE000;
	(pc) =	sbr.rel @p1 .LBB2_4-.Ltmp1, $4  }
0x5f: {  	[spmem:s2] =	stream.indirect.scatter.add.f32 [tilespmem:s17], [sflag:$0x3], $0x40, s30, s18, $0xb8;
	[tilespmem:$0x17E00] =	vst v63  }
0x60: {  	_ =	swait.ge [sflag:s21], $0x2000  }
0x61: {  	[sflag:s21] =	ssyncset.done $0x0  }
0x62: {  	s29 =	sadd.s32 $0xA080, s29;
	[sflag:s21] =	ssyncadd.s32 $0xFFFFE000  }
0x63: {  	[spmem:s2] =	stream.indirect.scatter.add.f32 [tilespmem:s19], [sflag:$0x4], $0x40, s29, s18, $0xb8;
	[tilespmem:$0x17E00] =	vst v63  }
0x64: {  	_ =	swait.ge [sflag:s23], $0x2000  }
0x65: {  	[sflag:s23] =	ssyncset.done $0x0  }
0x66: {  	[sflag:s23] =	ssyncadd.s32 $0xFFFFE000  }
0x67: {  	_ =	swait.ge [sflag:s24], $0x2000  }
0x68: {  	[sflag:s24] =	ssyncset.done $0x0  }
0x69: {  	[sflag:s24] =	ssyncadd.s32 $0xFFFFE000  }
0x6a: {  	s28 =	simm.s32 @p0 $0x1FC5;
	[bflag:$0x0] =	sbarrier.arrive $0xFFFF  }
0x6b: {  	[hbm:s13], [sflag:s28] =	dma.local @p0 [spmem:s25], $0x1040  }
0x6c: {  	s28 =	simm.s32 @p0 $0x5  }
0x6d: {  	s26 =	sadd.s32 $0x1, s26;
	_ =	swait.ge @p0 [sflag:s28], $0x1040  }
0x6e: {  	s29 =	sshll.u32 @!p0 s1, $0x6;
	p1 =	sne.s32 s26, s14;
	[sflag:s28] =	ssyncset.done @p0 $0x0  }
0x6f: {  	[sflag:s28] =	ssyncadd.s32 @p0 $0xFFFFEFC0;
	s28 =	sor.u32 @!p0 $0x1C05, s29;
	s29 =	sshrl.u32 @!p0 s6, $0x3  }
0x70: {  	[hbm:s12], [sflag:s28] =	dma.local @!p0 [spmem:s29], $0x13C0  }
.Ltmp2:
0x71: {  	_ = 	snop;
	(pc) =	sbr.rel @p1 .LBB2_1-.Ltmp2, $4  }
0x72: {  	s28 =	simm.s32 @!p0 $0x5  }
0x73: {  	_ =	swait.ge @!p0 [sflag:s28], $0x13C0  }
0x74: {  	[sflag:s28] =	ssyncset.done @!p0 $0x0  }
0x75: {  	[sflag:s28] =	ssyncadd.s32 @!p0 $0xFFFFEC40  }
0x76: {  	_ =	sfence.sel $0x180000  }
0x77: {  	[bflag:$0x0] =	sbarrier.arrive $0xFFFF  }
0x78: {  	p0 =	sne.s32 s1, $0x0;
	_ =	strace $0x9000004A  }
0x79: {  	s0 =	sadd.s32 @!p0 $0x100000, s0;
	[bflag:$0x2] =	sbarrier.arrive $0xFFFF  }
0x7a: {  	[sflag:s0] =	ssyncadd.tile.s32 @!p0 $0x1;
	_ =	shalt  }
.Lfunc_end2:
_tile_overlayer_lowered:
.L_overlay_start_2:
0x7b: {  	(tag) =	ssettag $0x2  }
0x7c: {  	s0 =	rddreg [dreg:$0x0];
	s2 =	stileid.u32  }
0x7d: {  	s1 =	rddreg [dreg:$0x1];
	p0 =	sne.s32 s2, $0x0  }
0x7e: {  	s3 =	rddreg [dreg:$0x2];
	[bflag:$0x3] =	sbarrier.arrive $0xFFFF;
	s2 =	simm.s32 @!p0 $0x1C05  }
0x7f: {  	[timem:s3], [sflag:s2] =	dma.local @!p0 [hbm:s0], s1  }
0x80: {  	s0 =	simm.s32 @!p0 $0x5  }
0x81: {  	_ =	swait.ge @!p0 [sflag:s0], s1  }
0x82: {  	s1 =	ssub.s32 @!p0 $0x0, s1;
	[sflag:s0] =	ssyncset.done @!p0 $0x0  }
0x83: {  	[sflag:s0] =	ssyncadd.s32 @!p0 s1  }
0x84: {  	[bflag:$0x3] =	sbarrier.arrive $0xFFFF  }
0x85: {  	_ =	shalt  }

// kernel: kernel.14.cloned.1.call-start
scs
__scs_entry_jumppad:
0x0: {  	(pc) =	sbr.rel $0x88, $3  }
0x1: {  	(tag) =	ssettag $0x0;
	lr =	simm.s32 $0x1  }
0x2: {  	[smem:$0x3F9B] =	sst lr;
	_ =	strace $0xD0000000  }
0x3: {  	_ = 	snop  }
0x4: {  	_ = 	snop  }
0x5: {  	_ = 	snop  }
0x6: {  	_ = 	snop  }
0x7: {  	_ = 	snop  }
__scs_overlays_trampoline_lowered:
0x8: {  	[smem:$0x3FAA] =	sst s0  }
0x9: {  	[smem:$0x3FAB] =	sst s1  }
0xa: {  	[smem:$0x3FAC] =	sst s2  }
0xb: {  	[smem:$0x3FAD] =	sst s3  }
0xc: {  	[smem:$0x3FAE] =	sst s4  }
0xd: {  	[smem:$0x3FAF] =	sst s5  }
0xe: {  	[smem:$0x3FB0] =	sst s6  }
0xf: {  	[smem:$0x3FB1] =	sst s7  }
0x10: {  	[smem:$0x3FB2] =	sst s8  }
0x11: {  	[smem:$0x3FB3] =	sst s9;
	s0 =	simm.s32 @!p0 $0x0  }
0x12: {  	s1 =	sld [smem:$0x3F99];
	s0 =	simm.s32 @p0 $0x1  }
0x13: {  	[smem:$0x3FB4] =	sst s0;
	s0 =	simm.s32 @!p1 $0x0  }
0x14: {  	s2 =	sld [smem:$0x3F98];
	s0 =	simm.s32 @p1 $0x1  }
0x15: {  	[smem:$0x3FB5] =	sst s0;
	s0 =	simm.s32 @!p2 $0x0  }
0x16: {  	s3 =	sld [smem:$0x3FDB];
	s0 =	simm.s32 @p2 $0x1  }
0x17: {  	s4 =	simm.s32 $0x1BF5;
	[smem:$0x3FB7] =	sst s0  }
0x18: {  	s0 =	sld [smem:$0x3F9A];
	_ =	swait.ge [sflag:s4], $0x0  }
0x19: {  	s7 =	sld [smem:$0x3F9B]  }
0x1a: {  	s8 =	sadd.s32 $0xFFFFE003, lr  }
0x1b: {  	s9 =	sadd.s32 $0xFFFFFEF7, lr;
	s5 =	simm.s32 $0xFFFFFFFF;
	p2 =	slt.u32 s8, $0xFFFFF086  }
0x1c: {  	p1 =	slt.u32 s9, $0xF7A;
	s5 =	simm.s32 @!p2 $0x0  }
0x1d: {  	s5 =	simm.s32 @p1 $0x1;
	p0 =	seq.s32 s7, s2  }
0x1e: {  	s7 =	smul.u32 @!p0 $0xF7A, s2;
	p2 =	seq.s32 @!p0 s5, $0x0  }
0x1f: {  	s9 =	smul.u32 $0xF7A, s1;
	s8 =	simm.s32 @!p0 $0x1BF5;
	p2 =	por !p2, p0  }
0x20: {  	[sflag:s8] =	ssyncset.s32 @!p0 $0xFFFFF086;
	s6 =	sadd.s32 @!p0 s3, s7;
	s7 =	simm.s32 @!p0 $0x108  }
0x21: {  	s3 =	sadd.s32 s3, s9;
	s6 =	sadd.s32 @!p0 $0x88, s6;
	s7 =	simm.s32 @p2 $0x1082  }
0x22: {  	[simem:s7], [sflag:s8] =	dma.local @!p0 [hbm:s6], $0xF7A  }
0x23: {  	s9 =	sor.u32 $0xD0000000, s2;
	s6 =	simm.s32 $0x108;
	_ =	swait.ge @!p0 [sflag:s8], $0x0  }
0x24: {  	s3 =	sadd.s32 $0x88, s3;
	s6 =	simm.s32 @!p1 $0x1082;
	[sflag:s4] =	ssyncset.s32 $0xFFFFF086  }
0x25: {  	[simem:s6], [sflag:s4] =	dma.local [hbm:s3], $0xF7A  }
0x26: {  	[smem:$0x3F9B] =	sst s1;
	(tag) =	ssettag s2;
	_ =	strace s9  }
0x27: {  	s1 =	sld [smem:$0x3FAB]  }
0x28: {  	s2 =	sld [smem:$0x3FAC]  }
0x29: {  	s4 =	sld [smem:$0x3FAE]  }
0x2a: {  	p0 =	seq.s32 s5, $0x0;
	s5 =	sld [smem:$0x3FAF]  }
0x2b: {  	s6 =	sld [smem:$0x3FB0]  }
0x2c: {  	s7 =	sld [smem:$0x3FB1]  }
0x2d: {  	s3 =	simm.s32 $0x108;
	s8 =	sld [smem:$0x3FB2]  }
0x2e: {  	s3 =	simm.s32 @!p0 $0x1082;
	s9 =	sld [smem:$0x3FB3]  }
0x2f: {  	lr =	sadd.s32 s0, s3;
	s0 =	sld [smem:$0x3FAA]  }
0x30: {  	s3 =	sld [smem:$0x3FAD]  }
0x31: {  	[smem:$0x3FB6] =	sst s10  }
0x32: {  	s10 =	sld [smem:$0x3FB4];
	_ =	sdelay $0x3  }
0x33: {  	p0 =	seq.s32 s10, $0x1;
	s10 =	sld [smem:$0x3FB6];
	_ =	sdelay $0x3  }
0x34: {  	[smem:$0x3FB6] =	sst s10  }
0x35: {  	s10 =	sld [smem:$0x3FB5];
	_ =	sdelay $0x3  }
0x36: {  	p1 =	seq.s32 s10, $0x1;
	s10 =	sld [smem:$0x3FB6];
	_ =	sdelay $0x3  }
0x37: {  	[smem:$0x3FB6] =	sst s10  }
0x38: {  	s10 =	sld [smem:$0x3FB7]  }
0x39: {  	_ = 	snop;
	(pc) =	sbr.ind lr, $3  }
0x3a: {  	_ = 	snop  }
0x3b: {  	_ = 	snop  }
0x3c: {  	p2 =	seq.s32 s10, $0x1;
	s10 =	sld [smem:$0x3FB6]  }
0x3d: {  	_ =	shalt  }
0x3e: {  	_ =	shalt  }
0x3f: {  	_ =	shalt  }
0x40: {  	_ =	shalt  }
0x41: {  	_ =	shalt  }
0x42: {  	_ =	shalt  }
0x43: {  	_ =	shalt  }
0x44: {  	_ =	shalt  }
0x45: {  	_ =	shalt  }
0x46: {  	_ =	shalt  }
0x47: {  	_ =	shalt  }
0x48: {  	_ =	shalt  }
0x49: {  	_ =	shalt  }
0x4a: {  	_ =	shalt  }
0x4b: {  	_ =	shalt  }
0x4c: {  	_ =	shalt  }
0x4d: {  	_ =	shalt  }
0x4e: {  	_ =	shalt  }
0x4f: {  	_ =	shalt  }
0x50: {  	_ =	shalt  }
0x51: {  	_ =	shalt  }
0x52: {  	_ =	shalt  }
0x53: {  	_ =	shalt  }
0x54: {  	_ =	shalt  }
0x55: {  	_ =	shalt  }
0x56: {  	_ =	shalt  }
0x57: {  	_ =	shalt  }
0x58: {  	_ =	shalt  }
0x59: {  	_ =	shalt  }
0x5a: {  	_ =	shalt  }
0x5b: {  	_ =	shalt  }
0x5c: {  	_ =	shalt  }
0x5d: {  	_ =	shalt  }
0x5e: {  	_ =	shalt  }
0x5f: {  	_ =	shalt  }
0x60: {  	_ =	shalt  }
0x61: {  	_ =	shalt  }
0x62: {  	_ =	shalt  }
0x63: {  	_ =	shalt  }
0x64: {  	_ =	shalt  }
0x65: {  	_ =	shalt  }
0x66: {  	_ =	shalt  }
0x67: {  	_ =	shalt  }
0x68: {  	_ =	shalt  }
0x69: {  	_ =	shalt  }
0x6a: {  	_ =	shalt  }
0x6b: {  	_ =	shalt  }
0x6c: {  	_ =	shalt  }
0x6d: {  	_ =	shalt  }
0x6e: {  	_ =	shalt  }
0x6f: {  	_ =	shalt  }
0x70: {  	_ =	shalt  }
0x71: {  	_ =	shalt  }
0x72: {  	_ =	shalt  }
0x73: {  	_ =	shalt  }
0x74: {  	_ =	shalt  }
0x75: {  	_ =	shalt  }
0x76: {  	_ =	shalt  }
0x77: {  	_ =	shalt  }
0x78: {  	_ =	shalt  }
0x79: {  	_ =	shalt  }
0x7a: {  	_ =	shalt  }
0x7b: {  	_ =	shalt  }
0x7c: {  	_ =	shalt  }
0x7d: {  	_ =	shalt  }
0x7e: {  	_ =	shalt  }
0x7f: {  	_ =	shalt  }
0x80: {  	_ =	shalt  }
0x81: {  	_ =	shalt  }
0x82: {  	_ =	shalt  }
0x83: {  	_ =	shalt  }
0x84: {  	_ =	shalt  }
0x85: {  	_ =	shalt  }
0x86: {  	_ =	shalt  }
0x87: {  	_ =	shalt  }
.Lfunc_end0:
.L_simem_size_0:
called_computation.2_lowered:
.L_overlay_start_0:
0x88: {  	s2 =	sld [smem:$0x3FD9]  }
0x89: {  	s3 =	sld [smem:$0x3FFE];
	_ =	sdelay $0x1  }
0x8a: {  	s1 =	srdreg.scid  }
0x8b: {  	s0 =	sand.u32 $0x1, s1  }
0x8c: {  	s17 =	sshll.u32 s0, $0xA;
	s2 =	sadd.s32 s3, s2  }
0x8d: {  	s2 =	sadd.s32 s2, s17  }
0x8e: {  	[smem:$0x3FC2] =	sst s2  }
0x8f: {  	_ = 	snop  }
0x90: {  	s2 =	sld [smem:$0x3FD0];
	(tm) =	ssettm $0x1  }
0x91: {  	s18 =	sld [smem:$0x3FFB];
	_ =	sdelay $0x3  }
0x92: {  	_ =	strace s18  }
0x93: {  	s3 =	sld [smem:$0x3FFC];
	_ =	sdelay $0x3  }
0x94: {  	_ =	strace s3  }
0x95: {  	s3 =	sld [smem:$0x3FFD];
	_ =	sdelay $0x3  }
0x96: {  	_ =	strace s3  }
0x97: {  	_ =	strace $0x8FFFFFFF  }
0x98: {  	s19 =	sld [smem:$0x3FDB];
	_ =	sdelay $0x1  }
0x99: {  	s4 =	simm.s32 $_scs_section_size  }
0x9a: {  	s5 =	simm.s32 $_size__tile_overlayer_lowered;
	s6 =	simm.s32 $_tile_overlayer_lowered  }
0x9b: {  	s22 =	simm.s32 $0x1BFF;
	s21 =	sshll.u32 s6, $0x1;
	s3 =	sadd.s32 s4, s19  }
0x9c: {  	s7 =	simm.s32 $0x0;
	s20 =	sshll.u32 s5, $0x1;
	s5 =	sadd.s32 s21, s3  }
0x9d: {  	[timem:s7], [sflag:s22] =	dma.local [hbm:s5], s20  }
0x9e: {  	_ =	swait.ge [sflag:s22], s20  }
0x9f: {  	s4 =	ssub.s32 $0x0, s20;
	[sflag:s22] =	ssyncset.done $0x0  }
0xa0: {  	[sflag:s22] =	ssyncadd.s32 s4;
	_ =	sdelay $0x1  }
0xa1: {  	s23 =	simm.s32 $0x1B8B  }
0xa2: {  	_ =	swait.ge [sflag:s23], $0x1  }
0xa3: {  	[sflag:s23] =	ssyncset.done $0x0  }
0xa4: {  	s25 =	simm.s32 $0x1B8E;
	s24 =	sld [smem:$0x3FFE];
	[sflag:s23] =	ssyncadd.s32 $0xFFFFFFFF  }
0xa5: {  	s26 =	simm.s32 $execute0_lowered;
	[smem:$0x3FD2] =	sst s25  }
0xa6: {  	s5 =	sshll.u32 s26, $0x1;
	_ =	strace $0x8000004C;
	[dreg:$0x1] =	wrdreg $0xFFFFFFFF  }
0xa7: {  	s28 =	simm.s32 $_size_execute0_lowered;
	s3 =	sadd.s32 s3, s5;
	[dreg:$0x0] =	wrdreg $0x0  }
0xa8: {  	s5 =	sshll.u32 s28, $0x1;
	[dreg:$0x2] =	wrdreg s3  }
0xa9: {  	[dreg:$0x3] =	wrdreg s5  }
0xaa: {  	[dreg:$0x4] =	wrdreg $0xC0  }
0xab: {  	_ =	task [dreg:s7], $0x5FFFF  }
0xac: {  	[dreg:$0x1] =	wrdreg $0xFFFFFFFF  }
0xad: {  	[dreg:$0x0] =	wrdreg $0x60  }
0xae: {  	[dreg:$0x2] =	wrdreg s2  }
0xaf: {  	[dreg:$0x3] =	wrdreg s24  }
0xb0: {  	[dreg:$0x4] =	wrdreg $0x90000  }
0xb1: {  	[dreg:$0x5] =	wrdreg $0x9  }
0xb2: {  	_ =	task.clear_ibuf [dreg:s7], $0x6FFFF;
	_ =	strace $0x9000004C  }
0xb3: {  	s29 =	simm.s32 $0x9;
	_ =	strace $0x8000004E  }
0xb4: {  	_ =	swait.ge [sflag:s29], $0x1  }
0xb5: {  	[sflag:s29] =	ssyncadd.s32 $0xFFFFFFFF  }
0xb6: {  	_ =	strace $0x9000004E  }
0xb7: {  	_ =	sfence  }
0xb8: {  	s30 =	sld [smem:$0x0];
	_ =	sdelay $0x2  }
0xb9: {  	s31 =	sshll.u32 s1, $0xD;
	s1 =	sshrl.u32 s1, $0x2  }
0xba: {  	s3 =	sand.u32 $0x4000, s31;
	s1 =	sadd.s32 s1, s30  }
0xbb: {  	s0 =	sor.u32 s3, s0;
	s1 =	sshll.u32 s1, $0x11  }
0xbc: {  	s0 =	sor.u32 s1, s0  }
0xbd: {  	s0 =	sadd.s32 $0x8F2B, s0  }
0xbe: {  	[sflag:s0] =	ssyncadd.remote.s32 $0x1  }
0xbf: {  	_ =	sfence.sel $0xFFFF  }
0xc0: {  	[dreg:$0x0] =	wrdreg $0xFFFFFFFF;
	(pc) =	sbr.abs _section_cstart, $3  }
0xc1: {  	[dreg:$0x1] =	wrdreg $0xFFFFFFFF  }
0xc2: {  	_ =	task.clear_ibuf [dreg:s7], $0x2FFFF;
	_ =	strace $0x9FFFFFFF  }
0xc3: {  	(tm) =	ssettm $0x7FFFFFFF  }
tec
execute0_lowered:
.L_overlay_start_1:
0x0: {  	(tag) =	ssettag $0x1  }
0x1: {  	s0 =	rddreg [dreg:$0x0]  }
0x2: {  	s1 =	srdreg.scid;
	s5 =	rddreg [dreg:$0x1]  }
0x3: {  	s3 =	rddreg [dreg:$0x2];
	s2 =	stileid.u32;
	s4 =	simm.s32 $0x0  }
0x4: {  	s16 =	simm.s32 $0x2800;
	s17 =	simm.s32 $0x5000;
	s18 =	simm.s32 $0x80  }
0x5: {  	s19 =	simm.s32 $0x7000;
	s20 =	simm.s32 $0x1;
	s21 =	simm.s32 $0x2  }
0x6: {  	s22 =	simm.s32 $0x2880;
	s23 =	simm.s32 $0x3;
	s24 =	simm.s32 $0x4  }
0x7: {  	s26 =	simm.s32 $0x0;
	s6 =	sand.u32 $0x1, s1;
	s1 =	rddreg [dreg:$0x3]  }
0x8: {  	[smem:$0x7FF] =	sst s4;
	s9 =	smul.u32 $0x27800, s2;
	s12 =	sadd.s32 $0x68C00, s5  }
0x9: {  	s10 =	smul.u32 $0x9E00, s2;
	s25 =	sadd.s32 $0x94200, s3;
	p0 =	seq.s32 s2, $0xF  }
0xa: {  	s7 =	sshll.u32 s6, $0x4;
	_ =	strace $0x8000004D;
	s8 =	ssub.s32 $0x2, s6  }
0xb: {  	s13 =	smul.u32 $0x9C400, s6;
	s25 =	sshrl.u32 @p0 s25, $0x3;
	s7 =	sor.u32 s2, s7  }
0xc: {  	s30 =	sshrl.u32 s8, $0x1;
	s31 =	sshrl.u32 s9, $0x2;
	s7 =	smul.u32 $0x500, s7  }
0xd: {  	s14 =	ssub.s32 s8, s30;
	s11 =	sadd.s32 s31, s3;
	s15 =	sadd.s32 s10, s13  }
0xe: {  	s13 =	sshrl.u32 s13, $0x3;
	s8 =	sadd.s32 $0x2000, s11;
	s9 =	sadd.s32 $0x4000, s11  }
0xf: {  	s15 =	sshrl.u32 s15, $0x3;
	s13 =	sadd.s32 s12, s13;
	s14 =	smax.u32 s14, $0x1  }
0x10: {  	s7 =	sadd.s32 s7, s5;
	s12 =	sadd.s32 s12, s15;
	s13 =	sadd.s32 $0x12840, s13  }
0x11: {  	s15 =	simm.s32 $0x5;
	s5 =	sadd.s32 $0x6A00, s7;
	s6 =	sadd.s32 $0x10A00, s7  }
0x12: {  	v0 =	vimm.f32 $0.0e+00;
	s7 =	sadd.s32 s10, s3;
	s10 =	sadd.s32 $0x6000, s11;
	s11 =	sadd.s32 $0x8000, s11  }
.LBB2_1:
0x13: {  	[tilespmem:s4], [sflag:$0x5] =	stream.linear.gather [hbm4b:s5+s4], $0x2800, $0x38;
	[tilespmem:$0x12E00] =	vst v63  }
0x14: {  	_ =	swait.ge [sflag:s15], $0x2800  }
0x15: {  	[sflag:s15] =	ssyncset.done $0x0  }
0x16: {  	[sflag:s15] =	ssyncadd.s32 $0xFFFFD800  }
0x17: {  	[tilespmem:s16], [sflag:$0x5] =	stream.linear.gather [hbm4b:s6+s4], $0x2800, $0x38;
	[tilespmem:$0x12E00] =	vst v63  }
0x18: {  	_ =	swait.ge [sflag:s15], $0x2800  }
0x19: {  	[sflag:s15] =	ssyncset.done $0x0  }
0x1a: {  	s29 =	simm.s32 $0x100;
	s28 =	simm.s32 $0x0;
	[sflag:s15] =	ssyncadd.s32 $0xFFFFD800  }
.LBB2_2:
0x1b: {  	p1 =	sne.s32 s29, $0x7F00;
	[tilespmem:s28+$0x5030] =	vst v0;
	s30 =	smov.u32 s29;
	s29 =	sadd.s32 $0x100, s29  }
.Ltmp0:
0x1c: {  	[tilespmem:s28+$0x5020] =	vst v0;
	(pc) =	sbr.rel @p1 .LBB2_2-.Ltmp0, $3  }
0x1d: {  	[tilespmem:s28+$0x5000] =	vst v0  }
0x1e: {  	[tilespmem:s28+$0x5010] =	vst v0;
	_ =	sdelay $0x1  }
0x1f: {  	s28 =	sshra.s32 s30, $0x2  }
0x20: {  	[tilespmem:s28+$0x5030] =	vst v0  }
0x21: {  	[tilespmem:s28+$0x5020] =	vst v0  }
0x22: {  	[tilespmem:s28+$0x5000] =	vst v0  }
0x23: {  	[tilespmem:s28+$0x5010] =	vst v0  }
0x24: {  	[spmem:s7] =	stream.linear.scatter [tilespmem:s17], [sflag:$0x5], $0x2000, $0x38;
	[tilespmem:$0x12E00] =	vst v63  }
0x25: {  	_ =	swait.ge [sflag:s15], $0x2000  }
0x26: {  	[sflag:s15] =	ssyncset.done $0x0  }
0x27: {  	[sflag:s15] =	ssyncadd.s32 $0xFFFFE000  }
0x28: {  	[spmem:s8] =	stream.linear.scatter [tilespmem:s17], [sflag:$0x5], $0x2000, $0x38;
	[tilespmem:$0x12E00] =	vst v63  }
0x29: {  	_ =	swait.ge [sflag:s15], $0x2000  }
0x2a: {  	[sflag:s15] =	ssyncset.done $0x0  }
0x2b: {  	[sflag:s15] =	ssyncadd.s32 $0xFFFFE000  }
0x2c: {  	[spmem:s9] =	stream.linear.scatter [tilespmem:s17], [sflag:$0x5], $0x2000, $0x38;
	[tilespmem:$0x12E00] =	vst v63  }
0x2d: {  	_ =	swait.ge [sflag:s15], $0x2000  }
0x2e: {  	[sflag:s15] =	ssyncset.done $0x0  }
0x2f: {  	[sflag:s15] =	ssyncadd.s32 $0xFFFFE000  }
0x30: {  	[spmem:s10] =	stream.linear.scatter [tilespmem:s17], [sflag:$0x5], $0x2000, $0x38;
	[tilespmem:$0x12E00] =	vst v63  }
0x31: {  	_ =	swait.ge [sflag:s15], $0x2000  }
0x32: {  	[sflag:s15] =	ssyncset.done $0x0  }
0x33: {  	[sflag:s15] =	ssyncadd.s32 $0xFFFFE000  }
0x34: {  	[spmem:s11] =	stream.linear.scatter [tilespmem:s17], [sflag:$0x5], $0x1E00, $0x38;
	[tilespmem:$0x12E00] =	vst v63  }
0x35: {  	_ =	swait.ge [sflag:s15], $0x1E00  }
0x36: {  	[sflag:s15] =	ssyncset.done $0x0  }
0x37: {  	[sflag:s15] =	ssyncadd.s32 $0xFFFFE200  }
0x38: {  	[bflag:$0x0] =	sbarrier.arrive $0xFFFF  }
0x39: {  	[tilespmem:s17], [sflag:$0x1] =	stream.indirect.gather [hbm4b:s0+s18], $0x40, s4, s18, $0xb8;
	[tilespmem:$0x12E00] =	vst v63  }
0x3a: {  	_ = 	snop  }
0x3b: {  	[tilespmem:s19], [sflag:$0x2] =	stream.indirect.gather [hbm4b:s0+s18], $0x40, s18, s18, $0xb8;
	[tilespmem:$0x12E00] =	vst v63  }
0x3c: {  	_ =	swait.ge [sflag:s20], $0x2000  }
0x3d: {  	[sflag:s20] =	ssyncset.done $0x0  }
0x3e: {  	[sflag:s20] =	ssyncadd.s32 $0xFFFFE000  }
0x3f: {  	[spmem:s3] =	stream.indirect.scatter.add.f32 [tilespmem:s17], [sflag:$0x3], $0x40, s16, s18, $0xb8;
	[tilespmem:$0x12E00] =	vst v63  }
0x40: {  	_ =	swait.ge [sflag:s21], $0x2000  }
0x41: {  	[sflag:s21] =	ssyncset.done $0x0  }
0x42: {  	[sflag:s21] =	ssyncadd.s32 $0xFFFFE000  }
0x43: {  	[spmem:s3] =	stream.indirect.scatter.add.f32 [tilespmem:s19], [sflag:$0x4], $0x40, s22, s18, $0xb8;
	[tilespmem:$0x12E00] =	vst v63  }
0x44: {  	_ =	swait.ge [sflag:s23], $0x2000  }
0x45: {  	[sflag:s23] =	ssyncset.done $0x0  }
0x46: {  	s28 =	simm.s32 $0x100;
	[sflag:s23] =	ssyncadd.s32 $0xFFFFE000  }
0x47: {  	[tilespmem:s17], [sflag:$0x1] =	stream.indirect.gather [hbm4b:s0+s18], $0x40, s28, s18, $0xb8;
	[tilespmem:$0x12E00] =	vst v63  }
0x48: {  	_ =	swait.ge [sflag:s24], $0x2000  }
0x49: {  	[sflag:s24] =	ssyncset.done $0x0  }
0x4a: {  	s28 =	simm.s32 $0x180;
	[sflag:s24] =	ssyncadd.s32 $0xFFFFE000  }
0x4b: {  	[tilespmem:s19], [sflag:$0x2] =	stream.indirect.gather [hbm4b:s0+s18], $0x40, s28, s18, $0xb8;
	[tilespmem:$0x12E00] =	vst v63  }
0x4c: {  	_ =	swait.ge [sflag:s20], $0x2000  }
0x4d: {  	[sflag:s20] =	ssyncset.done $0x0  }
0x4e: {  	s28 =	simm.s32 $0x2900;
	[sflag:s20] =	ssyncadd.s32 $0xFFFFE000  }
0x4f: {  	[spmem:s3] =	stream.indirect.scatter.add.f32 [tilespmem:s17], [sflag:$0x3], $0x40, s28, s18, $0xb8;
	[tilespmem:$0x12E00] =	vst v63  }
0x50: {  	_ =	swait.ge [sflag:s21], $0x2000  }
0x51: {  	[sflag:s21] =	ssyncset.done $0x0  }
0x52: {  	s29 =	simm.s32 $0x2980;
	s28 =	simm.s32 $0xFFFF6800;
	[sflag:s21] =	ssyncadd.s32 $0xFFFFE000  }
.LBB2_4:
0x53: {  	[spmem:s3] =	stream.indirect.scatter.add.f32 [tilespmem:s19], [sflag:$0x4], $0x40, s29, s18, $0xb8;
	[tilespmem:$0x12E00] =	vst v63  }
0x54: {  	s29 =	smov.u32 s28  }
0x55: {  	p1 =	sne.s32 s28, $0xFFFFFC00;
	s28 =	sadd.s32 $0x400, s28;
	_ =	swait.ge [sflag:s23], $0x2000  }
0x56: {  	s29 =	sshra.s32 s29, $0x2;
	[sflag:s23] =	ssyncset.done $0x0  }
0x57: {  	s30 =	sadd.s32 $0x2800, s29;
	[sflag:s23] =	ssyncadd.s32 $0xFFFFE000  }
0x58: {  	[tilespmem:s17], [sflag:$0x1] =	stream.indirect.gather [hbm4b:s0+s18], $0x40, s30, s18, $0xb8;
	[tilespmem:$0x12E00] =	vst v63  }
0x59: {  	_ =	swait.ge [sflag:s24], $0x2000  }
0x5a: {  	[sflag:s24] =	ssyncset.done $0x0  }
0x5b: {  	s30 =	sadd.s32 $0x2880, s29;
	[sflag:s24] =	ssyncadd.s32 $0xFFFFE000  }
0x5c: {  	[tilespmem:s19], [sflag:$0x2] =	stream.indirect.gather [hbm4b:s0+s18], $0x40, s30, s18, $0xb8;
	[tilespmem:$0x12E00] =	vst v63  }
0x5d: {  	_ =	swait.ge [sflag:s20], $0x2000  }
0x5e: {  	[sflag:s20] =	ssyncset.done $0x0  }
.Ltmp1:
0x5f: {  	s30 =	sadd.s32 $0x5000, s29;
	[sflag:s20] =	ssyncadd.s32 $0xFFFFE000;
	(pc) =	sbr.rel @p1 .LBB2_4-.Ltmp1, $4  }
0x60: {  	[spmem:s3] =	stream.indirect.scatter.add.f32 [tilespmem:s17], [sflag:$0x3], $0x40, s30, s18, $0xb8;
	[tilespmem:$0x12E00] =	vst v63  }
0x61: {  	_ =	swait.ge [sflag:s21], $0x2000  }
0x62: {  	[sflag:s21] =	ssyncset.done $0x0  }
0x63: {  	s29 =	sadd.s32 $0x5080, s29;
	[sflag:s21] =	ssyncadd.s32 $0xFFFFE000  }
0x64: {  	[spmem:s3] =	stream.indirect.scatter.add.f32 [tilespmem:s19], [sflag:$0x4], $0x40, s29, s18, $0xb8;
	[tilespmem:$0x12E00] =	vst v63  }
0x65: {  	_ =	swait.ge [sflag:s23], $0x2000  }
0x66: {  	[sflag:s23] =	ssyncset.done $0x0  }
0x67: {  	[sflag:s23] =	ssyncadd.s32 $0xFFFFE000  }
0x68: {  	_ =	swait.ge [sflag:s24], $0x2000  }
0x69: {  	[sflag:s24] =	ssyncset.done $0x0  }
0x6a: {  	[sflag:s24] =	ssyncadd.s32 $0xFFFFE000  }
0x6b: {  	s28 =	simm.s32 @p0 $0x1FC5;
	[bflag:$0x0] =	sbarrier.arrive $0xFFFF  }
0x6c: {  	[hbm:s13], [sflag:s28] =	dma.local @p0 [spmem:s25], $0x1040  }
0x6d: {  	s28 =	simm.s32 @p0 $0x5  }
0x6e: {  	s26 =	sadd.s32 $0x1, s26;
	_ =	swait.ge @p0 [sflag:s28], $0x1040  }
0x6f: {  	s29 =	sshll.u32 @!p0 s2, $0x6;
	p1 =	sne.s32 s26, s14;
	[sflag:s28] =	ssyncset.done @p0 $0x0  }
0x70: {  	[sflag:s28] =	ssyncadd.s32 @p0 $0xFFFFEFC0;
	s28 =	sor.u32 @!p0 $0x1C05, s29;
	s29 =	sshrl.u32 @!p0 s7, $0x3  }
0x71: {  	[hbm:s12], [sflag:s28] =	dma.local @!p0 [spmem:s29], $0x13C0  }
.Ltmp2:
0x72: {  	_ = 	snop;
	(pc) =	sbr.rel @p1 .LBB2_1-.Ltmp2, $4  }
0x73: {  	s28 =	simm.s32 @!p0 $0x5  }
0x74: {  	_ =	swait.ge @!p0 [sflag:s28], $0x13C0  }
0x75: {  	[sflag:s28] =	ssyncset.done @!p0 $0x0  }
0x76: {  	[sflag:s28] =	ssyncadd.s32 @!p0 $0xFFFFEC40  }
0x77: {  	_ =	sfence.sel $0x180000  }
0x78: {  	[bflag:$0x0] =	sbarrier.arrive $0xFFFF  }
0x79: {  	p0 =	sne.s32 s2, $0x0;
	_ =	strace $0x9000004D  }
0x7a: {  	s0 =	sadd.s32 @!p0 $0x100000, s1;
	[bflag:$0x2] =	sbarrier.arrive $0xFFFF  }
0x7b: {  	[sflag:s0] =	ssyncadd.tile.s32 @!p0 $0x1;
	_ =	shalt  }
.Lfunc_end2:
_tile_overlayer_lowered:
.L_overlay_start_2:
0x7c: {  	(tag) =	ssettag $0x2  }
0x7d: {  	s0 =	rddreg [dreg:$0x0];
	s2 =	stileid.u32  }
0x7e: {  	s1 =	rddreg [dreg:$0x1];
	p0 =	sne.s32 s2, $0x0  }
0x7f: {  	s3 =	rddreg [dreg:$0x2];
	[bflag:$0x3] =	sbarrier.arrive $0xFFFF;
	s2 =	simm.s32 @!p0 $0x1C05  }
0x80: {  	[timem:s3], [sflag:s2] =	dma.local @!p0 [hbm:s0], s1  }
0x81: {  	s0 =	simm.s32 @!p0 $0x5  }
0x82: {  	_ =	swait.ge @!p0 [sflag:s0], s1  }
0x83: {  	s1 =	ssub.s32 @!p0 $0x0, s1;
	[sflag:s0] =	ssyncset.done @!p0 $0x0  }
0x84: {  	[sflag:s0] =	ssyncadd.s32 @!p0 s1  }
0x85: {  	[bflag:$0x3] =	sbarrier.arrive $0xFFFF  }
0x86: {  	_ =	shalt  }

// kernel: kernel.8.cloned.1.call-start
scs
__scs_entry_jumppad:
0x0: {  	(pc) =	sbr.rel $0x88, $3  }
0x1: {  	(tag) =	ssettag $0x0;
	lr =	simm.s32 $0x1  }
0x2: {  	[smem:$0x3F9B] =	sst lr;
	_ =	strace $0xD0000000  }
0x3: {  	_ = 	snop  }
0x4: {  	_ = 	snop  }
0x5: {  	_ = 	snop  }
0x6: {  	_ = 	snop  }
0x7: {  	_ = 	snop  }
__scs_overlays_trampoline_lowered:
0x8: {  	[smem:$0x3FAA] =	sst s0  }
0x9: {  	[smem:$0x3FAB] =	sst s1  }
0xa: {  	[smem:$0x3FAC] =	sst s2  }
0xb: {  	[smem:$0x3FAD] =	sst s3  }
0xc: {  	[smem:$0x3FAE] =	sst s4  }
0xd: {  	[smem:$0x3FAF] =	sst s5  }
0xe: {  	[smem:$0x3FB0] =	sst s6  }
0xf: {  	[smem:$0x3FB1] =	sst s7  }
0x10: {  	[smem:$0x3FB2] =	sst s8  }
0x11: {  	[smem:$0x3FB3] =	sst s9;
	s0 =	simm.s32 @!p0 $0x0  }
0x12: {  	s1 =	sld [smem:$0x3F99];
	s0 =	simm.s32 @p0 $0x1  }
0x13: {  	[smem:$0x3FB4] =	sst s0;
	s0 =	simm.s32 @!p1 $0x0  }
0x14: {  	s2 =	sld [smem:$0x3F98];
	s0 =	simm.s32 @p1 $0x1  }
0x15: {  	[smem:$0x3FB5] =	sst s0;
	s0 =	simm.s32 @!p2 $0x0  }
0x16: {  	s3 =	sld [smem:$0x3FDB];
	s0 =	simm.s32 @p2 $0x1  }
0x17: {  	s4 =	simm.s32 $0x1BF5;
	[smem:$0x3FB7] =	sst s0  }
0x18: {  	s0 =	sld [smem:$0x3F9A];
	_ =	swait.ge [sflag:s4], $0x0  }
0x19: {  	s7 =	sld [smem:$0x3F9B]  }
0x1a: {  	s8 =	sadd.s32 $0xFFFFE003, lr  }
0x1b: {  	s9 =	sadd.s32 $0xFFFFFEF7, lr;
	s5 =	simm.s32 $0xFFFFFFFF;
	p2 =	slt.u32 s8, $0xFFFFF086  }
0x1c: {  	p1 =	slt.u32 s9, $0xF7A;
	s5 =	simm.s32 @!p2 $0x0  }
0x1d: {  	s5 =	simm.s32 @p1 $0x1;
	p0 =	seq.s32 s7, s2  }
0x1e: {  	s7 =	smul.u32 @!p0 $0xF7A, s2;
	p2 =	seq.s32 @!p0 s5, $0x0  }
0x1f: {  	s9 =	smul.u32 $0xF7A, s1;
	s8 =	simm.s32 @!p0 $0x1BF5;
	p2 =	por !p2, p0  }
0x20: {  	[sflag:s8] =	ssyncset.s32 @!p0 $0xFFFFF086;
	s6 =	sadd.s32 @!p0 s3, s7;
	s7 =	simm.s32 @!p0 $0x108  }
0x21: {  	s3 =	sadd.s32 s3, s9;
	s6 =	sadd.s32 @!p0 $0x88, s6;
	s7 =	simm.s32 @p2 $0x1082  }
0x22: {  	[simem:s7], [sflag:s8] =	dma.local @!p0 [hbm:s6], $0xF7A  }
0x23: {  	s9 =	sor.u32 $0xD0000000, s2;
	s6 =	simm.s32 $0x108;
	_ =	swait.ge @!p0 [sflag:s8], $0x0  }
0x24: {  	s3 =	sadd.s32 $0x88, s3;
	s6 =	simm.s32 @!p1 $0x1082;
	[sflag:s4] =	ssyncset.s32 $0xFFFFF086  }
0x25: {  	[simem:s6], [sflag:s4] =	dma.local [hbm:s3], $0xF7A  }
0x26: {  	[smem:$0x3F9B] =	sst s1;
	(tag) =	ssettag s2;
	_ =	strace s9  }
0x27: {  	s1 =	sld [smem:$0x3FAB]  }
0x28: {  	s2 =	sld [smem:$0x3FAC]  }
0x29: {  	s4 =	sld [smem:$0x3FAE]  }
0x2a: {  	p0 =	seq.s32 s5, $0x0;
	s5 =	sld [smem:$0x3FAF]  }
0x2b: {  	s6 =	sld [smem:$0x3FB0]  }
0x2c: {  	s7 =	sld [smem:$0x3FB1]  }
0x2d: {  	s3 =	simm.s32 $0x108;
	s8 =	sld [smem:$0x3FB2]  }
0x2e: {  	s3 =	simm.s32 @!p0 $0x1082;
	s9 =	sld [smem:$0x3FB3]  }
0x2f: {  	lr =	sadd.s32 s0, s3;
	s0 =	sld [smem:$0x3FAA]  }
0x30: {  	s3 =	sld [smem:$0x3FAD]  }
0x31: {  	[smem:$0x3FB6] =	sst s10  }
0x32: {  	s10 =	sld [smem:$0x3FB4];
	_ =	sdelay $0x3  }
0x33: {  	p0 =	seq.s32 s10, $0x1;
	s10 =	sld [smem:$0x3FB6];
	_ =	sdelay $0x3  }
0x34: {  	[smem:$0x3FB6] =	sst s10  }
0x35: {  	s10 =	sld [smem:$0x3FB5];
	_ =	sdelay $0x3  }
0x36: {  	p1 =	seq.s32 s10, $0x1;
	s10 =	sld [smem:$0x3FB6];
	_ =	sdelay $0x3  }
0x37: {  	[smem:$0x3FB6] =	sst s10  }
0x38: {  	s10 =	sld [smem:$0x3FB7]  }
0x39: {  	_ = 	snop;
	(pc) =	sbr.ind lr, $3  }
0x3a: {  	_ = 	snop  }
0x3b: {  	_ = 	snop  }
0x3c: {  	p2 =	seq.s32 s10, $0x1;
	s10 =	sld [smem:$0x3FB6]  }
0x3d: {  	_ =	shalt  }
0x3e: {  	_ =	shalt  }
0x3f: {  	_ =	shalt  }
0x40: {  	_ =	shalt  }
0x41: {  	_ =	shalt  }
0x42: {  	_ =	shalt  }
0x43: {  	_ =	shalt  }
0x44: {  	_ =	shalt  }
0x45: {  	_ =	shalt  }
0x46: {  	_ =	shalt  }
0x47: {  	_ =	shalt  }
0x48: {  	_ =	shalt  }
0x49: {  	_ =	shalt  }
0x4a: {  	_ =	shalt  }
0x4b: {  	_ =	shalt  }
0x4c: {  	_ =	shalt  }
0x4d: {  	_ =	shalt  }
0x4e: {  	_ =	shalt  }
0x4f: {  	_ =	shalt  }
0x50: {  	_ =	shalt  }
0x51: {  	_ =	shalt  }
0x52: {  	_ =	shalt  }
0x53: {  	_ =	shalt  }
0x54: {  	_ =	shalt  }
0x55: {  	_ =	shalt  }
0x56: {  	_ =	shalt  }
0x57: {  	_ =	shalt  }
0x58: {  	_ =	shalt  }
0x59: {  	_ =	shalt  }
0x5a: {  	_ =	shalt  }
0x5b: {  	_ =	shalt  }
0x5c: {  	_ =	shalt  }
0x5d: {  	_ =	shalt  }
0x5e: {  	_ =	shalt  }
0x5f: {  	_ =	shalt  }
0x60: {  	_ =	shalt  }
0x61: {  	_ =	shalt  }
0x62: {  	_ =	shalt  }
0x63: {  	_ =	shalt  }
0x64: {  	_ =	shalt  }
0x65: {  	_ =	shalt  }
0x66: {  	_ =	shalt  }
0x67: {  	_ =	shalt  }
0x68: {  	_ =	shalt  }
0x69: {  	_ =	shalt  }
0x6a: {  	_ =	shalt  }
0x6b: {  	_ =	shalt  }
0x6c: {  	_ =	shalt  }
0x6d: {  	_ =	shalt  }
0x6e: {  	_ =	shalt  }
0x6f: {  	_ =	shalt  }
0x70: {  	_ =	shalt  }
0x71: {  	_ =	shalt  }
0x72: {  	_ =	shalt  }
0x73: {  	_ =	shalt  }
0x74: {  	_ =	shalt  }
0x75: {  	_ =	shalt  }
0x76: {  	_ =	shalt  }
0x77: {  	_ =	shalt  }
0x78: {  	_ =	shalt  }
0x79: {  	_ =	shalt  }
0x7a: {  	_ =	shalt  }
0x7b: {  	_ =	shalt  }
0x7c: {  	_ =	shalt  }
0x7d: {  	_ =	shalt  }
0x7e: {  	_ =	shalt  }
0x7f: {  	_ =	shalt  }
0x80: {  	_ =	shalt  }
0x81: {  	_ =	shalt  }
0x82: {  	_ =	shalt  }
0x83: {  	_ =	shalt  }
0x84: {  	_ =	shalt  }
0x85: {  	_ =	shalt  }
0x86: {  	_ =	shalt  }
0x87: {  	_ =	shalt  }
.Lfunc_end0:
.L_simem_size_0:
called_computation_lowered:
.L_overlay_start_0:
0x88: {  	s2 =	sld [smem:$0x3FD9]  }
0x89: {  	s3 =	sld [smem:$0x3FFE];
	_ =	sdelay $0x1  }
0x8a: {  	s1 =	srdreg.scid  }
0x8b: {  	s0 =	sand.u32 $0x1, s1  }
0x8c: {  	s17 =	sshll.u32 s0, $0xA;
	s2 =	sadd.s32 s3, s2  }
0x8d: {  	s2 =	sadd.s32 s2, s17  }
0x8e: {  	[smem:$0x3FC2] =	sst s2  }
0x8f: {  	_ = 	snop  }
0x90: {  	s2 =	sld [smem:$0x3FD0];
	(tm) =	ssettm $0x1  }
0x91: {  	s18 =	sld [smem:$0x3FFB];
	_ =	sdelay $0x3  }
0x92: {  	_ =	strace s18  }
0x93: {  	s3 =	sld [smem:$0x3FFC];
	_ =	sdelay $0x3  }
0x94: {  	_ =	strace s3  }
0x95: {  	s3 =	sld [smem:$0x3FFD];
	_ =	sdelay $0x3  }
0x96: {  	_ =	strace s3  }
0x97: {  	_ =	strace $0x8FFFFFFF  }
0x98: {  	s19 =	sld [smem:$0x3FDB];
	_ =	sdelay $0x1  }
0x99: {  	s4 =	simm.s32 $_scs_section_size  }
0x9a: {  	s5 =	simm.s32 $_size__tile_overlayer_lowered;
	s6 =	simm.s32 $_tile_overlayer_lowered  }
0x9b: {  	s22 =	simm.s32 $0x1BFF;
	s21 =	sshll.u32 s6, $0x1;
	s3 =	sadd.s32 s4, s19  }
0x9c: {  	s7 =	simm.s32 $0x0;
	s20 =	sshll.u32 s5, $0x1;
	s5 =	sadd.s32 s21, s3  }
0x9d: {  	[timem:s7], [sflag:s22] =	dma.local [hbm:s5], s20  }
0x9e: {  	_ =	swait.ge [sflag:s22], s20  }
0x9f: {  	s4 =	ssub.s32 $0x0, s20;
	[sflag:s22] =	ssyncset.done $0x0  }
0xa0: {  	[sflag:s22] =	ssyncadd.s32 s4;
	_ =	sdelay $0x1  }
0xa1: {  	s23 =	simm.s32 $0x1B8B  }
0xa2: {  	_ =	swait.ge [sflag:s23], $0x1  }
0xa3: {  	[sflag:s23] =	ssyncset.done $0x0  }
0xa4: {  	s25 =	simm.s32 $0x1B8E;
	s24 =	sld [smem:$0x3FFE];
	[sflag:s23] =	ssyncadd.s32 $0xFFFFFFFF  }
0xa5: {  	s26 =	simm.s32 $execute0_lowered;
	[smem:$0x3FD2] =	sst s25  }
0xa6: {  	s5 =	sshll.u32 s26, $0x1;
	_ =	strace $0x80000046;
	[dreg:$0x1] =	wrdreg $0xFFFFFFFF  }
0xa7: {  	s28 =	simm.s32 $_size_execute0_lowered;
	s3 =	sadd.s32 s3, s5;
	[dreg:$0x0] =	wrdreg $0x0  }
0xa8: {  	s5 =	sshll.u32 s28, $0x1;
	[dreg:$0x2] =	wrdreg s3  }
0xa9: {  	[dreg:$0x3] =	wrdreg s5  }
0xaa: {  	[dreg:$0x4] =	wrdreg $0xC0  }
0xab: {  	_ =	task [dreg:s7], $0x5FFFF  }
0xac: {  	[dreg:$0x1] =	wrdreg $0xFFFFFFFF  }
0xad: {  	[dreg:$0x0] =	wrdreg $0x60  }
0xae: {  	[dreg:$0x2] =	wrdreg s24  }
0xaf: {  	[dreg:$0x3] =	wrdreg s2  }
0xb0: {  	[dreg:$0x4] =	wrdreg $0x2F800  }
0xb1: {  	[dreg:$0x5] =	wrdreg $0x9  }
0xb2: {  	_ =	task.clear_ibuf [dreg:s7], $0x6FFFF;
	_ =	strace $0x90000046  }
0xb3: {  	s29 =	simm.s32 $0x9;
	_ =	strace $0x80000048  }
0xb4: {  	_ =	swait.ge [sflag:s29], $0x1  }
0xb5: {  	[sflag:s29] =	ssyncadd.s32 $0xFFFFFFFF  }
0xb6: {  	_ =	strace $0x90000048  }
0xb7: {  	_ =	sfence  }
0xb8: {  	s30 =	sld [smem:$0x0];
	_ =	sdelay $0x2  }
0xb9: {  	s31 =	sshll.u32 s1, $0xD;
	s1 =	sshrl.u32 s1, $0x2  }
0xba: {  	s3 =	sand.u32 $0x4000, s31;
	s1 =	sadd.s32 s1, s30  }
0xbb: {  	s0 =	sor.u32 s3, s0;
	s1 =	sshll.u32 s1, $0x11  }
0xbc: {  	s0 =	sor.u32 s1, s0  }
0xbd: {  	s0 =	sadd.s32 $0x8F2B, s0  }
0xbe: {  	[sflag:s0] =	ssyncadd.remote.s32 $0x1  }
0xbf: {  	_ =	sfence.sel $0xFFFF  }
0xc0: {  	[dreg:$0x0] =	wrdreg $0xFFFFFFFF;
	(pc) =	sbr.abs _section_cstart, $3  }
0xc1: {  	[dreg:$0x1] =	wrdreg $0xFFFFFFFF  }
0xc2: {  	_ =	task.clear_ibuf [dreg:s7], $0x2FFFF;
	_ =	strace $0x9FFFFFFF  }
0xc3: {  	(tm) =	ssettm $0x7FFFFFFF  }
tec
execute0_lowered:
.L_overlay_start_1:
0x0: {  	(tag) =	ssettag $0x1  }
0x1: {  	s5 =	rddreg [dreg:$0x0]  }
0x2: {  	s6 =	rddreg [dreg:$0x1]  }
0x3: {  	s1 =	rddreg [dreg:$0x2];
	s2 =	srdreg.scid  }
0x4: {  	s0 =	rddreg [dreg:$0x3];
	s3 =	simm.s32 $0x0;
	s19 =	simm.s32 $0x2B80  }
0x5: {  	s20 =	simm.s32 $0x100;
	s21 =	simm.s32 $0x180;
	s22 =	simm.s32 $0x1  }
0x6: {  	s24 =	simm.s32 $0x0;
	s8 =	sand.u32 $0x1, s2;
	s2 =	stileid.u32  }
0x7: {  	[smem:$0x7FF] =	sst s3;
	s13 =	sadd.s32 $0x1A00, s5;
	s29 =	smul.u32 $0x4F00, s2  }
0x8: {  	s23 =	sadd.s32 $0x12840, s1;
	s4 =	sshll.u32 s8, $0x4;
	s12 =	smul.u32 $0x13C0, s2  }
0x9: {  	_ =	strace $0x80000047;
	s9 =	ssub.s32 $0x2, s8;
	s17 =	smul.u32 $0x13880, s8  }
0xa: {  	p1 =	seq.s32 s2, $0xF;
	s16 =	sor.u32 s2, s4;
	s4 =	sadd.s32 $0x1800, s5  }
0xb: {  	s11 =	sshrl.u32 s9, $0x1;
	s5 =	simm.s32 $0x4B;
	s23 =	sshrl.u32 @p1 s23, $0x3  }
0xc: {  	s7 =	smul.u32 $0x4E, s16;
	s10 =	smin.u32 s16, $0x4;
	p0 =	slt.u32 s16, $0x4  }
0xd: {  	s15 =	ssub.s32 s9, s11;
	s30 =	sshrl.u32 s29, $0x2;
	s8 =	sadd.s32 s12, s1  }
0xe: {  	s18 =	sadd.s32 s12, s17;
	s17 =	sshrl.u32 s17, $0x3;
	s5 =	simm.s32 @!p0 $0x4A  }
0xf: {  	s14 =	sadd.s32 s30, s1;
	s31 =	sshrl.u32 s18, $0x3;
	s17 =	sadd.s32 s13, s17  }
0x10: {  	s15 =	smax.u32 s15, $0x1;
	p0 =	sgt.u32 s16, $0x3;
	s16 =	simm.s32 $0x2  }
0x11: {  	s18 =	simm.s32 $0x80;
	s7 =	sadd.s32 s10, s7;
	s9 =	sadd.s32 $0x400, s14  }
0x12: {  	s10 =	sadd.s32 $0x800, s14;
	s11 =	sadd.s32 $0xC00, s14;
	s7 =	sshll.u32 s7, $0x4  }
0x13: {  	s12 =	sadd.s32 $0x1000, s14;
	s13 =	sadd.s32 s13, s31;
	s6 =	sadd.s32 s6, s7  }
0x14: {  	s14 =	sadd.s32 $0x2508, s17;
	s17 =	simm.s32 $0x2780;
	s7 =	sadd.s32 $0x4E0, s6  }
.LBB2_1:
0x15: {  	[tilespmem:s3], [sflag:$0x2] =	stream.linear.gather [hbm4b:s6+s3], $0x2700, $0x38;
	[tilespmem:$0x3960] =	vst v63  }
0x16: {  	_ =	swait.ge [sflag:s16], $0x2700  }
0x17: {  	[sflag:s16] =	ssyncset.done $0x0  }
0x18: {  	s25 =	simm.s32 @!p0 $0x0;
	s26 =	simm.s32 @!p0 $0x2700;
	[sflag:s16] =	ssyncadd.s32 $0xFFFFD900  }
0x19: {  	[tilespmem:s26], [sflag:$0x2] =	stream.linear.gather @!p0 [hbm4b:s7+s25], $0x80, $0x38;
	[tilespmem:$0x3960] =	vst v63  }
0x1a: {  	s25 =	simm.s32 @!p0 $0x2  }
0x1b: {  	_ =	swait.ge @!p0 [sflag:s25], $0x80  }
0x1c: {  	[sflag:s25] =	ssyncset.done @!p0 $0x0  }
0x1d: {  	[sflag:s25] =	ssyncadd.s32 @!p0 $0xFFFFFF80  }
0x1e: {  	[tilespmem:s17], [sflag:$0x2] =	stream.linear.gather [hbm4b:s4+s3], $0x800, $0x38;
	[tilespmem:$0x3960] =	vst v63  }
0x1f: {  	_ =	swait.ge [sflag:s16], $0x800  }
0x20: {  	[sflag:s16] =	ssyncset.done $0x0  }
0x21: {  	[sflag:s16] =	ssyncadd.s32 $0xFFFFF800  }
0x22: {  	[spmem:s8] =	stream.linear.scatter [tilespmem:s17], [sflag:$0x2], $0x400, $0x38;
	[tilespmem:$0x3960] =	vst v63  }
0x23: {  	_ =	swait.ge [sflag:s16], $0x400  }
0x24: {  	[sflag:s16] =	ssyncset.done $0x0  }
0x25: {  	[sflag:s16] =	ssyncadd.s32 $0xFFFFFC00  }
0x26: {  	[spmem:s9] =	stream.linear.scatter [tilespmem:s17], [sflag:$0x2], $0x400, $0x38;
	[tilespmem:$0x3960] =	vst v63  }
0x27: {  	_ =	swait.ge [sflag:s16], $0x400  }
0x28: {  	[sflag:s16] =	ssyncset.done $0x0  }
0x29: {  	[sflag:s16] =	ssyncadd.s32 $0xFFFFFC00  }
0x2a: {  	[spmem:s10] =	stream.linear.scatter [tilespmem:s17], [sflag:$0x2], $0x400, $0x38;
	[tilespmem:$0x3960] =	vst v63  }
0x2b: {  	_ =	swait.ge [sflag:s16], $0x400  }
0x2c: {  	[sflag:s16] =	ssyncset.done $0x0  }
0x2d: {  	[sflag:s16] =	ssyncadd.s32 $0xFFFFFC00  }
0x2e: {  	[spmem:s11] =	stream.linear.scatter [tilespmem:s17], [sflag:$0x2], $0x400, $0x38;
	[tilespmem:$0x3960] =	vst v63  }
0x2f: {  	_ =	swait.ge [sflag:s16], $0x400  }
0x30: {  	[sflag:s16] =	ssyncset.done $0x0  }
0x31: {  	[sflag:s16] =	ssyncadd.s32 $0xFFFFFC00  }
0x32: {  	[spmem:s12] =	stream.linear.scatter [tilespmem:s17], [sflag:$0x2], $0x3C0, $0x38;
	[tilespmem:$0x3960] =	vst v63  }
0x33: {  	_ =	swait.ge [sflag:s16], $0x3C0  }
0x34: {  	[sflag:s16] =	ssyncset.done $0x0  }
0x35: {  	[sflag:s16] =	ssyncadd.s32 $0xFFFFFC40  }
0x36: {  	[bflag:$0x0] =	sbarrier.arrive $0xFFFF  }
0x37: {  	[spmem:s1] =	stream.indirect.scatter.add.f32 [tilespmem:s19], [sflag:$0x1], $0x4, s3, s18, $0xb8;
	[tilespmem:$0x3960] =	vst v63  }
0x38: {  	_ = 	snop  }
0x39: {  	[spmem:s1] =	stream.indirect.scatter.add.f32 [tilespmem:s19], [sflag:$0x1], $0x4, s18, s18, $0xb8;
	[tilespmem:$0x3960] =	vst v63  }
0x3a: {  	_ = 	snop  }
0x3b: {  	[spmem:s1] =	stream.indirect.scatter.add.f32 [tilespmem:s19], [sflag:$0x1], $0x4, s20, s18, $0xb8;
	[tilespmem:$0x3960] =	vst v63  }
0x3c: {  	p2 =	sne.s32 s5, $0x1  }
0x3d: {  	[spmem:s1] =	stream.indirect.scatter.add.f32 [tilespmem:s19], [sflag:$0x1], $0x4, s21, s18, $0xb8;
	[tilespmem:$0x3960] =	vst v63  }
.Ltmp0:
0x3e: {  	_ = 	snop;
	(pc) =	sbr.rel @!p2 .LBB2_3-.Ltmp0, $4  }
0x3f: {  	_ =	swait.ge [sflag:s22], $0x200  }
0x40: {  	[sflag:s22] =	ssyncset.done $0x0  }
0x41: {  	s26 =	sadd.s32 $0xFFFFFFFF, s5;
	s25 =	simm.s32 $0x200;
	[sflag:s22] =	ssyncadd.s32 $0xFFFFFE00  }
0x42: {  	[spmem:s1] =	stream.indirect.scatter.add.f32 [tilespmem:s19], [sflag:$0x1], $0x4, s25, s18, $0xb8;
	[tilespmem:$0x3960] =	vst v63  }
.LBB2_2:
0x43: {  	_ =	swait.ge [sflag:s22], $0x200;
	p2 =	sne.s32 s26, $0x1  }
.Ltmp1:
0x44: {  	(pc) =	sbr.rel @p2 .LBB2_2-.Ltmp1, $4  }
0x45: {  	_ = 	snop  }
0x46: {  	s25 =	sadd.s32 $0x80, s25;
	[sflag:s22] =	ssyncset.done $0x0  }
0x47: {  	s26 =	sadd.s32 $0xFFFFFFFF, s26;
	[sflag:s22] =	ssyncadd.s32 $0xFFFFFE00  }
0x48: {  	[spmem:s1] =	stream.indirect.scatter.add.f32 [tilespmem:s19], [sflag:$0x1], $0x4, s25, s18, $0xb8;
	[tilespmem:$0x3960] =	vst v63  }
.LBB2_3:
0x49: {  	_ =	swait.ge [sflag:s22], $0x200  }
0x4a: {  	[sflag:s22] =	ssyncset.done $0x0  }
0x4b: {  	[sflag:s22] =	ssyncadd.s32 $0xFFFFFE00  }
0x4c: {  	_ =	swait.ge [sflag:s22], $0x200  }
0x4d: {  	[sflag:s22] =	ssyncset.done $0x0  }
0x4e: {  	[sflag:s22] =	ssyncadd.s32 $0xFFFFFE00  }
0x4f: {  	_ =	swait.ge [sflag:s22], $0x200  }
0x50: {  	[sflag:s22] =	ssyncset.done $0x0  }
0x51: {  	[sflag:s22] =	ssyncadd.s32 $0xFFFFFE00  }
0x52: {  	_ =	swait.ge [sflag:s22], $0x200  }
0x53: {  	[sflag:s22] =	ssyncset.done $0x0  }
0x54: {  	[sflag:s22] =	ssyncadd.s32 $0xFFFFFE00  }
0x55: {  	s25 =	simm.s32 @p1 $0x1FC2;
	[bflag:$0x0] =	sbarrier.arrive $0xFFFF  }
0x56: {  	[hbm:s14], [sflag:s25] =	dma.local @p1 [spmem:s23], $0x208  }
0x57: {  	s25 =	simm.s32 @p1 $0x2  }
0x58: {  	s24 =	sadd.s32 $0x1, s24;
	_ =	swait.ge @p1 [sflag:s25], $0x208  }
0x59: {  	s26 =	sshll.u32 @!p1 s2, $0x6;
	p2 =	sne.s32 s24, s15;
	[sflag:s25] =	ssyncset.done @p1 $0x0  }
0x5a: {  	[sflag:s25] =	ssyncadd.s32 @p1 $0xFFFFFDF8;
	s25 =	sor.u32 @!p1 $0x1C02, s26;
	s26 =	sshrl.u32 @!p1 s8, $0x3  }
0x5b: {  	[hbm:s13], [sflag:s25] =	dma.local @!p1 [spmem:s26], $0x278  }
.Ltmp2:
0x5c: {  	_ = 	snop;
	(pc) =	sbr.rel @p2 .LBB2_1-.Ltmp2, $4  }
0x5d: {  	s25 =	simm.s32 @!p1 $0x2  }
0x5e: {  	_ =	swait.ge @!p1 [sflag:s25], $0x278  }
0x5f: {  	[sflag:s25] =	ssyncset.done @!p1 $0x0  }
0x60: {  	[sflag:s25] =	ssyncadd.s32 @!p1 $0xFFFFFD88  }
0x61: {  	_ =	sfence.sel $0x180000  }
0x62: {  	[bflag:$0x0] =	sbarrier.arrive $0xFFFF  }
0x63: {  	p0 =	sne.s32 s2, $0x0;
	_ =	strace $0x90000047  }
0x64: {  	s0 =	sadd.s32 @!p0 $0x100000, s0;
	[bflag:$0x2] =	sbarrier.arrive $0xFFFF  }
0x65: {  	[sflag:s0] =	ssyncadd.tile.s32 @!p0 $0x1;
	_ =	shalt  }
.Lfunc_end2:
_tile_overlayer_lowered:
.L_overlay_start_2:
0x66: {  	(tag) =	ssettag $0x2  }
0x67: {  	s0 =	rddreg [dreg:$0x0];
	s2 =	stileid.u32  }
0x68: {  	s1 =	rddreg [dreg:$0x1];
	p0 =	sne.s32 s2, $0x0  }
0x69: {  	s3 =	rddreg [dreg:$0x2];
	[bflag:$0x3] =	sbarrier.arrive $0xFFFF;
	s2 =	simm.s32 @!p0 $0x1C02  }
0x6a: {  	[timem:s3], [sflag:s2] =	dma.local @!p0 [hbm:s0], s1  }
0x6b: {  	s0 =	simm.s32 @!p0 $0x2  }
0x6c: {  	_ =	swait.ge @!p0 [sflag:s0], s1  }
0x6d: {  	s1 =	ssub.s32 @!p0 $0x0, s1;
	[sflag:s0] =	ssyncset.done @!p0 $0x0  }
0x6e: {  	[sflag:s0] =	ssyncadd.s32 @!p0 s1  }
0x6f: {  	[bflag:$0x3] =	sbarrier.arrive $0xFFFF  }
0x70: {  	_ =	shalt  }

</sc_bundles>
